<compile_context>
chip_gen: v7x
topology: tpu7x:2x2x1
jax: 0.10.2.dev20260603
libtpu: 0.0.44.dev20260713+nightly
codegen_flags: <defaults>
</compile_context>

<pallas_src>
import functools

import jax
import jax.numpy as jnp
from jax import lax
from jax.experimental import pallas as pl
from jax.experimental.pallas import tpu as pltpu
from jax.experimental.pallas import tpu_sc as plsc

_B, _A = 16, 8732
_SIZE = 300.0
_APAD = 8832
_BLK = 1152
_NVB = _BLK // 16
_LAST = _APAD - _BLK
_SKIP = 8064 - _LAST
_NW = 32

_mesh = plsc.VectorSubcoreMesh(core_axis_name="c", subcore_axis_name="s")


@functools.partial(
    pl.kernel,
    out_type=jax.ShapeDtypeStruct((_NW, 16), jnp.float32),
    mesh=_mesh,
    compiler_params=pltpu.CompilerParams(needs_layout_passes=False),
    scratch_types=[
        pltpu.VMEM((_B, _BLK), jnp.float32),
        pltpu.VMEM((_B, _BLK), jnp.float32),
        pltpu.VMEM((_B, _BLK), jnp.int32),
        pltpu.VMEM((_BLK,), jnp.float32),
        pltpu.VMEM((16,), jnp.float32),
        pltpu.SemaphoreType.DMA,
    ],
)
def _masked_huber_sum(x_hbm, t_hbm, c_hbm, a_hbm, out_hbm,
                      x_v, t_v, c_v, a_v, vec_v, sem):
    cid = lax.axis_index("c")
    sid = lax.axis_index("s")
    w = sid * 2 + cid
    cc = w % 4
    wa = w // 4
    s0 = jnp.minimum(wa * _BLK, _LAST)
    lo_v = jnp.where(wa == 7, _SKIP // 16, 0)

    _C1 = 640
    half1 = [
        pltpu.async_copy(x_hbm.at[cc, :, pl.ds(s0, _C1)],
                         x_v.at[:, pl.ds(0, _C1)], sem),
        pltpu.async_copy(t_hbm.at[cc, :, pl.ds(s0, _C1)],
                         t_v.at[:, pl.ds(0, _C1)], sem),
        pltpu.async_copy(c_hbm.at[:, pl.ds(s0, _C1)],
                         c_v.at[:, pl.ds(0, _C1)], sem),
        pltpu.async_copy(a_hbm.at[cc, 0, pl.ds(s0, _BLK)], a_v, sem),
    ]
    half2 = [
        pltpu.async_copy(x_hbm.at[cc, :, pl.ds(s0 + _C1, _BLK - _C1)],
                         x_v.at[:, pl.ds(_C1, _BLK - _C1)], sem),
        pltpu.async_copy(t_hbm.at[cc, :, pl.ds(s0 + _C1, _BLK - _C1)],
                         t_v.at[:, pl.ds(_C1, _BLK - _C1)], sem),
        pltpu.async_copy(c_hbm.at[:, pl.ds(s0 + _C1, _BLK - _C1)],
                         c_v.at[:, pl.ds(_C1, _BLK - _C1)], sem),
    ]

    def contrib(b, sv, av):
        xv = x_v[b, pl.ds(sv, 16)]
        tv = t_v[b, pl.ds(sv, 16)]
        cv = c_v[b, pl.ds(sv, 16)]
        p = jnp.minimum(jnp.maximum(xv + av, 0.0), _SIZE)
        d = p - tv
        ad = jnp.abs(d)
        u = jnp.minimum(ad, 1.0)
        val = u * (ad - 0.5 * u)
        return jnp.where(cv != 20, val, 0.0)

    def vbody(v, accs):
        sv = v * 16
        av = a_v[pl.ds(sv, 16)]
        accs = list(accs)
        for b in range(_B):
            accs[b % 4] = accs[b % 4] + contrib(b, sv, av)
        return tuple(accs)

    z = jnp.zeros((16,), jnp.float32)
    for cp in half1:
        cp.wait()
    accs = lax.fori_loop(lo_v, _C1 // 16, vbody, (z, z, z, z))
    for cp in half2:
        cp.wait()
    accs = lax.fori_loop(_C1 // 16, _NVB, vbody, accs)

    vec_v[...] = accs[0] + accs[1] + accs[2] + accs[3]
    pltpu.sync_copy(vec_v, out_hbm.at[w])


def kernel(inputs, gt_bbs, gt_cats, anchor_boxes):
    pad = _APAD - _A
    x = jnp.pad(inputs.transpose(2, 0, 1), ((0, 0), (0, 0), (0, pad)))
    t = jnp.pad(gt_bbs.transpose(2, 0, 1), ((0, 0), (0, 0), (0, pad)))
    c = jnp.pad(gt_cats, ((0, 0), (0, pad)), constant_values=20)
    a = jnp.pad(anchor_boxes.transpose(1, 0), ((0, 0), (0, pad)))
    a = a.reshape(4, 1, _APAD)
    partials = _masked_huber_sum(x, t, c, a)
    return jnp.sum(partials)

# --- scband reference (transcript-rebuilt; emitter-appended) ---
"""Pipeline reference for scband-bbs-l1-loss-25967372272340 (READ-ONLY COPY).

The authoritative reference and input builder live on the scoring server;
editing this copy changes nothing except your own understanding.
"""

import jax, jax.numpy as jnp
import numpy as np

SIZE = 300
B, A = 16, 8732


def setup_inputs(seed: int = 0) -> dict:
    key = jax.random.key(seed)
    k1, k2, k3, k4 = jax.random.split(key, 4)
    inputs = jax.random.normal(k1, (B, A, 4), dtype=jnp.float32) * 5.0
    gt_bbs = jax.random.uniform(k2, (B, A, 4), dtype=jnp.float32) * SIZE
    gt_cats = jax.random.randint(k3, (B, A), 0, 21, dtype=jnp.int32)
    # TensorBboxer.get_stacked_anchor_boxes() equivalent: fixed anchor grid in pixel coords
    anchor_boxes = jax.random.uniform(k4, (A, 4), dtype=jnp.float32) * SIZE
    return {"inputs": inputs, "gt_bbs": gt_bbs, "gt_cats": gt_cats, "anchor_boxes": anchor_boxes}


def _smooth_l1_sum(x, t):
    # F.smooth_l1_loss with beta=1.0, reduction='sum'
    d = x - t
    ad = jnp.abs(d)
    return jnp.sum(jnp.where(ad < 1.0, 0.5 * d * d, ad - 0.5))


def reference(inputs, gt_bbs, gt_cats, anchor_boxes):
    # preds_w_offsets = stacked_anchor_boxes + preds (broadcast over batch)
    preds_w_offsets = anchor_boxes[None, :, :] + inputs
    # gt_idxs = gt_cats != 20 (20 = background class)
    mask = gt_cats != 20
    tgt = gt_bbs.astype(preds_w_offsets.dtype)
    sel = jnp.clip(preds_w_offsets, 0.0, float(SIZE))
    sel = jnp.where(mask[..., None], sel, tgt)
    return _smooth_l1_sum(sel, tgt)

if __name__ == "__main__":
    import jax
    _d = setup_inputs()
    print(jax.jit(kernel)(*tuple(_d.values())))

</pallas_src>

<mosaic_0001>
#map = affine_map<(d0, d1) -> (0, 0, 0)>
#map1 = affine_map<(d0, d1) -> (0, 0)>
module attributes {stable_mosaic.version = 14 : i64} {
  func.func @_masked_huber_sum(%arg0: i32, %arg1: i32, %arg2: memref<4x16x8832xf32, #tpu.memory_space<hbm>>, %arg3: memref<4x16x8832xf32, #tpu.memory_space<hbm>>, %arg4: memref<16x8832xi32, #tpu.memory_space<hbm>>, %arg5: memref<4x1x8832xf32, #tpu.memory_space<hbm>>, %arg6: memref<32x16xf32, #tpu.memory_space<hbm>>, %arg7: memref<16x1152xf32, #tpu.memory_space<vmem>>, %arg8: memref<16x1152xf32, #tpu.memory_space<vmem>>, %arg9: memref<16x1152xi32, #tpu.memory_space<vmem>>, %arg10: memref<1152xf32, #tpu.memory_space<vmem>>, %arg11: memref<16xf32, #tpu.memory_space<vmem>>, %arg12: memref<!tpu.dma_semaphore, #tpu.memory_space<semaphore_mem>>) attributes {dimension_semantics = [#tpu.dimension_semantics<core_parallel>, #tpu.dimension_semantics<subcore_parallel>], iteration_bounds = array<i64: 2, 16>, scalar_prefetch = 0 : i64, scratch_operands = 6 : i64, tpu.core_type = #tpu.core_type<sc_vector_subcore>, window_params = [{transform_indices = #map}, {transform_indices = #map}, {transform_indices = #map1}, {transform_indices = #map}, {transform_indices = #map1}]} {
    %mul3A = arith.constant 2 : i32
    %mul3A_0 = arith.muli %arg1, %mul3A : i32
    %add3A = arith.addi %mul3A_0, %arg0 : i32
    %jit3A = arith.constant 4 : i32
    %eq3A = arith.constant 0 : i32
    %eq3A_1 = arith.cmpi eq, %jit3A, %eq3A : i32
    %jit3A_2 = arith.constant 1 : i32
    %select_n3A = arith.select %eq3A_1, %jit3A_2, %jit3A : i32
    %rem3A = arith.remsi %add3A, %select_n3A : i32
    %ne3A = arith.constant 0 : i32
    %ne3A_3 = arith.cmpi ne, %rem3A, %ne3A : i32
    %lt3A = arith.constant 0 : i32
    %lt3A_4 = arith.cmpi slt, %rem3A, %lt3A : i32
    %lt3A_5 = arith.constant 0 : i32
    %lt3A_6 = arith.cmpi slt, %select_n3A, %lt3A_5 : i32
    %ne3A_7 = arith.xori %lt3A_4, %lt3A_6 : i1
    %and3A = arith.andi %ne3A_7, %ne3A_3 : i1
    %add3A_8 = arith.addi %rem3A, %select_n3A : i32
    %select_n3A_9 = arith.select %and3A, %add3A_8, %rem3A : i32
    %jit3A_10 = arith.constant 4 : i32
    %div3A = arith.divsi %add3A, %jit3A_10 : i32
    %sign3A = arith.constant 0 : i32
    %sign3A_11 = arith.cmpi sgt, %add3A, %sign3A : i32
    %sign3A_12 = arith.extui %sign3A_11 : i1 to i32
    %sign3A_13 = arith.constant 0 : i32
    %sign3A_14 = arith.cmpi slt, %add3A, %sign3A_13 : i32
    %sign3A_15 = arith.extui %sign3A_14 : i1 to i32
    %sign3A_16 = arith.subi %sign3A_12, %sign3A_15 : i32
    %sign3A_17 = arith.constant 0 : i32
    %sign3A_18 = arith.cmpi sgt, %jit3A_10, %sign3A_17 : i32
    %sign3A_19 = arith.extui %sign3A_18 : i1 to i32
    %sign3A_20 = arith.constant 0 : i32
    %sign3A_21 = arith.cmpi slt, %jit3A_10, %sign3A_20 : i32
    %sign3A_22 = arith.extui %sign3A_21 : i1 to i32
    %sign3A_23 = arith.subi %sign3A_19, %sign3A_22 : i32
    %ne3A_24 = arith.cmpi ne, %sign3A_16, %sign3A_23 : i32
    %rem3A_25 = arith.remsi %add3A, %jit3A_10 : i32
    %ne3A_26 = arith.constant 0 : i32
    %ne3A_27 = arith.cmpi ne, %rem3A_25, %ne3A_26 : i32
    %and3A_28 = arith.andi %ne3A_24, %ne3A_27 : i1
    %sub3A = arith.constant 1 : i32
    %sub3A_29 = arith.subi %div3A, %sub3A : i32
    %select_n3A_30 = arith.select %and3A_28, %sub3A_29, %div3A : i32
    %mul3A_31 = arith.constant 1152 : i32
    %mul3A_32 = arith.muli %select_n3A_30, %mul3A_31 : i32
    %min3A = arith.constant 7680 : i32
    %min3A_33 = arith.minsi %mul3A_32, %min3A : i32
    %eq3A_34 = arith.constant 7 : i32
    %eq3A_35 = arith.cmpi eq, %select_n3A_30, %eq3A_34 : i32
    %jit3A_36 = arith.constant 24 : i32
    %jit3A_37 = arith.constant 0 : i32
    %select_n3A_38 = arith.select %eq3A_35, %jit3A_36, %jit3A_37 : i32
    %dma_start3A = arith.constant 0 : i32
    %dma_start3A_39 = arith.constant 0 : i32
    %dma_start3A_40 = tpu.memref_slice %arg7[%dma_start3A, %dma_start3A_39] : memref<16x1152xf32, #tpu.memory_space<vmem>> -> memref<16x640xf32, #tpu.memory_space<vmem>>
    %dma_start3A_41 = arith.constant 0 : i32
    %dma_start3A_42 = tpu.memref_slice %arg2[%select_n3A_9, %dma_start3A_41, %min3A_33] : memref<4x16x8832xf32, #tpu.memory_space<hbm>> -> memref<1x16x640xf32, #tpu.memory_space<hbm>>
    %dma_start3A_43 = tpu.memref_squeeze %dma_start3A_42 : memref<1x16x640xf32, #tpu.memory_space<hbm>> -> memref<16x640xf32, #tpu.memory_space<hbm>>
    %dma_start3A_44 = arith.constant 0 : i32
    %dma_start3A_45 = arith.constant 0 : i32
    %dma_start3A_46 = tpu.memref_slice %arg7[%dma_start3A_44, %dma_start3A_45] : memref<16x1152xf32, #tpu.memory_space<vmem>> -> memref<16x640xf32, #tpu.memory_space<vmem>>
    %dma_start3A_47 = arith.constant 0 : i32
    %dma_start3A_48 = tpu.memref_slice %arg2[%select_n3A_9, %dma_start3A_47, %min3A_33] : memref<4x16x8832xf32, #tpu.memory_space<hbm>> -> memref<1x16x640xf32, #tpu.memory_space<hbm>>
    %dma_start3A_49 = tpu.memref_squeeze %dma_start3A_48 : memref<1x16x640xf32, #tpu.memory_space<hbm>> -> memref<16x640xf32, #tpu.memory_space<hbm>>
    tpu.enqueue_dma source(%dma_start3A_49 : memref<16x640xf32, #tpu.memory_space<hbm>>) target(%dma_start3A_46 : memref<16x640xf32, #tpu.memory_space<vmem>>) target_semaphore(%arg12 : memref<!tpu.dma_semaphore, #tpu.memory_space<semaphore_mem>>)
    %dma_start3A_50 = arith.constant 0 : i32
    %dma_start3A_51 = arith.constant 0 : i32
    %dma_start3A_52 = tpu.memref_slice %arg8[%dma_start3A_50, %dma_start3A_51] : memref<16x1152xf32, #tpu.memory_space<vmem>> -> memref<16x640xf32, #tpu.memory_space<vmem>>
    %dma_start3A_53 = arith.constant 0 : i32
    %dma_start3A_54 = tpu.memref_slice %arg3[%select_n3A_9, %dma_start3A_53, %min3A_33] : memref<4x16x8832xf32, #tpu.memory_space<hbm>> -> memref<1x16x640xf32, #tpu.memory_space<hbm>>
    %dma_start3A_55 = tpu.memref_squeeze %dma_start3A_54 : memref<1x16x640xf32, #tpu.memory_space<hbm>> -> memref<16x640xf32, #tpu.memory_space<hbm>>
    %dma_start3A_56 = arith.constant 0 : i32
    %dma_start3A_57 = arith.constant 0 : i32
    %dma_start3A_58 = tpu.memref_slice %arg8[%dma_start3A_56, %dma_start3A_57] : memref<16x1152xf32, #tpu.memory_space<vmem>> -> memref<16x640xf32, #tpu.memory_space<vmem>>
    %dma_start3A_59 = arith.constant 0 : i32
    %dma_start3A_60 = tpu.memref_slice %arg3[%select_n3A_9, %dma_start3A_59, %min3A_33] : memref<4x16x8832xf32, #tpu.memory_space<hbm>> -> memref<1x16x640xf32, #tpu.memory_space<hbm>>
    %dma_start3A_61 = tpu.memref_squeeze %dma_start3A_60 : memref<1x16x640xf32, #tpu.memory_space<hbm>> -> memref<16x640xf32, #tpu.memory_space<hbm>>
    tpu.enqueue_dma source(%dma_start3A_61 : memref<16x640xf32, #tpu.memory_space<hbm>>) target(%dma_start3A_58 : memref<16x640xf32, #tpu.memory_space<vmem>>) target_semaphore(%arg12 : memref<!tpu.dma_semaphore, #tpu.memory_space<semaphore_mem>>)
    %dma_start3A_62 = arith.constant 0 : i32
    %dma_start3A_63 = arith.constant 0 : i32
    %dma_start3A_64 = tpu.memref_slice %arg9[%dma_start3A_62, %dma_start3A_63] : memref<16x1152xi32, #tpu.memory_space<vmem>> -> memref<16x640xi32, #tpu.memory_space<vmem>>
    %dma_start3A_65 = arith.constant 0 : i32
    %dma_start3A_66 = tpu.memref_slice %arg4[%dma_start3A_65, %min3A_33] : memref<16x8832xi32, #tpu.memory_space<hbm>> -> memref<16x640xi32, #tpu.memory_space<hbm>>
    %dma_start3A_67 = arith.constant 0 : i32
    %dma_start3A_68 = arith.constant 0 : i32
    %dma_start3A_69 = tpu.memref_slice %arg9[%dma_start3A_67, %dma_start3A_68] : memref<16x1152xi32, #tpu.memory_space<vmem>> -> memref<16x640xi32, #tpu.memory_space<vmem>>
    %dma_start3A_70 = arith.constant 0 : i32
    %dma_start3A_71 = tpu.memref_slice %arg4[%dma_start3A_70, %min3A_33] : memref<16x8832xi32, #tpu.memory_space<hbm>> -> memref<16x640xi32, #tpu.memory_space<hbm>>
    tpu.enqueue_dma source(%dma_start3A_71 : memref<16x640xi32, #tpu.memory_space<hbm>>) target(%dma_start3A_69 : memref<16x640xi32, #tpu.memory_space<vmem>>) target_semaphore(%arg12 : memref<!tpu.dma_semaphore, #tpu.memory_space<semaphore_mem>>)
    %dma_start3A_72 = arith.constant 0 : i32
    %dma_start3A_73 = tpu.memref_slice %arg5[%select_n3A_9, %dma_start3A_72, %min3A_33] : memref<4x1x8832xf32, #tpu.memory_space<hbm>> -> memref<1x1x1152xf32, #tpu.memory_space<hbm>>
    %dma_start3A_74 = tpu.memref_squeeze %dma_start3A_73 : memref<1x1x1152xf32, #tpu.memory_space<hbm>> -> memref<1152xf32, #tpu.memory_space<hbm>>
    %dma_start3A_75 = tpu.memref_slice %arg5[%select_n3A_9, %dma_start3A_72, %min3A_33] : memref<4x1x8832xf32, #tpu.memory_space<hbm>> -> memref<1x1x1152xf32, #tpu.memory_space<hbm>>
    %dma_start3A_76 = tpu.memref_squeeze %dma_start3A_75 : memref<1x1x1152xf32, #tpu.memory_space<hbm>> -> memref<1152xf32, #tpu.memory_space<hbm>>
    tpu.enqueue_dma source(%dma_start3A_76 : memref<1152xf32, #tpu.memory_space<hbm>>) target(%arg10 : memref<1152xf32, #tpu.memory_space<vmem>>) target_semaphore(%arg12 : memref<!tpu.dma_semaphore, #tpu.memory_space<semaphore_mem>>)
    %add3A_77 = arith.constant 640 : i32
    %add3A_78 = arith.addi %min3A_33, %add3A_77 : i32
    %dma_start3A_79 = arith.constant 0 : i32
    %dma_start3A_80 = arith.constant 640 : i32
    %dma_start3A_81 = tpu.memref_slice %arg7[%dma_start3A_79, %dma_start3A_80] : memref<16x1152xf32, #tpu.memory_space<vmem>> -> memref<16x512xf32, #tpu.memory_space<vmem>>
    %dma_start3A_82 = arith.constant 0 : i32
    %dma_start3A_83 = tpu.memref_slice %arg2[%select_n3A_9, %dma_start3A_82, %add3A_78] : memref<4x16x8832xf32, #tpu.memory_space<hbm>> -> memref<1x16x512xf32, #tpu.memory_space<hbm>>
    %dma_start3A_84 = tpu.memref_squeeze %dma_start3A_83 : memref<1x16x512xf32, #tpu.memory_space<hbm>> -> memref<16x512xf32, #tpu.memory_space<hbm>>
    %dma_start3A_85 = arith.constant 0 : i32
    %dma_start3A_86 = arith.constant 640 : i32
    %dma_start3A_87 = tpu.memref_slice %arg7[%dma_start3A_85, %dma_start3A_86] : memref<16x1152xf32, #tpu.memory_space<vmem>> -> memref<16x512xf32, #tpu.memory_space<vmem>>
    %dma_start3A_88 = arith.constant 0 : i32
    %dma_start3A_89 = tpu.memref_slice %arg2[%select_n3A_9, %dma_start3A_88, %add3A_78] : memref<4x16x8832xf32, #tpu.memory_space<hbm>> -> memref<1x16x512xf32, #tpu.memory_space<hbm>>
    %dma_start3A_90 = tpu.memref_squeeze %dma_start3A_89 : memref<1x16x512xf32, #tpu.memory_space<hbm>> -> memref<16x512xf32, #tpu.memory_space<hbm>>
    tpu.enqueue_dma source(%dma_start3A_90 : memref<16x512xf32, #tpu.memory_space<hbm>>) target(%dma_start3A_87 : memref<16x512xf32, #tpu.memory_space<vmem>>) target_semaphore(%arg12 : memref<!tpu.dma_semaphore, #tpu.memory_space<semaphore_mem>>)
    %add3A_91 = arith.constant 640 : i32
    %add3A_92 = arith.addi %min3A_33, %add3A_91 : i32
    %dma_start3A_93 = arith.constant 0 : i32
    %dma_start3A_94 = arith.constant 640 : i32
    %dma_start3A_95 = tpu.memref_slice %arg8[%dma_start3A_93, %dma_start3A_94] : memref<16x1152xf32, #tpu.memory_space<vmem>> -> memref<16x512xf32, #tpu.memory_space<vmem>>
    %dma_start3A_96 = arith.constant 0 : i32
    %dma_start3A_97 = tpu.memref_slice %arg3[%select_n3A_9, %dma_start3A_96, %add3A_92] : memref<4x16x8832xf32, #tpu.memory_space<hbm>> -> memref<1x16x512xf32, #tpu.memory_space<hbm>>
    %dma_start3A_98 = tpu.memref_squeeze %dma_start3A_97 : memref<1x16x512xf32, #tpu.memory_space<hbm>> -> memref<16x512xf32, #tpu.memory_space<hbm>>
    %dma_start3A_99 = arith.constant 0 : i32
    %dma_start3A_100 = arith.constant 640 : i32
    %dma_start3A_101 = tpu.memref_slice %arg8[%dma_start3A_99, %dma_start3A_100] : memref<16x1152xf32, #tpu.memory_space<vmem>> -> memref<16x512xf32, #tpu.memory_space<vmem>>
    %dma_start3A_102 = arith.constant 0 : i32
    %dma_start3A_103 = tpu.memref_slice %arg3[%select_n3A_9, %dma_start3A_102, %add3A_92] : memref<4x16x8832xf32, #tpu.memory_space<hbm>> -> memref<1x16x512xf32, #tpu.memory_space<hbm>>
    %dma_start3A_104 = tpu.memref_squeeze %dma_start3A_103 : memref<1x16x512xf32, #tpu.memory_space<hbm>> -> memref<16x512xf32, #tpu.memory_space<hbm>>
    tpu.enqueue_dma source(%dma_start3A_104 : memref<16x512xf32, #tpu.memory_space<hbm>>) target(%dma_start3A_101 : memref<16x512xf32, #tpu.memory_space<vmem>>) target_semaphore(%arg12 : memref<!tpu.dma_semaphore, #tpu.memory_space<semaphore_mem>>)
    %add3A_105 = arith.constant 640 : i32
    %add3A_106 = arith.addi %min3A_33, %add3A_105 : i32
    %dma_start3A_107 = arith.constant 0 : i32
    %dma_start3A_108 = arith.constant 640 : i32
    %dma_start3A_109 = tpu.memref_slice %arg9[%dma_start3A_107, %dma_start3A_108] : memref<16x1152xi32, #tpu.memory_space<vmem>> -> memref<16x512xi32, #tpu.memory_space<vmem>>
    %dma_start3A_110 = arith.constant 0 : i32
    %dma_start3A_111 = tpu.memref_slice %arg4[%dma_start3A_110, %add3A_106] : memref<16x8832xi32, #tpu.memory_space<hbm>> -> memref<16x512xi32, #tpu.memory_space<hbm>>
    %dma_start3A_112 = arith.constant 0 : i32
    %dma_start3A_113 = arith.constant 640 : i32
    %dma_start3A_114 = tpu.memref_slice %arg9[%dma_start3A_112, %dma_start3A_113] : memref<16x1152xi32, #tpu.memory_space<vmem>> -> memref<16x512xi32, #tpu.memory_space<vmem>>
    %dma_start3A_115 = arith.constant 0 : i32
    %dma_start3A_116 = tpu.memref_slice %arg4[%dma_start3A_115, %add3A_106] : memref<16x8832xi32, #tpu.memory_space<hbm>> -> memref<16x512xi32, #tpu.memory_space<hbm>>
    tpu.enqueue_dma source(%dma_start3A_116 : memref<16x512xi32, #tpu.memory_space<hbm>>) target(%dma_start3A_114 : memref<16x512xi32, #tpu.memory_space<vmem>>) target_semaphore(%arg12 : memref<!tpu.dma_semaphore, #tpu.memory_space<semaphore_mem>>)
    %broadcast_in_dim3A = arith.constant 0.000000e+00 : f32
    %broadcast_in_dim3A_117 = vector.broadcast %broadcast_in_dim3A : f32 to vector<16xf32>
    %dma_wait3A = arith.constant 0 : i32
    %dma_wait3A_118 = arith.constant 0 : i32
    %dma_wait3A_119 = tpu.memref_slice %arg7[%dma_wait3A, %dma_wait3A_118] : memref<16x1152xf32, #tpu.memory_space<vmem>> -> memref<16x640xf32, #tpu.memory_space<vmem>>
    %dma_wait3A_120 = arith.constant 0 : i32
    %dma_wait3A_121 = tpu.memref_slice %arg2[%select_n3A_9, %dma_wait3A_120, %min3A_33] : memref<4x16x8832xf32, #tpu.memory_space<hbm>> -> memref<1x16x640xf32, #tpu.memory_space<hbm>>
    %dma_wait3A_122 = tpu.memref_squeeze %dma_wait3A_121 : memref<1x16x640xf32, #tpu.memory_space<hbm>> -> memref<16x640xf32, #tpu.memory_space<hbm>>
    %dma_wait3A_123 = arith.constant 0 : i32
    %dma_wait3A_124 = arith.constant 0 : i32
    %dma_wait3A_125 = tpu.memref_slice %arg7[%dma_wait3A_123, %dma_wait3A_124] : memref<16x1152xf32, #tpu.memory_space<vmem>> -> memref<16x640xf32, #tpu.memory_space<vmem>>
    %dma_wait3A_126 = arith.constant 0 : i32
    %dma_wait3A_127 = tpu.memref_slice %arg2[%select_n3A_9, %dma_wait3A_126, %min3A_33] : memref<4x16x8832xf32, #tpu.memory_space<hbm>> -> memref<1x16x640xf32, #tpu.memory_space<hbm>>
    %dma_wait3A_128 = tpu.memref_squeeze %dma_wait3A_127 : memref<1x16x640xf32, #tpu.memory_space<hbm>> -> memref<16x640xf32, #tpu.memory_space<hbm>>
    tpu.wait_dma2 semaphore(%arg12 : memref<!tpu.dma_semaphore, #tpu.memory_space<semaphore_mem>>) src(%dma_wait3A_128 : memref<16x640xf32, #tpu.memory_space<hbm>>) dst(%dma_wait3A_125 : memref<16x640xf32, #tpu.memory_space<vmem>>)
    %dma_wait3A_129 = arith.constant 0 : i32
    %dma_wait3A_130 = arith.constant 0 : i32
    %dma_wait3A_131 = tpu.memref_slice %arg8[%dma_wait3A_129, %dma_wait3A_130] : memref<16x1152xf32, #tpu.memory_space<vmem>> -> memref<16x640xf32, #tpu.memory_space<vmem>>
    %dma_wait3A_132 = arith.constant 0 : i32
    %dma_wait3A_133 = tpu.memref_slice %arg3[%select_n3A_9, %dma_wait3A_132, %min3A_33] : memref<4x16x8832xf32, #tpu.memory_space<hbm>> -> memref<1x16x640xf32, #tpu.memory_space<hbm>>
    %dma_wait3A_134 = tpu.memref_squeeze %dma_wait3A_133 : memref<1x16x640xf32, #tpu.memory_space<hbm>> -> memref<16x640xf32, #tpu.memory_space<hbm>>
    %dma_wait3A_135 = arith.constant 0 : i32
    %dma_wait3A_136 = arith.constant 0 : i32
    %dma_wait3A_137 = tpu.memref_slice %arg8[%dma_wait3A_135, %dma_wait3A_136] : memref<16x1152xf32, #tpu.memory_space<vmem>> -> memref<16x640xf32, #tpu.memory_space<vmem>>
    %dma_wait3A_138 = arith.constant 0 : i32
    %dma_wait3A_139 = tpu.memref_slice %arg3[%select_n3A_9, %dma_wait3A_138, %min3A_33] : memref<4x16x8832xf32, #tpu.memory_space<hbm>> -> memref<1x16x640xf32, #tpu.memory_space<hbm>>
    %dma_wait3A_140 = tpu.memref_squeeze %dma_wait3A_139 : memref<1x16x640xf32, #tpu.memory_space<hbm>> -> memref<16x640xf32, #tpu.memory_space<hbm>>
    tpu.wait_dma2 semaphore(%arg12 : memref<!tpu.dma_semaphore, #tpu.memory_space<semaphore_mem>>) src(%dma_wait3A_140 : memref<16x640xf32, #tpu.memory_space<hbm>>) dst(%dma_wait3A_137 : memref<16x640xf32, #tpu.memory_space<vmem>>)
    %dma_wait3A_141 = arith.constant 0 : i32
    %dma_wait3A_142 = arith.constant 0 : i32
    %dma_wait3A_143 = tpu.memref_slice %arg9[%dma_wait3A_141, %dma_wait3A_142] : memref<16x1152xi32, #tpu.memory_space<vmem>> -> memref<16x640xi32, #tpu.memory_space<vmem>>
    %dma_wait3A_144 = arith.constant 0 : i32
    %dma_wait3A_145 = tpu.memref_slice %arg4[%dma_wait3A_144, %min3A_33] : memref<16x8832xi32, #tpu.memory_space<hbm>> -> memref<16x640xi32, #tpu.memory_space<hbm>>
    %dma_wait3A_146 = arith.constant 0 : i32
    %dma_wait3A_147 = arith.constant 0 : i32
    %dma_wait3A_148 = tpu.memref_slice %arg9[%dma_wait3A_146, %dma_wait3A_147] : memref<16x1152xi32, #tpu.memory_space<vmem>> -> memref<16x640xi32, #tpu.memory_space<vmem>>
    %dma_wait3A_149 = arith.constant 0 : i32
    %dma_wait3A_150 = tpu.memref_slice %arg4[%dma_wait3A_149, %min3A_33] : memref<16x8832xi32, #tpu.memory_space<hbm>> -> memref<16x640xi32, #tpu.memory_space<hbm>>
    tpu.wait_dma2 semaphore(%arg12 : memref<!tpu.dma_semaphore, #tpu.memory_space<semaphore_mem>>) src(%dma_wait3A_150 : memref<16x640xi32, #tpu.memory_space<hbm>>) dst(%dma_wait3A_148 : memref<16x640xi32, #tpu.memory_space<vmem>>)
    %dma_wait3A_151 = arith.constant 0 : i32
    %dma_wait3A_152 = tpu.memref_slice %arg5[%select_n3A_9, %dma_wait3A_151, %min3A_33] : memref<4x1x8832xf32, #tpu.memory_space<hbm>> -> memref<1x1x1152xf32, #tpu.memory_space<hbm>>
    %dma_wait3A_153 = tpu.memref_squeeze %dma_wait3A_152 : memref<1x1x1152xf32, #tpu.memory_space<hbm>> -> memref<1152xf32, #tpu.memory_space<hbm>>
    %dma_wait3A_154 = tpu.memref_slice %arg5[%select_n3A_9, %dma_wait3A_151, %min3A_33] : memref<4x1x8832xf32, #tpu.memory_space<hbm>> -> memref<1x1x1152xf32, #tpu.memory_space<hbm>>
    %dma_wait3A_155 = tpu.memref_squeeze %dma_wait3A_154 : memref<1x1x1152xf32, #tpu.memory_space<hbm>> -> memref<1152xf32, #tpu.memory_space<hbm>>
    tpu.wait_dma2 semaphore(%arg12 : memref<!tpu.dma_semaphore, #tpu.memory_space<semaphore_mem>>) src(%dma_wait3A_155 : memref<1152xf32, #tpu.memory_space<hbm>>) dst(%arg10 : memref<1152xf32, #tpu.memory_space<vmem>>)
    %while3A = arith.constant 40 : i32
    %while3A_156 = arith.subi %while3A, %select_n3A_38 : i32
    %while3A_157 = arith.addi %select_n3A_38, %while3A_156 : i32
    %while3A_158 = arith.constant 1 : i32
    %while3A_159 = arith.divsi %while3A_156, %while3A_158 : i32
    %while3A_160 = arith.muli %while3A_159, %while3A_158 : i32
    %while3A_161 = arith.addi %select_n3A_38, %while3A_160 : i32
    %while3A_162 = arith.constant 1 : i32
    %while3A_163:4 = scf.for %while3A_209 = %select_n3A_38 to %while3A_161 step %while3A_162 iter_args(%while3A_210 = %broadcast_in_dim3A_117, %while3A_211 = %broadcast_in_dim3A_117, %while3A_212 = %broadcast_in_dim3A_117, %while3A_213 = %broadcast_in_dim3A_117) -> (vector<16xf32>, vector<16xf32>, vector<16xf32>, vector<16xf32>)  : i32 {
      %mul3A_214 = arith.constant 16 : i32
      %mul3A_215 = arith.muli %while3A_209, %mul3A_214 : i32
      %get3A = arith.index_cast %mul3A_215 : i32 to index
      %get3A_216 = tpu.vector_load %arg10[%get3A] {strides = array<i32>} : memref<1152xf32, #tpu.memory_space<vmem>>, vector<16xf32>,
      %get3A_217 = arith.constant 0 : i32
      %get3A_218 = arith.index_cast %get3A_217 : i32 to index
      %get3A_219 = arith.index_cast %mul3A_215 : i32 to index
      %get3A_220 = tpu.vector_load %arg7[%get3A_218, %get3A_219] {strides = array<i32>} : memref<16x1152xf32, #tpu.memory_space<vmem>>, vector<16xf32>,
      %get3A_221 = arith.constant 0 : i32
      %get3A_222 = arith.index_cast %get3A_221 : i32 to index
      %get3A_223 = arith.index_cast %mul3A_215 : i32 to index
      %get3A_224 = tpu.vector_load %arg8[%get3A_222, %get3A_223] {strides = array<i32>} : memref<16x1152xf32, #tpu.memory_space<vmem>>, vector<16xf32>,
      %get3A_225 = arith.constant 0 : i32
      %get3A_226 = arith.index_cast %get3A_225 : i32 to index
      %get3A_227 = arith.index_cast %mul3A_215 : i32 to index
      %get3A_228 = tpu.vector_load %arg9[%get3A_226, %get3A_227] {strides = array<i32>} : memref<16x1152xi32, #tpu.memory_space<vmem>>, vector<16xi32>,
      %add3A_229 = arith.addf %get3A_220, %get3A_216 : vector<16xf32>
      %max3A = arith.constant 0.000000e+00 : f32
      %max3A_230 = vector.broadcast %max3A : f32 to vector<16xf32>
      %max3A_231 = arith.maximumf %add3A_229, %max3A_230 : vector<16xf32>
      %min3A_232 = arith.constant 3.000000e+02 : f32
      %min3A_233 = vector.broadcast %min3A_232 : f32 to vector<16xf32>
      %min3A_234 = arith.minimumf %max3A_231, %min3A_233 : vector<16xf32>
      %sub3A_235 = arith.subf %min3A_234, %get3A_224 : vector<16xf32>
      %abs3A = math.absf %sub3A_235 : vector<16xf32>
      %min3A_236 = arith.constant 1.000000e+00 : f32
      %min3A_237 = vector.broadcast %min3A_236 : f32 to vector<16xf32>
      %min3A_238 = arith.minimumf %abs3A, %min3A_237 : vector<16xf32>
      %mul3A_239 = arith.constant 5.000000e-01 : f32
      %mul3A_240 = vector.broadcast %mul3A_239 : f32 to vector<16xf32>
      %mul3A_241 = arith.mulf %mul3A_240, %min3A_238 : vector<16xf32>
      %sub3A_242 = arith.subf %abs3A, %mul3A_241 : vector<16xf32>
      %mul3A_243 = arith.mulf %min3A_238, %sub3A_242 : vector<16xf32>
      %ne3A_244 = arith.constant 20 : i32
      %ne3A_245 = vector.broadcast %ne3A_244 : i32 to vector<16xi32>
      %ne3A_246 = arith.cmpi ne, %get3A_228, %ne3A_245 : vector<16xi32>
      %jit3A_247 = arith.constant 0.000000e+00 : f32
      %broadcast_in_dim3A_248 = vector.broadcast %jit3A_247 : f32 to vector<16xf32>
      %select_n3A_249 = arith.select %ne3A_246, %mul3A_243, %broadcast_in_dim3A_248 : vector<16xi1>, vector<16xf32>
      %add3A_250 = arith.addf %while3A_210, %select_n3A_249 : vector<16xf32>
      %get3A_251 = arith.constant 1 : i32
      %get3A_252 = arith.index_cast %get3A_251 : i32 to index
      %get3A_253 = arith.index_cast %mul3A_215 : i32 to index
      %get3A_254 = tpu.vector_load %arg7[%get3A_252, %get3A_253] {strides = array<i32>} : memref<16x1152xf32, #tpu.memory_space<vmem>>, vector<16xf32>,
      %get3A_255 = arith.constant 1 : i32
      %get3A_256 = arith.index_cast %get3A_255 : i32 to index
      %get3A_257 = arith.index_cast %mul3A_215 : i32 to index
      %get3A_258 = tpu.vector_load %arg8[%get3A_256, %get3A_257] {strides = array<i32>} : memref<16x1152xf32, #tpu.memory_space<vmem>>, vector<16xf32>,
      %get3A_259 = arith.constant 1 : i32
      %get3A_260 = arith.index_cast %get3A_259 : i32 to index
      %get3A_261 = arith.index_cast %mul3A_215 : i32 to index
      %get3A_262 = tpu.vector_load %arg9[%get3A_260, %get3A_261] {strides = array<i32>} : memref<16x1152xi32, #tpu.memory_space<vmem>>, vector<16xi32>,
      %add3A_263 = arith.addf %get3A_254, %get3A_216 : vector<16xf32>
      %max3A_264 = arith.constant 0.000000e+00 : f32
      %max3A_265 = vector.broadcast %max3A_264 : f32 to vector<16xf32>
      %max3A_266 = arith.maximumf %add3A_263, %max3A_265 : vector<16xf32>
      %min3A_267 = arith.constant 3.000000e+02 : f32
      %min3A_268 = vector.broadcast %min3A_267 : f32 to vector<16xf32>
      %min3A_269 = arith.minimumf %max3A_266, %min3A_268 : vector<16xf32>
      %sub3A_270 = arith.subf %min3A_269, %get3A_258 : vector<16xf32>
      %abs3A_271 = math.absf %sub3A_270 : vector<16xf32>
      %min3A_272 = arith.constant 1.000000e+00 : f32
      %min3A_273 = vector.broadcast %min3A_272 : f32 to vector<16xf32>
      %min3A_274 = arith.minimumf %abs3A_271, %min3A_273 : vector<16xf32>
      %mul3A_275 = arith.constant 5.000000e-01 : f32
      %mul3A_276 = vector.broadcast %mul3A_275 : f32 to vector<16xf32>
      %mul3A_277 = arith.mulf %mul3A_276, %min3A_274 : vector<16xf32>
      %sub3A_278 = arith.subf %abs3A_271, %mul3A_277 : vector<16xf32>
      %mul3A_279 = arith.mulf %min3A_274, %sub3A_278 : vector<16xf32>
      %ne3A_280 = arith.constant 20 : i32
      %ne3A_281 = vector.broadcast %ne3A_280 : i32 to vector<16xi32>
      %ne3A_282 = arith.cmpi ne, %get3A_262, %ne3A_281 : vector<16xi32>
      %jit3A_283 = arith.constant 0.000000e+00 : f32
      %broadcast_in_dim3A_284 = vector.broadcast %jit3A_283 : f32 to vector<16xf32>
      %select_n3A_285 = arith.select %ne3A_282, %mul3A_279, %broadcast_in_dim3A_284 : vector<16xi1>, vector<16xf32>
      %add3A_286 = arith.addf %while3A_211, %select_n3A_285 : vector<16xf32>
      %get3A_287 = arith.constant 2 : i32
      %get3A_288 = arith.index_cast %get3A_287 : i32 to index
      %get3A_289 = arith.index_cast %mul3A_215 : i32 to index
      %get3A_290 = tpu.vector_load %arg7[%get3A_288, %get3A_289] {strides = array<i32>} : memref<16x1152xf32, #tpu.memory_space<vmem>>, vector<16xf32>,
      %get3A_291 = arith.constant 2 : i32
      %get3A_292 = arith.index_cast %get3A_291 : i32 to index
      %get3A_293 = arith.index_cast %mul3A_215 : i32 to index
      %get3A_294 = tpu.vector_load %arg8[%get3A_292, %get3A_293] {strides = array<i32>} : memref<16x1152xf32, #tpu.memory_space<vmem>>, vector<16xf32>,
      %get3A_295 = arith.constant 2 : i32
      %get3A_296 = arith.index_cast %get3A_295 : i32 to index
      %get3A_297 = arith.index_cast %mul3A_215 : i32 to index
      %get3A_298 = tpu.vector_load %arg9[%get3A_296, %get3A_297] {strides = array<i32>} : memref<16x1152xi32, #tpu.memory_space<vmem>>, vector<16xi32>,
      %add3A_299 = arith.addf %get3A_290, %get3A_216 : vector<16xf32>
      %max3A_300 = arith.constant 0.000000e+00 : f32
      %max3A_301 = vector.broadcast %max3A_300 : f32 to vector<16xf32>
      %max3A_302 = arith.maximumf %add3A_299, %max3A_301 : vector<16xf32>
      %min3A_303 = arith.constant 3.000000e+02 : f32
      %min3A_304 = vector.broadcast %min3A_303 : f32 to vector<16xf32>
      %min3A_305 = arith.minimumf %max3A_302, %min3A_304 : vector<16xf32>
      %sub3A_306 = arith.subf %min3A_305, %get3A_294 : vector<16xf32>
      %abs3A_307 = math.absf %sub3A_306 : vector<16xf32>
      %min3A_308 = arith.constant 1.000000e+00 : f32
      %min3A_309 = vector.broadcast %min3A_308 : f32 to vector<16xf32>
      %min3A_310 = arith.minimumf %abs3A_307, %min3A_309 : vector<16xf32>
      %mul3A_311 = arith.constant 5.000000e-01 : f32
      %mul3A_312 = vector.broadcast %mul3A_311 : f32 to vector<16xf32>
      %mul3A_313 = arith.mulf %mul3A_312, %min3A_310 : vector<16xf32>
      %sub3A_314 = arith.subf %abs3A_307, %mul3A_313 : vector<16xf32>
      %mul3A_315 = arith.mulf %min3A_310, %sub3A_314 : vector<16xf32>
      %ne3A_316 = arith.constant 20 : i32
      %ne3A_317 = vector.broadcast %ne3A_316 : i32 to vector<16xi32>
      %ne3A_318 = arith.cmpi ne, %get3A_298, %ne3A_317 : vector<16xi32>
      %jit3A_319 = arith.constant 0.000000e+00 : f32
      %broadcast_in_dim3A_320 = vector.broadcast %jit3A_319 : f32 to vector<16xf32>
      %select_n3A_321 = arith.select %ne3A_318, %mul3A_315, %broadcast_in_dim3A_320 : vector<16xi1>, vector<16xf32>
      %add3A_322 = arith.addf %while3A_212, %select_n3A_321 : vector<16xf32>
      %get3A_323 = arith.constant 3 : i32
      %get3A_324 = arith.index_cast %get3A_323 : i32 to index
      %get3A_325 = arith.index_cast %mul3A_215 : i32 to index
      %get3A_326 = tpu.vector_load %arg7[%get3A_324, %get3A_325] {strides = array<i32>} : memref<16x1152xf32, #tpu.memory_space<vmem>>, vector<16xf32>,
      %get3A_327 = arith.constant 3 : i32
      %get3A_328 = arith.index_cast %get3A_327 : i32 to index
      %get3A_329 = arith.index_cast %mul3A_215 : i32 to index
      %get3A_330 = tpu.vector_load %arg8[%get3A_328, %get3A_329] {strides = array<i32>} : memref<16x1152xf32, #tpu.memory_space<vmem>>, vector<16xf32>,
      %get3A_331 = arith.constant 3 : i32
      %get3A_332 = arith.index_cast %get3A_331 : i32 to index
      %get3A_333 = arith.index_cast %mul3A_215 : i32 to index
      %get3A_334 = tpu.vector_load %arg9[%get3A_332, %get3A_333] {strides = array<i32>} : memref<16x1152xi32, #tpu.memory_space<vmem>>, vector<16xi32>,
      %add3A_335 = arith.addf %get3A_326, %get3A_216 : vector<16xf32>
      %max3A_336 = arith.constant 0.000000e+00 : f32
      %max3A_337 = vector.broadcast %max3A_336 : f32 to vector<16xf32>
      %max3A_338 = arith.maximumf %add3A_335, %max3A_337 : vector<16xf32>
      %min3A_339 = arith.constant 3.000000e+02 : f32
      %min3A_340 = vector.broadcast %min3A_339 : f32 to vector<16xf32>
      %min3A_341 = arith.minimumf %max3A_338, %min3A_340 : vector<16xf32>
      %sub3A_342 = arith.subf %min3A_341, %get3A_330 : vector<16xf32>
      %abs3A_343 = math.absf %sub3A_342 : vector<16xf32>
      %min3A_344 = arith.constant 1.000000e+00 : f32
      %min3A_345 = vector.broadcast %min3A_344 : f32 to vector<16xf32>
      %min3A_346 = arith.minimumf %abs3A_343, %min3A_345 : vector<16xf32>
      %mul3A_347 = arith.constant 5.000000e-01 : f32
      %mul3A_348 = vector.broadcast %mul3A_347 : f32 to vector<16xf32>
      %mul3A_349 = arith.mulf %mul3A_348, %min3A_346 : vector<16xf32>
      %sub3A_350 = arith.subf %abs3A_343, %mul3A_349 : vector<16xf32>
      %mul3A_351 = arith.mulf %min3A_346, %sub3A_350 : vector<16xf32>
      %ne3A_352 = arith.constant 20 : i32
      %ne3A_353 = vector.broadcast %ne3A_352 : i32 to vector<16xi32>
      %ne3A_354 = arith.cmpi ne, %get3A_334, %ne3A_353 : vector<16xi32>
      %jit3A_355 = arith.constant 0.000000e+00 : f32
      %broadcast_in_dim3A_356 = vector.broadcast %jit3A_355 : f32 to vector<16xf32>
      %select_n3A_357 = arith.select %ne3A_354, %mul3A_351, %broadcast_in_dim3A_356 : vector<16xi1>, vector<16xf32>
      %add3A_358 = arith.addf %while3A_213, %select_n3A_357 : vector<16xf32>
      %get3A_359 = arith.constant 4 : i32
      %get3A_360 = arith.index_cast %get3A_359 : i32 to index
      %get3A_361 = arith.index_cast %mul3A_215 : i32 to index
      %get3A_362 = tpu.vector_load %arg7[%get3A_360, %get3A_361] {strides = array<i32>} : memref<16x1152xf32, #tpu.memory_space<vmem>>, vector<16xf32>,
      %get3A_363 = arith.constant 4 : i32
      %get3A_364 = arith.index_cast %get3A_363 : i32 to index
      %get3A_365 = arith.index_cast %mul3A_215 : i32 to index
      %get3A_366 = tpu.vector_load %arg8[%get3A_364, %get3A_365] {strides = array<i32>} : memref<16x1152xf32, #tpu.memory_space<vmem>>, vector<16xf32>,
      %get3A_367 = arith.constant 4 : i32
      %get3A_368 = arith.index_cast %get3A_367 : i32 to index
      %get3A_369 = arith.index_cast %mul3A_215 : i32 to index
      %get3A_370 = tpu.vector_load %arg9[%get3A_368, %get3A_369] {strides = array<i32>} : memref<16x1152xi32, #tpu.memory_space<vmem>>, vector<16xi32>,
      %add3A_371 = arith.addf %get3A_362, %get3A_216 : vector<16xf32>
      %max3A_372 = arith.constant 0.000000e+00 : f32
      %max3A_373 = vector.broadcast %max3A_372 : f32 to vector<16xf32>
      %max3A_374 = arith.maximumf %add3A_371, %max3A_373 : vector<16xf32>
      %min3A_375 = arith.constant 3.000000e+02 : f32
      %min3A_376 = vector.broadcast %min3A_375 : f32 to vector<16xf32>
      %min3A_377 = arith.minimumf %max3A_374, %min3A_376 : vector<16xf32>
      %sub3A_378 = arith.subf %min3A_377, %get3A_366 : vector<16xf32>
      %abs3A_379 = math.absf %sub3A_378 : vector<16xf32>
      %min3A_380 = arith.constant 1.000000e+00 : f32
      %min3A_381 = vector.broadcast %min3A_380 : f32 to vector<16xf32>
      %min3A_382 = arith.minimumf %abs3A_379, %min3A_381 : vector<16xf32>
      %mul3A_383 = arith.constant 5.000000e-01 : f32
      %mul3A_384 = vector.broadcast %mul3A_383 : f32 to vector<16xf32>
      %mul3A_385 = arith.mulf %mul3A_384, %min3A_382 : vector<16xf32>
      %sub3A_386 = arith.subf %abs3A_379, %mul3A_385 : vector<16xf32>
      %mul3A_387 = arith.mulf %min3A_382, %sub3A_386 : vector<16xf32>
      %ne3A_388 = arith.constant 20 : i32
      %ne3A_389 = vector.broadcast %ne3A_388 : i32 to vector<16xi32>
      %ne3A_390 = arith.cmpi ne, %get3A_370, %ne3A_389 : vector<16xi32>
      %jit3A_391 = arith.constant 0.000000e+00 : f32
      %broadcast_in_dim3A_392 = vector.broadcast %jit3A_391 : f32 to vector<16xf32>
      %select_n3A_393 = arith.select %ne3A_390, %mul3A_387, %broadcast_in_dim3A_392 : vector<16xi1>, vector<16xf32>
      %add3A_394 = arith.addf %add3A_250, %select_n3A_393 : vector<16xf32>
      %get3A_395 = arith.constant 5 : i32
      %get3A_396 = arith.index_cast %get3A_395 : i32 to index
      %get3A_397 = arith.index_cast %mul3A_215 : i32 to index
      %get3A_398 = tpu.vector_load %arg7[%get3A_396, %get3A_397] {strides = array<i32>} : memref<16x1152xf32, #tpu.memory_space<vmem>>, vector<16xf32>,
      %get3A_399 = arith.constant 5 : i32
      %get3A_400 = arith.index_cast %get3A_399 : i32 to index
      %get3A_401 = arith.index_cast %mul3A_215 : i32 to index
      %get3A_402 = tpu.vector_load %arg8[%get3A_400, %get3A_401] {strides = array<i32>} : memref<16x1152xf32, #tpu.memory_space<vmem>>, vector<16xf32>,
      %get3A_403 = arith.constant 5 : i32
      %get3A_404 = arith.index_cast %get3A_403 : i32 to index
      %get3A_405 = arith.index_cast %mul3A_215 : i32 to index
      %get3A_406 = tpu.vector_load %arg9[%get3A_404, %get3A_405] {strides = array<i32>} : memref<16x1152xi32, #tpu.memory_space<vmem>>, vector<16xi32>,
      %add3A_407 = arith.addf %get3A_398, %get3A_216 : vector<16xf32>
      %max3A_408 = arith.constant 0.000000e+00 : f32
      %max3A_409 = vector.broadcast %max3A_408 : f32 to vector<16xf32>
      %max3A_410 = arith.maximumf %add3A_407, %max3A_409 : vector<16xf32>
      %min3A_411 = arith.constant 3.000000e+02 : f32
      %min3A_412 = vector.broadcast %min3A_411 : f32 to vector<16xf32>
      %min3A_413 = arith.minimumf %max3A_410, %min3A_412 : vector<16xf32>
      %sub3A_414 = arith.subf %min3A_413, %get3A_402 : vector<16xf32>
      %abs3A_415 = math.absf %sub3A_414 : vector<16xf32>
      %min3A_416 = arith.constant 1.000000e+00 : f32
      %min3A_417 = vector.broadcast %min3A_416 : f32 to vector<16xf32>
      %min3A_418 = arith.minimumf %abs3A_415, %min3A_417 : vector<16xf32>
      %mul3A_419 = arith.constant 5.000000e-01 : f32
      %mul3A_420 = vector.broadcast %mul3A_419 : f32 to vector<16xf32>
      %mul3A_421 = arith.mulf %mul3A_420, %min3A_418 : vector<16xf32>
      %sub3A_422 = arith.subf %abs3A_415, %mul3A_421 : vector<16xf32>
      %mul3A_423 = arith.mulf %min3A_418, %sub3A_422 : vector<16xf32>
      %ne3A_424 = arith.constant 20 : i32
      %ne3A_425 = vector.broadcast %ne3A_424 : i32 to vector<16xi32>
      %ne3A_426 = arith.cmpi ne, %get3A_406, %ne3A_425 : vector<16xi32>
      %jit3A_427 = arith.constant 0.000000e+00 : f32
      %broadcast_in_dim3A_428 = vector.broadcast %jit3A_427 : f32 to vector<16xf32>
      %select_n3A_429 = arith.select %ne3A_426, %mul3A_423, %broadcast_in_dim3A_428 : vector<16xi1>, vector<16xf32>
      %add3A_430 = arith.addf %add3A_286, %select_n3A_429 : vector<16xf32>
      %get3A_431 = arith.constant 6 : i32
      %get3A_432 = arith.index_cast %get3A_431 : i32 to index
      %get3A_433 = arith.index_cast %mul3A_215 : i32 to index
      %get3A_434 = tpu.vector_load %arg7[%get3A_432, %get3A_433] {strides = array<i32>} : memref<16x1152xf32, #tpu.memory_space<vmem>>, vector<16xf32>,
      %get3A_435 = arith.constant 6 : i32
      %get3A_436 = arith.index_cast %get3A_435 : i32 to index
      %get3A_437 = arith.index_cast %mul3A_215 : i32 to index
      %get3A_438 = tpu.vector_load %arg8[%get3A_436, %get3A_437] {strides = array<i32>} : memref<16x1152xf32, #tpu.memory_space<vmem>>, vector<16xf32>,
      %get3A_439 = arith.constant 6 : i32
      %get3A_440 = arith.index_cast %get3A_439 : i32 to index
      %get3A_441 = arith.index_cast %mul3A_215 : i32 to index
      %get3A_442 = tpu.vector_load %arg9[%get3A_440, %get3A_441] {strides = array<i32>} : memref<16x1152xi32, #tpu.memory_space<vmem>>, vector<16xi32>,
      %add3A_443 = arith.addf %get3A_434, %get3A_216 : vector<16xf32>
      %max3A_444 = arith.constant 0.000000e+00 : f32
      %max3A_445 = vector.broadcast %max3A_444 : f32 to vector<16xf32>
      %max3A_446 = arith.maximumf %add3A_443, %max3A_445 : vector<16xf32>
      %min3A_447 = arith.constant 3.000000e+02 : f32
      %min3A_448 = vector.broadcast %min3A_447 : f32 to vector<16xf32>
      %min3A_449 = arith.minimumf %max3A_446, %min3A_448 : vector<16xf32>
      %sub3A_450 = arith.subf %min3A_449, %get3A_438 : vector<16xf32>
      %abs3A_451 = math.absf %sub3A_450 : vector<16xf32>
      %min3A_452 = arith.constant 1.000000e+00 : f32
      %min3A_453 = vector.broadcast %min3A_452 : f32 to vector<16xf32>
      %min3A_454 = arith.minimumf %abs3A_451, %min3A_453 : vector<16xf32>
      %mul3A_455 = arith.constant 5.000000e-01 : f32
      %mul3A_456 = vector.broadcast %mul3A_455 : f32 to vector<16xf32>
      %mul3A_457 = arith.mulf %mul3A_456, %min3A_454 : vector<16xf32>
      %sub3A_458 = arith.subf %abs3A_451, %mul3A_457 : vector<16xf32>
      %mul3A_459 = arith.mulf %min3A_454, %sub3A_458 : vector<16xf32>
      %ne3A_460 = arith.constant 20 : i32
      %ne3A_461 = vector.broadcast %ne3A_460 : i32 to vector<16xi32>
      %ne3A_462 = arith.cmpi ne, %get3A_442, %ne3A_461 : vector<16xi32>
      %jit3A_463 = arith.constant 0.000000e+00 : f32
      %broadcast_in_dim3A_464 = vector.broadcast %jit3A_463 : f32 to vector<16xf32>
      %select_n3A_465 = arith.select %ne3A_462, %mul3A_459, %broadcast_in_dim3A_464 : vector<16xi1>, vector<16xf32>
      %add3A_466 = arith.addf %add3A_322, %select_n3A_465 : vector<16xf32>
      %get3A_467 = arith.constant 7 : i32
      %get3A_468 = arith.index_cast %get3A_467 : i32 to index
      %get3A_469 = arith.index_cast %mul3A_215 : i32 to index
      %get3A_470 = tpu.vector_load %arg7[%get3A_468, %get3A_469] {strides = array<i32>} : memref<16x1152xf32, #tpu.memory_space<vmem>>, vector<16xf32>,
      %get3A_471 = arith.constant 7 : i32
      %get3A_472 = arith.index_cast %get3A_471 : i32 to index
      %get3A_473 = arith.index_cast %mul3A_215 : i32 to index
      %get3A_474 = tpu.vector_load %arg8[%get3A_472, %get3A_473] {strides = array<i32>} : memref<16x1152xf32, #tpu.memory_space<vmem>>, vector<16xf32>,
      %get3A_475 = arith.constant 7 : i32
      %get3A_476 = arith.index_cast %get3A_475 : i32 to index
      %get3A_477 = arith.index_cast %mul3A_215 : i32 to index
      %get3A_478 = tpu.vector_load %arg9[%get3A_476, %get3A_477] {strides = array<i32>} : memref<16x1152xi32, #tpu.memory_space<vmem>>, vector<16xi32>,
      %add3A_479 = arith.addf %get3A_470, %get3A_216 : vector<16xf32>
      %max3A_480 = arith.constant 0.000000e+00 : f32
      %max3A_481 = vector.broadcast %max3A_480 : f32 to vector<16xf32>
      %max3A_482 = arith.maximumf %add3A_479, %max3A_481 : vector<16xf32>
      %min3A_483 = arith.constant 3.000000e+02 : f32
      %min3A_484 = vector.broadcast %min3A_483 : f32 to vector<16xf32>
      %min3A_485 = arith.minimumf %max3A_482, %min3A_484 : vector<16xf32>
      %sub3A_486 = arith.subf %min3A_485, %get3A_474 : vector<16xf32>
      %abs3A_487 = math.absf %sub3A_486 : vector<16xf32>
      %min3A_488 = arith.constant 1.000000e+00 : f32
      %min3A_489 = vector.broadcast %min3A_488 : f32 to vector<16xf32>
      %min3A_490 = arith.minimumf %abs3A_487, %min3A_489 : vector<16xf32>
      %mul3A_491 = arith.constant 5.000000e-01 : f32
      %mul3A_492 = vector.broadcast %mul3A_491 : f32 to vector<16xf32>
      %mul3A_493 = arith.mulf %mul3A_492, %min3A_490 : vector<16xf32>
      %sub3A_494 = arith.subf %abs3A_487, %mul3A_493 : vector<16xf32>
      %mul3A_495 = arith.mulf %min3A_490, %sub3A_494 : vector<16xf32>
      %ne3A_496 = arith.constant 20 : i32
      %ne3A_497 = vector.broadcast %ne3A_496 : i32 to vector<16xi32>
      %ne3A_498 = arith.cmpi ne, %get3A_478, %ne3A_497 : vector<16xi32>
      %jit3A_499 = arith.constant 0.000000e+00 : f32
      %broadcast_in_dim3A_500 = vector.broadcast %jit3A_499 : f32 to vector<16xf32>
      %select_n3A_501 = arith.select %ne3A_498, %mul3A_495, %broadcast_in_dim3A_500 : vector<16xi1>, vector<16xf32>
      %add3A_502 = arith.addf %add3A_358, %select_n3A_501 : vector<16xf32>
      %get3A_503 = arith.constant 8 : i32
      %get3A_504 = arith.index_cast %get3A_503 : i32 to index
      %get3A_505 = arith.index_cast %mul3A_215 : i32 to index
      %get3A_506 = tpu.vector_load %arg7[%get3A_504, %get3A_505] {strides = array<i32>} : memref<16x1152xf32, #tpu.memory_space<vmem>>, vector<16xf32>,
      %get3A_507 = arith.constant 8 : i32
      %get3A_508 = arith.index_cast %get3A_507 : i32 to index
      %get3A_509 = arith.index_cast %mul3A_215 : i32 to index
      %get3A_510 = tpu.vector_load %arg8[%get3A_508, %get3A_509] {strides = array<i32>} : memref<16x1152xf32, #tpu.memory_space<vmem>>, vector<16xf32>,
      %get3A_511 = arith.constant 8 : i32
      %get3A_512 = arith.index_cast %get3A_511 : i32 to index
      %get3A_513 = arith.index_cast %mul3A_215 : i32 to index
      %get3A_514 = tpu.vector_load %arg9[%get3A_512, %get3A_513] {strides = array<i32>} : memref<16x1152xi32, #tpu.memory_space<vmem>>, vector<16xi32>,
      %add3A_515 = arith.addf %get3A_506, %get3A_216 : vector<16xf32>
      %max3A_516 = arith.constant 0.000000e+00 : f32
      %max3A_517 = vector.broadcast %max3A_516 : f32 to vector<16xf32>
      %max3A_518 = arith.maximumf %add3A_515, %max3A_517 : vector<16xf32>
      %min3A_519 = arith.constant 3.000000e+02 : f32
      %min3A_520 = vector.broadcast %min3A_519 : f32 to vector<16xf32>
      %min3A_521 = arith.minimumf %max3A_518, %min3A_520 : vector<16xf32>
      %sub3A_522 = arith.subf %min3A_521, %get3A_510 : vector<16xf32>
      %abs3A_523 = math.absf %sub3A_522 : vector<16xf32>
      %min3A_524 = arith.constant 1.000000e+00 : f32
      %min3A_525 = vector.broadcast %min3A_524 : f32 to vector<16xf32>
      %min3A_526 = arith.minimumf %abs3A_523, %min3A_525 : vector<16xf32>
      %mul3A_527 = arith.constant 5.000000e-01 : f32
      %mul3A_528 = vector.broadcast %mul3A_527 : f32 to vector<16xf32>
      %mul3A_529 = arith.mulf %mul3A_528, %min3A_526 : vector<16xf32>
      %sub3A_530 = arith.subf %abs3A_523, %mul3A_529 : vector<16xf32>
      %mul3A_531 = arith.mulf %min3A_526, %sub3A_530 : vector<16xf32>
      %ne3A_532 = arith.constant 20 : i32
      %ne3A_533 = vector.broadcast %ne3A_532 : i32 to vector<16xi32>
      %ne3A_534 = arith.cmpi ne, %get3A_514, %ne3A_533 : vector<16xi32>
      %jit3A_535 = arith.constant 0.000000e+00 : f32
      %broadcast_in_dim3A_536 = vector.broadcast %jit3A_535 : f32 to vector<16xf32>
      %select_n3A_537 = arith.select %ne3A_534, %mul3A_531, %broadcast_in_dim3A_536 : vector<16xi1>, vector<16xf32>
      %add3A_538 = arith.addf %add3A_394, %select_n3A_537 : vector<16xf32>
      %get3A_539 = arith.constant 9 : i32
      %get3A_540 = arith.index_cast %get3A_539 : i32 to index
      %get3A_541 = arith.index_cast %mul3A_215 : i32 to index
      %get3A_542 = tpu.vector_load %arg7[%get3A_540, %get3A_541] {strides = array<i32>} : memref<16x1152xf32, #tpu.memory_space<vmem>>, vector<16xf32>,
      %get3A_543 = arith.constant 9 : i32
      %get3A_544 = arith.index_cast %get3A_543 : i32 to index
      %get3A_545 = arith.index_cast %mul3A_215 : i32 to index
      %get3A_546 = tpu.vector_load %arg8[%get3A_544, %get3A_545] {strides = array<i32>} : memref<16x1152xf32, #tpu.memory_space<vmem>>, vector<16xf32>,
      %get3A_547 = arith.constant 9 : i32
      %get3A_548 = arith.index_cast %get3A_547 : i32 to index
      %get3A_549 = arith.index_cast %mul3A_215 : i32 to index
      %get3A_550 = tpu.vector_load %arg9[%get3A_548, %get3A_549] {strides = array<i32>} : memref<16x1152xi32, #tpu.memory_space<vmem>>, vector<16xi32>,
      %add3A_551 = arith.addf %get3A_542, %get3A_216 : vector<16xf32>
      %max3A_552 = arith.constant 0.000000e+00 : f32
      %max3A_553 = vector.broadcast %max3A_552 : f32 to vector<16xf32>
      %max3A_554 = arith.maximumf %add3A_551, %max3A_553 : vector<16xf32>
      %min3A_555 = arith.constant 3.000000e+02 : f32
      %min3A_556 = vector.broadcast %min3A_555 : f32 to vector<16xf32>
      %min3A_557 = arith.minimumf %max3A_554, %min3A_556 : vector<16xf32>
      %sub3A_558 = arith.subf %min3A_557, %get3A_546 : vector<16xf32>
      %abs3A_559 = math.absf %sub3A_558 : vector<16xf32>
      %min3A_560 = arith.constant 1.000000e+00 : f32
      %min3A_561 = vector.broadcast %min3A_560 : f32 to vector<16xf32>
      %min3A_562 = arith.minimumf %abs3A_559, %min3A_561 : vector<16xf32>
      %mul3A_563 = arith.constant 5.000000e-01 : f32
      %mul3A_564 = vector.broadcast %mul3A_563 : f32 to vector<16xf32>
      %mul3A_565 = arith.mulf %mul3A_564, %min3A_562 : vector<16xf32>
      %sub3A_566 = arith.subf %abs3A_559, %mul3A_565 : vector<16xf32>
      %mul3A_567 = arith.mulf %min3A_562, %sub3A_566 : vector<16xf32>
      %ne3A_568 = arith.constant 20 : i32
      %ne3A_569 = vector.broadcast %ne3A_568 : i32 to vector<16xi32>
      %ne3A_570 = arith.cmpi ne, %get3A_550, %ne3A_569 : vector<16xi32>
      %jit3A_571 = arith.constant 0.000000e+00 : f32
      %broadcast_in_dim3A_572 = vector.broadcast %jit3A_571 : f32 to vector<16xf32>
      %select_n3A_573 = arith.select %ne3A_570, %mul3A_567, %broadcast_in_dim3A_572 : vector<16xi1>, vector<16xf32>
      %add3A_574 = arith.addf %add3A_430, %select_n3A_573 : vector<16xf32>
      %get3A_575 = arith.constant 10 : i32
      %get3A_576 = arith.index_cast %get3A_575 : i32 to index
      %get3A_577 = arith.index_cast %mul3A_215 : i32 to index
      %get3A_578 = tpu.vector_load %arg7[%get3A_576, %get3A_577] {strides = array<i32>} : memref<16x1152xf32, #tpu.memory_space<vmem>>, vector<16xf32>,
      %get3A_579 = arith.constant 10 : i32
      %get3A_580 = arith.index_cast %get3A_579 : i32 to index
      %get3A_581 = arith.index_cast %mul3A_215 : i32 to index
      %get3A_582 = tpu.vector_load %arg8[%get3A_580, %get3A_581] {strides = array<i32>} : memref<16x1152xf32, #tpu.memory_space<vmem>>, vector<16xf32>,
      %get3A_583 = arith.constant 10 : i32
      %get3A_584 = arith.index_cast %get3A_583 : i32 to index
      %get3A_585 = arith.index_cast %mul3A_215 : i32 to index
      %get3A_586 = tpu.vector_load %arg9[%get3A_584, %get3A_585] {strides = array<i32>} : memref<16x1152xi32, #tpu.memory_space<vmem>>, vector<16xi32>,
      %add3A_587 = arith.addf %get3A_578, %get3A_216 : vector<16xf32>
      %max3A_588 = arith.constant 0.000000e+00 : f32
      %max3A_589 = vector.broadcast %max3A_588 : f32 to vector<16xf32>
      %max3A_590 = arith.maximumf %add3A_587, %max3A_589 : vector<16xf32>
      %min3A_591 = arith.constant 3.000000e+02 : f32
      %min3A_592 = vector.broadcast %min3A_591 : f32 to vector<16xf32>
      %min3A_593 = arith.minimumf %max3A_590, %min3A_592 : vector<16xf32>
      %sub3A_594 = arith.subf %min3A_593, %get3A_582 : vector<16xf32>
      %abs3A_595 = math.absf %sub3A_594 : vector<16xf32>
      %min3A_596 = arith.constant 1.000000e+00 : f32
      %min3A_597 = vector.broadcast %min3A_596 : f32 to vector<16xf32>
      %min3A_598 = arith.minimumf %abs3A_595, %min3A_597 : vector<16xf32>
      %mul3A_599 = arith.constant 5.000000e-01 : f32
      %mul3A_600 = vector.broadcast %mul3A_599 : f32 to vector<16xf32>
      %mul3A_601 = arith.mulf %mul3A_600, %min3A_598 : vector<16xf32>
      %sub3A_602 = arith.subf %abs3A_595, %mul3A_601 : vector<16xf32>
      %mul3A_603 = arith.mulf %min3A_598, %sub3A_602 : vector<16xf32>
      %ne3A_604 = arith.constant 20 : i32
      %ne3A_605 = vector.broadcast %ne3A_604 : i32 to vector<16xi32>
      %ne3A_606 = arith.cmpi ne, %get3A_586, %ne3A_605 : vector<16xi32>
      %jit3A_607 = arith.constant 0.000000e+00 : f32
      %broadcast_in_dim3A_608 = vector.broadcast %jit3A_607 : f32 to vector<16xf32>
      %select_n3A_609 = arith.select %ne3A_606, %mul3A_603, %broadcast_in_dim3A_608 : vector<16xi1>, vector<16xf32>
      %add3A_610 = arith.addf %add3A_466, %select_n3A_609 : vector<16xf32>
      %get3A_611 = arith.constant 11 : i32
      %get3A_612 = arith.index_cast %get3A_611 : i32 to index
      %get3A_613 = arith.index_cast %mul3A_215 : i32 to index
      %get3A_614 = tpu.vector_load %arg7[%get3A_612, %get3A_613] {strides = array<i32>} : memref<16x1152xf32, #tpu.memory_space<vmem>>, vector<16xf32>,
      %get3A_615 = arith.constant 11 : i32
      %get3A_616 = arith.index_cast %get3A_615 : i32 to index
      %get3A_617 = arith.index_cast %mul3A_215 : i32 to index
      %get3A_618 = tpu.vector_load %arg8[%get3A_616, %get3A_617] {strides = array<i32>} : memref<16x1152xf32, #tpu.memory_space<vmem>>, vector<16xf32>,
      %get3A_619 = arith.constant 11 : i32
      %get3A_620 = arith.index_cast %get3A_619 : i32 to index
      %get3A_621 = arith.index_cast %mul3A_215 : i32 to index
      %get3A_622 = tpu.vector_load %arg9[%get3A_620, %get3A_621] {strides = array<i32>} : memref<16x1152xi32, #tpu.memory_space<vmem>>, vector<16xi32>,
      %add3A_623 = arith.addf %get3A_614, %get3A_216 : vector<16xf32>
      %max3A_624 = arith.constant 0.000000e+00 : f32
      %max3A_625 = vector.broadcast %max3A_624 : f32 to vector<16xf32>
      %max3A_626 = arith.maximumf %add3A_623, %max3A_625 : vector<16xf32>
      %min3A_627 = arith.constant 3.000000e+02 : f32
      %min3A_628 = vector.broadcast %min3A_627 : f32 to vector<16xf32>
      %min3A_629 = arith.minimumf %max3A_626, %min3A_628 : vector<16xf32>
      %sub3A_630 = arith.subf %min3A_629, %get3A_618 : vector<16xf32>
      %abs3A_631 = math.absf %sub3A_630 : vector<16xf32>
      %min3A_632 = arith.constant 1.000000e+00 : f32
      %min3A_633 = vector.broadcast %min3A_632 : f32 to vector<16xf32>
      %min3A_634 = arith.minimumf %abs3A_631, %min3A_633 : vector<16xf32>
      %mul3A_635 = arith.constant 5.000000e-01 : f32
      %mul3A_636 = vector.broadcast %mul3A_635 : f32 to vector<16xf32>
      %mul3A_637 = arith.mulf %mul3A_636, %min3A_634 : vector<16xf32>
      %sub3A_638 = arith.subf %abs3A_631, %mul3A_637 : vector<16xf32>
      %mul3A_639 = arith.mulf %min3A_634, %sub3A_638 : vector<16xf32>
      %ne3A_640 = arith.constant 20 : i32
      %ne3A_641 = vector.broadcast %ne3A_640 : i32 to vector<16xi32>
      %ne3A_642 = arith.cmpi ne, %get3A_622, %ne3A_641 : vector<16xi32>
      %jit3A_643 = arith.constant 0.000000e+00 : f32
      %broadcast_in_dim3A_644 = vector.broadcast %jit3A_643 : f32 to vector<16xf32>
      %select_n3A_645 = arith.select %ne3A_642, %mul3A_639, %broadcast_in_dim3A_644 : vector<16xi1>, vector<16xf32>
      %add3A_646 = arith.addf %add3A_502, %select_n3A_645 : vector<16xf32>
      %get3A_647 = arith.constant 12 : i32
      %get3A_648 = arith.index_cast %get3A_647 : i32 to index
      %get3A_649 = arith.index_cast %mul3A_215 : i32 to index
      %get3A_650 = tpu.vector_load %arg7[%get3A_648, %get3A_649] {strides = array<i32>} : memref<16x1152xf32, #tpu.memory_space<vmem>>, vector<16xf32>,
      %get3A_651 = arith.constant 12 : i32
      %get3A_652 = arith.index_cast %get3A_651 : i32 to index
      %get3A_653 = arith.index_cast %mul3A_215 : i32 to index
      %get3A_654 = tpu.vector_load %arg8[%get3A_652, %get3A_653] {strides = array<i32>} : memref<16x1152xf32, #tpu.memory_space<vmem>>, vector<16xf32>,
      %get3A_655 = arith.constant 12 : i32
      %get3A_656 = arith.index_cast %get3A_655 : i32 to index
      %get3A_657 = arith.index_cast %mul3A_215 : i32 to index
      %get3A_658 = tpu.vector_load %arg9[%get3A_656, %get3A_657] {strides = array<i32>} : memref<16x1152xi32, #tpu.memory_space<vmem>>, vector<16xi32>,
      %add3A_659 = arith.addf %get3A_650, %get3A_216 : vector<16xf32>
      %max3A_660 = arith.constant 0.000000e+00 : f32
      %max3A_661 = vector.broadcast %max3A_660 : f32 to vector<16xf32>
      %max3A_662 = arith.maximumf %add3A_659, %max3A_661 : vector<16xf32>
      %min3A_663 = arith.constant 3.000000e+02 : f32
      %min3A_664 = vector.broadcast %min3A_663 : f32 to vector<16xf32>
      %min3A_665 = arith.minimumf %max3A_662, %min3A_664 : vector<16xf32>
      %sub3A_666 = arith.subf %min3A_665, %get3A_654 : vector<16xf32>
      %abs3A_667 = math.absf %sub3A_666 : vector<16xf32>
      %min3A_668 = arith.constant 1.000000e+00 : f32
      %min3A_669 = vector.broadcast %min3A_668 : f32 to vector<16xf32>
      %min3A_670 = arith.minimumf %abs3A_667, %min3A_669 : vector<16xf32>
      %mul3A_671 = arith.constant 5.000000e-01 : f32
      %mul3A_672 = vector.broadcast %mul3A_671 : f32 to vector<16xf32>
      %mul3A_673 = arith.mulf %mul3A_672, %min3A_670 : vector<16xf32>
      %sub3A_674 = arith.subf %abs3A_667, %mul3A_673 : vector<16xf32>
      %mul3A_675 = arith.mulf %min3A_670, %sub3A_674 : vector<16xf32>
      %ne3A_676 = arith.constant 20 : i32
      %ne3A_677 = vector.broadcast %ne3A_676 : i32 to vector<16xi32>
      %ne3A_678 = arith.cmpi ne, %get3A_658, %ne3A_677 : vector<16xi32>
      %jit3A_679 = arith.constant 0.000000e+00 : f32
      %broadcast_in_dim3A_680 = vector.broadcast %jit3A_679 : f32 to vector<16xf32>
      %select_n3A_681 = arith.select %ne3A_678, %mul3A_675, %broadcast_in_dim3A_680 : vector<16xi1>, vector<16xf32>
      %add3A_682 = arith.addf %add3A_538, %select_n3A_681 : vector<16xf32>
      %get3A_683 = arith.constant 13 : i32
      %get3A_684 = arith.index_cast %get3A_683 : i32 to index
      %get3A_685 = arith.index_cast %mul3A_215 : i32 to index
      %get3A_686 = tpu.vector_load %arg7[%get3A_684, %get3A_685] {strides = array<i32>} : memref<16x1152xf32, #tpu.memory_space<vmem>>, vector<16xf32>,
      %get3A_687 = arith.constant 13 : i32
      %get3A_688 = arith.index_cast %get3A_687 : i32 to index
      %get3A_689 = arith.index_cast %mul3A_215 : i32 to index
      %get3A_690 = tpu.vector_load %arg8[%get3A_688, %get3A_689] {strides = array<i32>} : memref<16x1152xf32, #tpu.memory_space<vmem>>, vector<16xf32>,
      %get3A_691 = arith.constant 13 : i32
      %get3A_692 = arith.index_cast %get3A_691 : i32 to index
      %get3A_693 = arith.index_cast %mul3A_215 : i32 to index
      %get3A_694 = tpu.vector_load %arg9[%get3A_692, %get3A_693] {strides = array<i32>} : memref<16x1152xi32, #tpu.memory_space<vmem>>, vector<16xi32>,
      %add3A_695 = arith.addf %get3A_686, %get3A_216 : vector<16xf32>
      %max3A_696 = arith.constant 0.000000e+00 : f32
      %max3A_697 = vector.broadcast %max3A_696 : f32 to vector<16xf32>
      %max3A_698 = arith.maximumf %add3A_695, %max3A_697 : vector<16xf32>
      %min3A_699 = arith.constant 3.000000e+02 : f32
      %min3A_700 = vector.broadcast %min3A_699 : f32 to vector<16xf32>
      %min3A_701 = arith.minimumf %max3A_698, %min3A_700 : vector<16xf32>
      %sub3A_702 = arith.subf %min3A_701, %get3A_690 : vector<16xf32>
      %abs3A_703 = math.absf %sub3A_702 : vector<16xf32>
      %min3A_704 = arith.constant 1.000000e+00 : f32
      %min3A_705 = vector.broadcast %min3A_704 : f32 to vector<16xf32>
      %min3A_706 = arith.minimumf %abs3A_703, %min3A_705 : vector<16xf32>
      %mul3A_707 = arith.constant 5.000000e-01 : f32
      %mul3A_708 = vector.broadcast %mul3A_707 : f32 to vector<16xf32>
      %mul3A_709 = arith.mulf %mul3A_708, %min3A_706 : vector<16xf32>
      %sub3A_710 = arith.subf %abs3A_703, %mul3A_709 : vector<16xf32>
      %mul3A_711 = arith.mulf %min3A_706, %sub3A_710 : vector<16xf32>
      %ne3A_712 = arith.constant 20 : i32
      %ne3A_713 = vector.broadcast %ne3A_712 : i32 to vector<16xi32>
      %ne3A_714 = arith.cmpi ne, %get3A_694, %ne3A_713 : vector<16xi32>
      %jit3A_715 = arith.constant 0.000000e+00 : f32
      %broadcast_in_dim3A_716 = vector.broadcast %jit3A_715 : f32 to vector<16xf32>
      %select_n3A_717 = arith.select %ne3A_714, %mul3A_711, %broadcast_in_dim3A_716 : vector<16xi1>, vector<16xf32>
      %add3A_718 = arith.addf %add3A_574, %select_n3A_717 : vector<16xf32>
      %get3A_719 = arith.constant 14 : i32
      %get3A_720 = arith.index_cast %get3A_719 : i32 to index
      %get3A_721 = arith.index_cast %mul3A_215 : i32 to index
      %get3A_722 = tpu.vector_load %arg7[%get3A_720, %get3A_721] {strides = array<i32>} : memref<16x1152xf32, #tpu.memory_space<vmem>>, vector<16xf32>,
      %get3A_723 = arith.constant 14 : i32
      %get3A_724 = arith.index_cast %get3A_723 : i32 to index
      %get3A_725 = arith.index_cast %mul3A_215 : i32 to index
      %get3A_726 = tpu.vector_load %arg8[%get3A_724, %get3A_725] {strides = array<i32>} : memref<16x1152xf32, #tpu.memory_space<vmem>>, vector<16xf32>,
      %get3A_727 = arith.constant 14 : i32
      %get3A_728 = arith.index_cast %get3A_727 : i32 to index
      %get3A_729 = arith.index_cast %mul3A_215 : i32 to index
      %get3A_730 = tpu.vector_load %arg9[%get3A_728, %get3A_729] {strides = array<i32>} : memref<16x1152xi32, #tpu.memory_space<vmem>>, vector<16xi32>,
      %add3A_731 = arith.addf %get3A_722, %get3A_216 : vector<16xf32>
      %max3A_732 = arith.constant 0.000000e+00 : f32
      %max3A_733 = vector.broadcast %max3A_732 : f32 to vector<16xf32>
      %max3A_734 = arith.maximumf %add3A_731, %max3A_733 : vector<16xf32>
      %min3A_735 = arith.constant 3.000000e+02 : f32
      %min3A_736 = vector.broadcast %min3A_735 : f32 to vector<16xf32>
      %min3A_737 = arith.minimumf %max3A_734, %min3A_736 : vector<16xf32>
      %sub3A_738 = arith.subf %min3A_737, %get3A_726 : vector<16xf32>
      %abs3A_739 = math.absf %sub3A_738 : vector<16xf32>
      %min3A_740 = arith.constant 1.000000e+00 : f32
      %min3A_741 = vector.broadcast %min3A_740 : f32 to vector<16xf32>
      %min3A_742 = arith.minimumf %abs3A_739, %min3A_741 : vector<16xf32>
      %mul3A_743 = arith.constant 5.000000e-01 : f32
      %mul3A_744 = vector.broadcast %mul3A_743 : f32 to vector<16xf32>
      %mul3A_745 = arith.mulf %mul3A_744, %min3A_742 : vector<16xf32>
      %sub3A_746 = arith.subf %abs3A_739, %mul3A_745 : vector<16xf32>
      %mul3A_747 = arith.mulf %min3A_742, %sub3A_746 : vector<16xf32>
      %ne3A_748 = arith.constant 20 : i32
      %ne3A_749 = vector.broadcast %ne3A_748 : i32 to vector<16xi32>
      %ne3A_750 = arith.cmpi ne, %get3A_730, %ne3A_749 : vector<16xi32>
      %jit3A_751 = arith.constant 0.000000e+00 : f32
      %broadcast_in_dim3A_752 = vector.broadcast %jit3A_751 : f32 to vector<16xf32>
      %select_n3A_753 = arith.select %ne3A_750, %mul3A_747, %broadcast_in_dim3A_752 : vector<16xi1>, vector<16xf32>
      %add3A_754 = arith.addf %add3A_610, %select_n3A_753 : vector<16xf32>
      %get3A_755 = arith.constant 15 : i32
      %get3A_756 = arith.index_cast %get3A_755 : i32 to index
      %get3A_757 = arith.index_cast %mul3A_215 : i32 to index
      %get3A_758 = tpu.vector_load %arg7[%get3A_756, %get3A_757] {strides = array<i32>} : memref<16x1152xf32, #tpu.memory_space<vmem>>, vector<16xf32>,
      %get3A_759 = arith.constant 15 : i32
      %get3A_760 = arith.index_cast %get3A_759 : i32 to index
      %get3A_761 = arith.index_cast %mul3A_215 : i32 to index
      %get3A_762 = tpu.vector_load %arg8[%get3A_760, %get3A_761] {strides = array<i32>} : memref<16x1152xf32, #tpu.memory_space<vmem>>, vector<16xf32>,
      %get3A_763 = arith.constant 15 : i32
      %get3A_764 = arith.index_cast %get3A_763 : i32 to index
      %get3A_765 = arith.index_cast %mul3A_215 : i32 to index
      %get3A_766 = tpu.vector_load %arg9[%get3A_764, %get3A_765] {strides = array<i32>} : memref<16x1152xi32, #tpu.memory_space<vmem>>, vector<16xi32>,
      %add3A_767 = arith.addf %get3A_758, %get3A_216 : vector<16xf32>
      %max3A_768 = arith.constant 0.000000e+00 : f32
      %max3A_769 = vector.broadcast %max3A_768 : f32 to vector<16xf32>
      %max3A_770 = arith.maximumf %add3A_767, %max3A_769 : vector<16xf32>
      %min3A_771 = arith.constant 3.000000e+02 : f32
      %min3A_772 = vector.broadcast %min3A_771 : f32 to vector<16xf32>
      %min3A_773 = arith.minimumf %max3A_770, %min3A_772 : vector<16xf32>
      %sub3A_774 = arith.subf %min3A_773, %get3A_762 : vector<16xf32>
      %abs3A_775 = math.absf %sub3A_774 : vector<16xf32>
      %min3A_776 = arith.constant 1.000000e+00 : f32
      %min3A_777 = vector.broadcast %min3A_776 : f32 to vector<16xf32>
      %min3A_778 = arith.minimumf %abs3A_775, %min3A_777 : vector<16xf32>
      %mul3A_779 = arith.constant 5.000000e-01 : f32
      %mul3A_780 = vector.broadcast %mul3A_779 : f32 to vector<16xf32>
      %mul3A_781 = arith.mulf %mul3A_780, %min3A_778 : vector<16xf32>
      %sub3A_782 = arith.subf %abs3A_775, %mul3A_781 : vector<16xf32>
      %mul3A_783 = arith.mulf %min3A_778, %sub3A_782 : vector<16xf32>
      %ne3A_784 = arith.constant 20 : i32
      %ne3A_785 = vector.broadcast %ne3A_784 : i32 to vector<16xi32>
      %ne3A_786 = arith.cmpi ne, %get3A_766, %ne3A_785 : vector<16xi32>
      %jit3A_787 = arith.constant 0.000000e+00 : f32
      %broadcast_in_dim3A_788 = vector.broadcast %jit3A_787 : f32 to vector<16xf32>
      %select_n3A_789 = arith.select %ne3A_786, %mul3A_783, %broadcast_in_dim3A_788 : vector<16xi1>, vector<16xf32>
      %add3A_790 = arith.addf %add3A_646, %select_n3A_789 : vector<16xf32>
      scf.yield %add3A_682, %add3A_718, %add3A_754, %add3A_790 : vector<16xf32>, vector<16xf32>, vector<16xf32>, vector<16xf32>
    }
    %while3A_164 = arith.constant 1 : i32
    %while3A_165:4 = scf.for %while3A_209 = %while3A_161 to %while3A_157 step %while3A_164 iter_args(%while3A_210 = %while3A_163#0, %while3A_211 = %while3A_163#1, %while3A_212 = %while3A_163#2, %while3A_213 = %while3A_163#3) -> (vector<16xf32>, vector<16xf32>, vector<16xf32>, vector<16xf32>)  : i32 {
      %mul3A_214 = arith.constant 16 : i32
      %mul3A_215 = arith.muli %while3A_209, %mul3A_214 : i32
      %get3A = arith.index_cast %mul3A_215 : i32 to index
      %get3A_216 = tpu.vector_load %arg10[%get3A] {strides = array<i32>} : memref<1152xf32, #tpu.memory_space<vmem>>, vector<16xf32>,
      %get3A_217 = arith.constant 0 : i32
      %get3A_218 = arith.index_cast %get3A_217 : i32 to index
      %get3A_219 = arith.index_cast %mul3A_215 : i32 to index
      %get3A_220 = tpu.vector_load %arg7[%get3A_218, %get3A_219] {strides = array<i32>} : memref<16x1152xf32, #tpu.memory_space<vmem>>, vector<16xf32>,
      %get3A_221 = arith.constant 0 : i32
      %get3A_222 = arith.index_cast %get3A_221 : i32 to index
      %get3A_223 = arith.index_cast %mul3A_215 : i32 to index
      %get3A_224 = tpu.vector_load %arg8[%get3A_222, %get3A_223] {strides = array<i32>} : memref<16x1152xf32, #tpu.memory_space<vmem>>, vector<16xf32>,
      %get3A_225 = arith.constant 0 : i32
      %get3A_226 = arith.index_cast %get3A_225 : i32 to index
      %get3A_227 = arith.index_cast %mul3A_215 : i32 to index
      %get3A_228 = tpu.vector_load %arg9[%get3A_226, %get3A_227] {strides = array<i32>} : memref<16x1152xi32, #tpu.memory_space<vmem>>, vector<16xi32>,
      %add3A_229 = arith.addf %get3A_220, %get3A_216 : vector<16xf32>
      %max3A = arith.constant 0.000000e+00 : f32
      %max3A_230 = vector.broadcast %max3A : f32 to vector<16xf32>
      %max3A_231 = arith.maximumf %add3A_229, %max3A_230 : vector<16xf32>
      %min3A_232 = arith.constant 3.000000e+02 : f32
      %min3A_233 = vector.broadcast %min3A_232 : f32 to vector<16xf32>
      %min3A_234 = arith.minimumf %max3A_231, %min3A_233 : vector<16xf32>
      %sub3A_235 = arith.subf %min3A_234, %get3A_224 : vector<16xf32>
      %abs3A = math.absf %sub3A_235 : vector<16xf32>
      %min3A_236 = arith.constant 1.000000e+00 : f32
      %min3A_237 = vector.broadcast %min3A_236 : f32 to vector<16xf32>
      %min3A_238 = arith.minimumf %abs3A, %min3A_237 : vector<16xf32>
      %mul3A_239 = arith.constant 5.000000e-01 : f32
      %mul3A_240 = vector.broadcast %mul3A_239 : f32 to vector<16xf32>
      %mul3A_241 = arith.mulf %mul3A_240, %min3A_238 : vector<16xf32>
      %sub3A_242 = arith.subf %abs3A, %mul3A_241 : vector<16xf32>
      %mul3A_243 = arith.mulf %min3A_238, %sub3A_242 : vector<16xf32>
      %ne3A_244 = arith.constant 20 : i32
      %ne3A_245 = vector.broadcast %ne3A_244 : i32 to vector<16xi32>
      %ne3A_246 = arith.cmpi ne, %get3A_228, %ne3A_245 : vector<16xi32>
      %jit3A_247 = arith.constant 0.000000e+00 : f32
      %broadcast_in_dim3A_248 = vector.broadcast %jit3A_247 : f32 to vector<16xf32>
      %select_n3A_249 = arith.select %ne3A_246, %mul3A_243, %broadcast_in_dim3A_248 : vector<16xi1>, vector<16xf32>
      %add3A_250 = arith.addf %while3A_210, %select_n3A_249 : vector<16xf32>
      %get3A_251 = arith.constant 1 : i32
      %get3A_252 = arith.index_cast %get3A_251 : i32 to index
      %get3A_253 = arith.index_cast %mul3A_215 : i32 to index
      %get3A_254 = tpu.vector_load %arg7[%get3A_252, %get3A_253] {strides = array<i32>} : memref<16x1152xf32, #tpu.memory_space<vmem>>, vector<16xf32>,
      %get3A_255 = arith.constant 1 : i32
      %get3A_256 = arith.index_cast %get3A_255 : i32 to index
      %get3A_257 = arith.index_cast %mul3A_215 : i32 to index
      %get3A_258 = tpu.vector_load %arg8[%get3A_256, %get3A_257] {strides = array<i32>} : memref<16x1152xf32, #tpu.memory_space<vmem>>, vector<16xf32>,
      %get3A_259 = arith.constant 1 : i32
      %get3A_260 = arith.index_cast %get3A_259 : i32 to index
      %get3A_261 = arith.index_cast %mul3A_215 : i32 to index
      %get3A_262 = tpu.vector_load %arg9[%get3A_260, %get3A_261] {strides = array<i32>} : memref<16x1152xi32, #tpu.memory_space<vmem>>, vector<16xi32>,
      %add3A_263 = arith.addf %get3A_254, %get3A_216 : vector<16xf32>
      %max3A_264 = arith.constant 0.000000e+00 : f32
      %max3A_265 = vector.broadcast %max3A_264 : f32 to vector<16xf32>
      %max3A_266 = arith.maximumf %add3A_263, %max3A_265 : vector<16xf32>
      %min3A_267 = arith.constant 3.000000e+02 : f32
      %min3A_268 = vector.broadcast %min3A_267 : f32 to vector<16xf32>
      %min3A_269 = arith.minimumf %max3A_266, %min3A_268 : vector<16xf32>
      %sub3A_270 = arith.subf %min3A_269, %get3A_258 : vector<16xf32>
      %abs3A_271 = math.absf %sub3A_270 : vector<16xf32>
      %min3A_272 = arith.constant 1.000000e+00 : f32
      %min3A_273 = vector.broadcast %min3A_272 : f32 to vector<16xf32>
      %min3A_274 = arith.minimumf %abs3A_271, %min3A_273 : vector<16xf32>
      %mul3A_275 = arith.constant 5.000000e-01 : f32
      %mul3A_276 = vector.broadcast %mul3A_275 : f32 to vector<16xf32>
      %mul3A_277 = arith.mulf %mul3A_276, %min3A_274 : vector<16xf32>
      %sub3A_278 = arith.subf %abs3A_271, %mul3A_277 : vector<16xf32>
      %mul3A_279 = arith.mulf %min3A_274, %sub3A_278 : vector<16xf32>
      %ne3A_280 = arith.constant 20 : i32
      %ne3A_281 = vector.broadcast %ne3A_280 : i32 to vector<16xi32>
      %ne3A_282 = arith.cmpi ne, %get3A_262, %ne3A_281 : vector<16xi32>
      %jit3A_283 = arith.constant 0.000000e+00 : f32
      %broadcast_in_dim3A_284 = vector.broadcast %jit3A_283 : f32 to vector<16xf32>
      %select_n3A_285 = arith.select %ne3A_282, %mul3A_279, %broadcast_in_dim3A_284 : vector<16xi1>, vector<16xf32>
      %add3A_286 = arith.addf %while3A_211, %select_n3A_285 : vector<16xf32>
      %get3A_287 = arith.constant 2 : i32
      %get3A_288 = arith.index_cast %get3A_287 : i32 to index
      %get3A_289 = arith.index_cast %mul3A_215 : i32 to index
      %get3A_290 = tpu.vector_load %arg7[%get3A_288, %get3A_289] {strides = array<i32>} : memref<16x1152xf32, #tpu.memory_space<vmem>>, vector<16xf32>,
      %get3A_291 = arith.constant 2 : i32
      %get3A_292 = arith.index_cast %get3A_291 : i32 to index
      %get3A_293 = arith.index_cast %mul3A_215 : i32 to index
      %get3A_294 = tpu.vector_load %arg8[%get3A_292, %get3A_293] {strides = array<i32>} : memref<16x1152xf32, #tpu.memory_space<vmem>>, vector<16xf32>,
      %get3A_295 = arith.constant 2 : i32
      %get3A_296 = arith.index_cast %get3A_295 : i32 to index
      %get3A_297 = arith.index_cast %mul3A_215 : i32 to index
      %get3A_298 = tpu.vector_load %arg9[%get3A_296, %get3A_297] {strides = array<i32>} : memref<16x1152xi32, #tpu.memory_space<vmem>>, vector<16xi32>,
      %add3A_299 = arith.addf %get3A_290, %get3A_216 : vector<16xf32>
      %max3A_300 = arith.constant 0.000000e+00 : f32
      %max3A_301 = vector.broadcast %max3A_300 : f32 to vector<16xf32>
      %max3A_302 = arith.maximumf %add3A_299, %max3A_301 : vector<16xf32>
      %min3A_303 = arith.constant 3.000000e+02 : f32
      %min3A_304 = vector.broadcast %min3A_303 : f32 to vector<16xf32>
      %min3A_305 = arith.minimumf %max3A_302, %min3A_304 : vector<16xf32>
      %sub3A_306 = arith.subf %min3A_305, %get3A_294 : vector<16xf32>
      %abs3A_307 = math.absf %sub3A_306 : vector<16xf32>
      %min3A_308 = arith.constant 1.000000e+00 : f32
      %min3A_309 = vector.broadcast %min3A_308 : f32 to vector<16xf32>
      %min3A_310 = arith.minimumf %abs3A_307, %min3A_309 : vector<16xf32>
      %mul3A_311 = arith.constant 5.000000e-01 : f32
      %mul3A_312 = vector.broadcast %mul3A_311 : f32 to vector<16xf32>
      %mul3A_313 = arith.mulf %mul3A_312, %min3A_310 : vector<16xf32>
      %sub3A_314 = arith.subf %abs3A_307, %mul3A_313 : vector<16xf32>
      %mul3A_315 = arith.mulf %min3A_310, %sub3A_314 : vector<16xf32>
      %ne3A_316 = arith.constant 20 : i32
      %ne3A_317 = vector.broadcast %ne3A_316 : i32 to vector<16xi32>
      %ne3A_318 = arith.cmpi ne, %get3A_298, %ne3A_317 : vector<16xi32>
      %jit3A_319 = arith.constant 0.000000e+00 : f32
      %broadcast_in_dim3A_320 = vector.broadcast %jit3A_319 : f32 to vector<16xf32>
      %select_n3A_321 = arith.select %ne3A_318, %mul3A_315, %broadcast_in_dim3A_320 : vector<16xi1>, vector<16xf32>
      %add3A_322 = arith.addf %while3A_212, %select_n3A_321 : vector<16xf32>
      %get3A_323 = arith.constant 3 : i32
      %get3A_324 = arith.index_cast %get3A_323 : i32 to index
      %get3A_325 = arith.index_cast %mul3A_215 : i32 to index
      %get3A_326 = tpu.vector_load %arg7[%get3A_324, %get3A_325] {strides = array<i32>} : memref<16x1152xf32, #tpu.memory_space<vmem>>, vector<16xf32>,
      %get3A_327 = arith.constant 3 : i32
      %get3A_328 = arith.index_cast %get3A_327 : i32 to index
      %get3A_329 = arith.index_cast %mul3A_215 : i32 to index
      %get3A_330 = tpu.vector_load %arg8[%get3A_328, %get3A_329] {strides = array<i32>} : memref<16x1152xf32, #tpu.memory_space<vmem>>, vector<16xf32>,
      %get3A_331 = arith.constant 3 : i32
      %get3A_332 = arith.index_cast %get3A_331 : i32 to index
      %get3A_333 = arith.index_cast %mul3A_215 : i32 to index
      %get3A_334 = tpu.vector_load %arg9[%get3A_332, %get3A_333] {strides = array<i32>} : memref<16x1152xi32, #tpu.memory_space<vmem>>, vector<16xi32>,
      %add3A_335 = arith.addf %get3A_326, %get3A_216 : vector<16xf32>
      %max3A_336 = arith.constant 0.000000e+00 : f32
      %max3A_337 = vector.broadcast %max3A_336 : f32 to vector<16xf32>
      %max3A_338 = arith.maximumf %add3A_335, %max3A_337 : vector<16xf32>
      %min3A_339 = arith.constant 3.000000e+02 : f32
      %min3A_340 = vector.broadcast %min3A_339 : f32 to vector<16xf32>
      %min3A_341 = arith.minimumf %max3A_338, %min3A_340 : vector<16xf32>
      %sub3A_342 = arith.subf %min3A_341, %get3A_330 : vector<16xf32>
      %abs3A_343 = math.absf %sub3A_342 : vector<16xf32>
      %min3A_344 = arith.constant 1.000000e+00 : f32
      %min3A_345 = vector.broadcast %min3A_344 : f32 to vector<16xf32>
      %min3A_346 = arith.minimumf %abs3A_343, %min3A_345 : vector<16xf32>
      %mul3A_347 = arith.constant 5.000000e-01 : f32
      %mul3A_348 = vector.broadcast %mul3A_347 : f32 to vector<16xf32>
      %mul3A_349 = arith.mulf %mul3A_348, %min3A_346 : vector<16xf32>
      %sub3A_350 = arith.subf %abs3A_343, %mul3A_349 : vector<16xf32>
      %mul3A_351 = arith.mulf %min3A_346, %sub3A_350 : vector<16xf32>
      %ne3A_352 = arith.constant 20 : i32
      %ne3A_353 = vector.broadcast %ne3A_352 : i32 to vector<16xi32>
      %ne3A_354 = arith.cmpi ne, %get3A_334, %ne3A_353 : vector<16xi32>
      %jit3A_355 = arith.constant 0.000000e+00 : f32
      %broadcast_in_dim3A_356 = vector.broadcast %jit3A_355 : f32 to vector<16xf32>
      %select_n3A_357 = arith.select %ne3A_354, %mul3A_351, %broadcast_in_dim3A_356 : vector<16xi1>, vector<16xf32>
      %add3A_358 = arith.addf %while3A_213, %select_n3A_357 : vector<16xf32>
      %get3A_359 = arith.constant 4 : i32
      %get3A_360 = arith.index_cast %get3A_359 : i32 to index
      %get3A_361 = arith.index_cast %mul3A_215 : i32 to index
      %get3A_362 = tpu.vector_load %arg7[%get3A_360, %get3A_361] {strides = array<i32>} : memref<16x1152xf32, #tpu.memory_space<vmem>>, vector<16xf32>,
      %get3A_363 = arith.constant 4 : i32
      %get3A_364 = arith.index_cast %get3A_363 : i32 to index
      %get3A_365 = arith.index_cast %mul3A_215 : i32 to index
      %get3A_366 = tpu.vector_load %arg8[%get3A_364, %get3A_365] {strides = array<i32>} : memref<16x1152xf32, #tpu.memory_space<vmem>>, vector<16xf32>,
      %get3A_367 = arith.constant 4 : i32
      %get3A_368 = arith.index_cast %get3A_367 : i32 to index
      %get3A_369 = arith.index_cast %mul3A_215 : i32 to index
      %get3A_370 = tpu.vector_load %arg9[%get3A_368, %get3A_369] {strides = array<i32>} : memref<16x1152xi32, #tpu.memory_space<vmem>>, vector<16xi32>,
      %add3A_371 = arith.addf %get3A_362, %get3A_216 : vector<16xf32>
      %max3A_372 = arith.constant 0.000000e+00 : f32
      %max3A_373 = vector.broadcast %max3A_372 : f32 to vector<16xf32>
      %max3A_374 = arith.maximumf %add3A_371, %max3A_373 : vector<16xf32>
      %min3A_375 = arith.constant 3.000000e+02 : f32
      %min3A_376 = vector.broadcast %min3A_375 : f32 to vector<16xf32>
      %min3A_377 = arith.minimumf %max3A_374, %min3A_376 : vector<16xf32>
      %sub3A_378 = arith.subf %min3A_377, %get3A_366 : vector<16xf32>
      %abs3A_379 = math.absf %sub3A_378 : vector<16xf32>
      %min3A_380 = arith.constant 1.000000e+00 : f32
      %min3A_381 = vector.broadcast %min3A_380 : f32 to vector<16xf32>
      %min3A_382 = arith.minimumf %abs3A_379, %min3A_381 : vector<16xf32>
      %mul3A_383 = arith.constant 5.000000e-01 : f32
      %mul3A_384 = vector.broadcast %mul3A_383 : f32 to vector<16xf32>
      %mul3A_385 = arith.mulf %mul3A_384, %min3A_382 : vector<16xf32>
      %sub3A_386 = arith.subf %abs3A_379, %mul3A_385 : vector<16xf32>
      %mul3A_387 = arith.mulf %min3A_382, %sub3A_386 : vector<16xf32>
      %ne3A_388 = arith.constant 20 : i32
      %ne3A_389 = vector.broadcast %ne3A_388 : i32 to vector<16xi32>
      %ne3A_390 = arith.cmpi ne, %get3A_370, %ne3A_389 : vector<16xi32>
      %jit3A_391 = arith.constant 0.000000e+00 : f32
      %broadcast_in_dim3A_392 = vector.broadcast %jit3A_391 : f32 to vector<16xf32>
      %select_n3A_393 = arith.select %ne3A_390, %mul3A_387, %broadcast_in_dim3A_392 : vector<16xi1>, vector<16xf32>
      %add3A_394 = arith.addf %add3A_250, %select_n3A_393 : vector<16xf32>
      %get3A_395 = arith.constant 5 : i32
      %get3A_396 = arith.index_cast %get3A_395 : i32 to index
      %get3A_397 = arith.index_cast %mul3A_215 : i32 to index
      %get3A_398 = tpu.vector_load %arg7[%get3A_396, %get3A_397] {strides = array<i32>} : memref<16x1152xf32, #tpu.memory_space<vmem>>, vector<16xf32>,
      %get3A_399 = arith.constant 5 : i32
      %get3A_400 = arith.index_cast %get3A_399 : i32 to index
      %get3A_401 = arith.index_cast %mul3A_215 : i32 to index
      %get3A_402 = tpu.vector_load %arg8[%get3A_400, %get3A_401] {strides = array<i32>} : memref<16x1152xf32, #tpu.memory_space<vmem>>, vector<16xf32>,
      %get3A_403 = arith.constant 5 : i32
      %get3A_404 = arith.index_cast %get3A_403 : i32 to index
      %get3A_405 = arith.index_cast %mul3A_215 : i32 to index
      %get3A_406 = tpu.vector_load %arg9[%get3A_404, %get3A_405] {strides = array<i32>} : memref<16x1152xi32, #tpu.memory_space<vmem>>, vector<16xi32>,
      %add3A_407 = arith.addf %get3A_398, %get3A_216 : vector<16xf32>
      %max3A_408 = arith.constant 0.000000e+00 : f32
      %max3A_409 = vector.broadcast %max3A_408 : f32 to vector<16xf32>
      %max3A_410 = arith.maximumf %add3A_407, %max3A_409 : vector<16xf32>
      %min3A_411 = arith.constant 3.000000e+02 : f32
      %min3A_412 = vector.broadcast %min3A_411 : f32 to vector<16xf32>
      %min3A_413 = arith.minimumf %max3A_410, %min3A_412 : vector<16xf32>
      %sub3A_414 = arith.subf %min3A_413, %get3A_402 : vector<16xf32>
      %abs3A_415 = math.absf %sub3A_414 : vector<16xf32>
      %min3A_416 = arith.constant 1.000000e+00 : f32
      %min3A_417 = vector.broadcast %min3A_416 : f32 to vector<16xf32>
      %min3A_418 = arith.minimumf %abs3A_415, %min3A_417 : vector<16xf32>
      %mul3A_419 = arith.constant 5.000000e-01 : f32
      %mul3A_420 = vector.broadcast %mul3A_419 : f32 to vector<16xf32>
      %mul3A_421 = arith.mulf %mul3A_420, %min3A_418 : vector<16xf32>
      %sub3A_422 = arith.subf %abs3A_415, %mul3A_421 : vector<16xf32>
      %mul3A_423 = arith.mulf %min3A_418, %sub3A_422 : vector<16xf32>
      %ne3A_424 = arith.constant 20 : i32
      %ne3A_425 = vector.broadcast %ne3A_424 : i32 to vector<16xi32>
      %ne3A_426 = arith.cmpi ne, %get3A_406, %ne3A_425 : vector<16xi32>
      %jit3A_427 = arith.constant 0.000000e+00 : f32
      %broadcast_in_dim3A_428 = vector.broadcast %jit3A_427 : f32 to vector<16xf32>
      %select_n3A_429 = arith.select %ne3A_426, %mul3A_423, %broadcast_in_dim3A_428 : vector<16xi1>, vector<16xf32>
      %add3A_430 = arith.addf %add3A_286, %select_n3A_429 : vector<16xf32>
      %get3A_431 = arith.constant 6 : i32
      %get3A_432 = arith.index_cast %get3A_431 : i32 to index
      %get3A_433 = arith.index_cast %mul3A_215 : i32 to index
      %get3A_434 = tpu.vector_load %arg7[%get3A_432, %get3A_433] {strides = array<i32>} : memref<16x1152xf32, #tpu.memory_space<vmem>>, vector<16xf32>,
      %get3A_435 = arith.constant 6 : i32
      %get3A_436 = arith.index_cast %get3A_435 : i32 to index
      %get3A_437 = arith.index_cast %mul3A_215 : i32 to index
      %get3A_438 = tpu.vector_load %arg8[%get3A_436, %get3A_437] {strides = array<i32>} : memref<16x1152xf32, #tpu.memory_space<vmem>>, vector<16xf32>,
      %get3A_439 = arith.constant 6 : i32
      %get3A_440 = arith.index_cast %get3A_439 : i32 to index
      %get3A_441 = arith.index_cast %mul3A_215 : i32 to index
      %get3A_442 = tpu.vector_load %arg9[%get3A_440, %get3A_441] {strides = array<i32>} : memref<16x1152xi32, #tpu.memory_space<vmem>>, vector<16xi32>,
      %add3A_443 = arith.addf %get3A_434, %get3A_216 : vector<16xf32>
      %max3A_444 = arith.constant 0.000000e+00 : f32
      %max3A_445 = vector.broadcast %max3A_444 : f32 to vector<16xf32>
      %max3A_446 = arith.maximumf %add3A_443, %max3A_445 : vector<16xf32>
      %min3A_447 = arith.constant 3.000000e+02 : f32
      %min3A_448 = vector.broadcast %min3A_447 : f32 to vector<16xf32>
      %min3A_449 = arith.minimumf %max3A_446, %min3A_448 : vector<16xf32>
      %sub3A_450 = arith.subf %min3A_449, %get3A_438 : vector<16xf32>
      %abs3A_451 = math.absf %sub3A_450 : vector<16xf32>
      %min3A_452 = arith.constant 1.000000e+00 : f32
      %min3A_453 = vector.broadcast %min3A_452 : f32 to vector<16xf32>
      %min3A_454 = arith.minimumf %abs3A_451, %min3A_453 : vector<16xf32>
      %mul3A_455 = arith.constant 5.000000e-01 : f32
      %mul3A_456 = vector.broadcast %mul3A_455 : f32 to vector<16xf32>
      %mul3A_457 = arith.mulf %mul3A_456, %min3A_454 : vector<16xf32>
      %sub3A_458 = arith.subf %abs3A_451, %mul3A_457 : vector<16xf32>
      %mul3A_459 = arith.mulf %min3A_454, %sub3A_458 : vector<16xf32>
      %ne3A_460 = arith.constant 20 : i32
      %ne3A_461 = vector.broadcast %ne3A_460 : i32 to vector<16xi32>
      %ne3A_462 = arith.cmpi ne, %get3A_442, %ne3A_461 : vector<16xi32>
      %jit3A_463 = arith.constant 0.000000e+00 : f32
      %broadcast_in_dim3A_464 = vector.broadcast %jit3A_463 : f32 to vector<16xf32>
      %select_n3A_465 = arith.select %ne3A_462, %mul3A_459, %broadcast_in_dim3A_464 : vector<16xi1>, vector<16xf32>
      %add3A_466 = arith.addf %add3A_322, %select_n3A_465 : vector<16xf32>
      %get3A_467 = arith.constant 7 : i32
      %get3A_468 = arith.index_cast %get3A_467 : i32 to index
      %get3A_469 = arith.index_cast %mul3A_215 : i32 to index
      %get3A_470 = tpu.vector_load %arg7[%get3A_468, %get3A_469] {strides = array<i32>} : memref<16x1152xf32, #tpu.memory_space<vmem>>, vector<16xf32>,
      %get3A_471 = arith.constant 7 : i32
      %get3A_472 = arith.index_cast %get3A_471 : i32 to index
      %get3A_473 = arith.index_cast %mul3A_215 : i32 to index
      %get3A_474 = tpu.vector_load %arg8[%get3A_472, %get3A_473] {strides = array<i32>} : memref<16x1152xf32, #tpu.memory_space<vmem>>, vector<16xf32>,
      %get3A_475 = arith.constant 7 : i32
      %get3A_476 = arith.index_cast %get3A_475 : i32 to index
      %get3A_477 = arith.index_cast %mul3A_215 : i32 to index
      %get3A_478 = tpu.vector_load %arg9[%get3A_476, %get3A_477] {strides = array<i32>} : memref<16x1152xi32, #tpu.memory_space<vmem>>, vector<16xi32>,
      %add3A_479 = arith.addf %get3A_470, %get3A_216 : vector<16xf32>
      %max3A_480 = arith.constant 0.000000e+00 : f32
      %max3A_481 = vector.broadcast %max3A_480 : f32 to vector<16xf32>
      %max3A_482 = arith.maximumf %add3A_479, %max3A_481 : vector<16xf32>
      %min3A_483 = arith.constant 3.000000e+02 : f32
      %min3A_484 = vector.broadcast %min3A_483 : f32 to vector<16xf32>
      %min3A_485 = arith.minimumf %max3A_482, %min3A_484 : vector<16xf32>
      %sub3A_486 = arith.subf %min3A_485, %get3A_474 : vector<16xf32>
      %abs3A_487 = math.absf %sub3A_486 : vector<16xf32>
      %min3A_488 = arith.constant 1.000000e+00 : f32
      %min3A_489 = vector.broadcast %min3A_488 : f32 to vector<16xf32>
      %min3A_490 = arith.minimumf %abs3A_487, %min3A_489 : vector<16xf32>
      %mul3A_491 = arith.constant 5.000000e-01 : f32
      %mul3A_492 = vector.broadcast %mul3A_491 : f32 to vector<16xf32>
      %mul3A_493 = arith.mulf %mul3A_492, %min3A_490 : vector<16xf32>
      %sub3A_494 = arith.subf %abs3A_487, %mul3A_493 : vector<16xf32>
      %mul3A_495 = arith.mulf %min3A_490, %sub3A_494 : vector<16xf32>
      %ne3A_496 = arith.constant 20 : i32
      %ne3A_497 = vector.broadcast %ne3A_496 : i32 to vector<16xi32>
      %ne3A_498 = arith.cmpi ne, %get3A_478, %ne3A_497 : vector<16xi32>
      %jit3A_499 = arith.constant 0.000000e+00 : f32
      %broadcast_in_dim3A_500 = vector.broadcast %jit3A_499 : f32 to vector<16xf32>
      %select_n3A_501 = arith.select %ne3A_498, %mul3A_495, %broadcast_in_dim3A_500 : vector<16xi1>, vector<16xf32>
      %add3A_502 = arith.addf %add3A_358, %select_n3A_501 : vector<16xf32>
      %get3A_503 = arith.constant 8 : i32
      %get3A_504 = arith.index_cast %get3A_503 : i32 to index
      %get3A_505 = arith.index_cast %mul3A_215 : i32 to index
      %get3A_506 = tpu.vector_load %arg7[%get3A_504, %get3A_505] {strides = array<i32>} : memref<16x1152xf32, #tpu.memory_space<vmem>>, vector<16xf32>,
      %get3A_507 = arith.constant 8 : i32
      %get3A_508 = arith.index_cast %get3A_507 : i32 to index
      %get3A_509 = arith.index_cast %mul3A_215 : i32 to index
      %get3A_510 = tpu.vector_load %arg8[%get3A_508, %get3A_509] {strides = array<i32>} : memref<16x1152xf32, #tpu.memory_space<vmem>>, vector<16xf32>,
      %get3A_511 = arith.constant 8 : i32
      %get3A_512 = arith.index_cast %get3A_511 : i32 to index
      %get3A_513 = arith.index_cast %mul3A_215 : i32 to index
      %get3A_514 = tpu.vector_load %arg9[%get3A_512, %get3A_513] {strides = array<i32>} : memref<16x1152xi32, #tpu.memory_space<vmem>>, vector<16xi32>,
      %add3A_515 = arith.addf %get3A_506, %get3A_216 : vector<16xf32>
      %max3A_516 = arith.constant 0.000000e+00 : f32
      %max3A_517 = vector.broadcast %max3A_516 : f32 to vector<16xf32>
      %max3A_518 = arith.maximumf %add3A_515, %max3A_517 : vector<16xf32>
      %min3A_519 = arith.constant 3.000000e+02 : f32
      %min3A_520 = vector.broadcast %min3A_519 : f32 to vector<16xf32>
      %min3A_521 = arith.minimumf %max3A_518, %min3A_520 : vector<16xf32>
      %sub3A_522 = arith.subf %min3A_521, %get3A_510 : vector<16xf32>
      %abs3A_523 = math.absf %sub3A_522 : vector<16xf32>
      %min3A_524 = arith.constant 1.000000e+00 : f32
      %min3A_525 = vector.broadcast %min3A_524 : f32 to vector<16xf32>
      %min3A_526 = arith.minimumf %abs3A_523, %min3A_525 : vector<16xf32>
      %mul3A_527 = arith.constant 5.000000e-01 : f32
      %mul3A_528 = vector.broadcast %mul3A_527 : f32 to vector<16xf32>
      %mul3A_529 = arith.mulf %mul3A_528, %min3A_526 : vector<16xf32>
      %sub3A_530 = arith.subf %abs3A_523, %mul3A_529 : vector<16xf32>
      %mul3A_531 = arith.mulf %min3A_526, %sub3A_530 : vector<16xf32>
      %ne3A_532 = arith.constant 20 : i32
      %ne3A_533 = vector.broadcast %ne3A_532 : i32 to vector<16xi32>
      %ne3A_534 = arith.cmpi ne, %get3A_514, %ne3A_533 : vector<16xi32>
      %jit3A_535 = arith.constant 0.000000e+00 : f32
      %broadcast_in_dim3A_536 = vector.broadcast %jit3A_535 : f32 to vector<16xf32>
      %select_n3A_537 = arith.select %ne3A_534, %mul3A_531, %broadcast_in_dim3A_536 : vector<16xi1>, vector<16xf32>
      %add3A_538 = arith.addf %add3A_394, %select_n3A_537 : vector<16xf32>
      %get3A_539 = arith.constant 9 : i32
      %get3A_540 = arith.index_cast %get3A_539 : i32 to index
      %get3A_541 = arith.index_cast %mul3A_215 : i32 to index
      %get3A_542 = tpu.vector_load %arg7[%get3A_540, %get3A_541] {strides = array<i32>} : memref<16x1152xf32, #tpu.memory_space<vmem>>, vector<16xf32>,
      %get3A_543 = arith.constant 9 : i32
      %get3A_544 = arith.index_cast %get3A_543 : i32 to index
      %get3A_545 = arith.index_cast %mul3A_215 : i32 to index
      %get3A_546 = tpu.vector_load %arg8[%get3A_544, %get3A_545] {strides = array<i32>} : memref<16x1152xf32, #tpu.memory_space<vmem>>, vector<16xf32>,
      %get3A_547 = arith.constant 9 : i32
      %get3A_548 = arith.index_cast %get3A_547 : i32 to index
      %get3A_549 = arith.index_cast %mul3A_215 : i32 to index
      %get3A_550 = tpu.vector_load %arg9[%get3A_548, %get3A_549] {strides = array<i32>} : memref<16x1152xi32, #tpu.memory_space<vmem>>, vector<16xi32>,
      %add3A_551 = arith.addf %get3A_542, %get3A_216 : vector<16xf32>
      %max3A_552 = arith.constant 0.000000e+00 : f32
      %max3A_553 = vector.broadcast %max3A_552 : f32 to vector<16xf32>
      %max3A_554 = arith.maximumf %add3A_551, %max3A_553 : vector<16xf32>
      %min3A_555 = arith.constant 3.000000e+02 : f32
      %min3A_556 = vector.broadcast %min3A_555 : f32 to vector<16xf32>
      %min3A_557 = arith.minimumf %max3A_554, %min3A_556 : vector<16xf32>
      %sub3A_558 = arith.subf %min3A_557, %get3A_546 : vector<16xf32>
      %abs3A_559 = math.absf %sub3A_558 : vector<16xf32>
      %min3A_560 = arith.constant 1.000000e+00 : f32
      %min3A_561 = vector.broadcast %min3A_560 : f32 to vector<16xf32>
      %min3A_562 = arith.minimumf %abs3A_559, %min3A_561 : vector<16xf32>
      %mul3A_563 = arith.constant 5.000000e-01 : f32
      %mul3A_564 = vector.broadcast %mul3A_563 : f32 to vector<16xf32>
      %mul3A_565 = arith.mulf %mul3A_564, %min3A_562 : vector<16xf32>
      %sub3A_566 = arith.subf %abs3A_559, %mul3A_565 : vector<16xf32>
      %mul3A_567 = arith.mulf %min3A_562, %sub3A_566 : vector<16xf32>
      %ne3A_568 = arith.constant 20 : i32
      %ne3A_569 = vector.broadcast %ne3A_568 : i32 to vector<16xi32>
      %ne3A_570 = arith.cmpi ne, %get3A_550, %ne3A_569 : vector<16xi32>
      %jit3A_571 = arith.constant 0.000000e+00 : f32
      %broadcast_in_dim3A_572 = vector.broadcast %jit3A_571 : f32 to vector<16xf32>
      %select_n3A_573 = arith.select %ne3A_570, %mul3A_567, %broadcast_in_dim3A_572 : vector<16xi1>, vector<16xf32>
      %add3A_574 = arith.addf %add3A_430, %select_n3A_573 : vector<16xf32>
      %get3A_575 = arith.constant 10 : i32
      %get3A_576 = arith.index_cast %get3A_575 : i32 to index
      %get3A_577 = arith.index_cast %mul3A_215 : i32 to index
      %get3A_578 = tpu.vector_load %arg7[%get3A_576, %get3A_577] {strides = array<i32>} : memref<16x1152xf32, #tpu.memory_space<vmem>>, vector<16xf32>,
      %get3A_579 = arith.constant 10 : i32
      %get3A_580 = arith.index_cast %get3A_579 : i32 to index
      %get3A_581 = arith.index_cast %mul3A_215 : i32 to index
      %get3A_582 = tpu.vector_load %arg8[%get3A_580, %get3A_581] {strides = array<i32>} : memref<16x1152xf32, #tpu.memory_space<vmem>>, vector<16xf32>,
      %get3A_583 = arith.constant 10 : i32
      %get3A_584 = arith.index_cast %get3A_583 : i32 to index
      %get3A_585 = arith.index_cast %mul3A_215 : i32 to index
      %get3A_586 = tpu.vector_load %arg9[%get3A_584, %get3A_585] {strides = array<i32>} : memref<16x1152xi32, #tpu.memory_space<vmem>>, vector<16xi32>,
      %add3A_587 = arith.addf %get3A_578, %get3A_216 : vector<16xf32>
      %max3A_588 = arith.constant 0.000000e+00 : f32
      %max3A_589 = vector.broadcast %max3A_588 : f32 to vector<16xf32>
      %max3A_590 = arith.maximumf %add3A_587, %max3A_589 : vector<16xf32>
      %min3A_591 = arith.constant 3.000000e+02 : f32
      %min3A_592 = vector.broadcast %min3A_591 : f32 to vector<16xf32>
      %min3A_593 = arith.minimumf %max3A_590, %min3A_592 : vector<16xf32>
      %sub3A_594 = arith.subf %min3A_593, %get3A_582 : vector<16xf32>
      %abs3A_595 = math.absf %sub3A_594 : vector<16xf32>
      %min3A_596 = arith.constant 1.000000e+00 : f32
      %min3A_597 = vector.broadcast %min3A_596 : f32 to vector<16xf32>
      %min3A_598 = arith.minimumf %abs3A_595, %min3A_597 : vector<16xf32>
      %mul3A_599 = arith.constant 5.000000e-01 : f32
      %mul3A_600 = vector.broadcast %mul3A_599 : f32 to vector<16xf32>
      %mul3A_601 = arith.mulf %mul3A_600, %min3A_598 : vector<16xf32>
      %sub3A_602 = arith.subf %abs3A_595, %mul3A_601 : vector<16xf32>
      %mul3A_603 = arith.mulf %min3A_598, %sub3A_602 : vector<16xf32>
      %ne3A_604 = arith.constant 20 : i32
      %ne3A_605 = vector.broadcast %ne3A_604 : i32 to vector<16xi32>
      %ne3A_606 = arith.cmpi ne, %get3A_586, %ne3A_605 : vector<16xi32>
      %jit3A_607 = arith.constant 0.000000e+00 : f32
      %broadcast_in_dim3A_608 = vector.broadcast %jit3A_607 : f32 to vector<16xf32>
      %select_n3A_609 = arith.select %ne3A_606, %mul3A_603, %broadcast_in_dim3A_608 : vector<16xi1>, vector<16xf32>
      %add3A_610 = arith.addf %add3A_466, %select_n3A_609 : vector<16xf32>
      %get3A_611 = arith.constant 11 : i32
      %get3A_612 = arith.index_cast %get3A_611 : i32 to index
      %get3A_613 = arith.index_cast %mul3A_215 : i32 to index
      %get3A_614 = tpu.vector_load %arg7[%get3A_612, %get3A_613] {strides = array<i32>} : memref<16x1152xf32, #tpu.memory_space<vmem>>, vector<16xf32>,
      %get3A_615 = arith.constant 11 : i32
      %get3A_616 = arith.index_cast %get3A_615 : i32 to index
      %get3A_617 = arith.index_cast %mul3A_215 : i32 to index
      %get3A_618 = tpu.vector_load %arg8[%get3A_616, %get3A_617] {strides = array<i32>} : memref<16x1152xf32, #tpu.memory_space<vmem>>, vector<16xf32>,
      %get3A_619 = arith.constant 11 : i32
      %get3A_620 = arith.index_cast %get3A_619 : i32 to index
      %get3A_621 = arith.index_cast %mul3A_215 : i32 to index
      %get3A_622 = tpu.vector_load %arg9[%get3A_620, %get3A_621] {strides = array<i32>} : memref<16x1152xi32, #tpu.memory_space<vmem>>, vector<16xi32>,
      %add3A_623 = arith.addf %get3A_614, %get3A_216 : vector<16xf32>
      %max3A_624 = arith.constant 0.000000e+00 : f32
      %max3A_625 = vector.broadcast %max3A_624 : f32 to vector<16xf32>
      %max3A_626 = arith.maximumf %add3A_623, %max3A_625 : vector<16xf32>
      %min3A_627 = arith.constant 3.000000e+02 : f32
      %min3A_628 = vector.broadcast %min3A_627 : f32 to vector<16xf32>
      %min3A_629 = arith.minimumf %max3A_626, %min3A_628 : vector<16xf32>
      %sub3A_630 = arith.subf %min3A_629, %get3A_618 : vector<16xf32>
      %abs3A_631 = math.absf %sub3A_630 : vector<16xf32>
      %min3A_632 = arith.constant 1.000000e+00 : f32
      %min3A_633 = vector.broadcast %min3A_632 : f32 to vector<16xf32>
      %min3A_634 = arith.minimumf %abs3A_631, %min3A_633 : vector<16xf32>
      %mul3A_635 = arith.constant 5.000000e-01 : f32
      %mul3A_636 = vector.broadcast %mul3A_635 : f32 to vector<16xf32>
      %mul3A_637 = arith.mulf %mul3A_636, %min3A_634 : vector<16xf32>
      %sub3A_638 = arith.subf %abs3A_631, %mul3A_637 : vector<16xf32>
      %mul3A_639 = arith.mulf %min3A_634, %sub3A_638 : vector<16xf32>
      %ne3A_640 = arith.constant 20 : i32
      %ne3A_641 = vector.broadcast %ne3A_640 : i32 to vector<16xi32>
      %ne3A_642 = arith.cmpi ne, %get3A_622, %ne3A_641 : vector<16xi32>
      %jit3A_643 = arith.constant 0.000000e+00 : f32
      %broadcast_in_dim3A_644 = vector.broadcast %jit3A_643 : f32 to vector<16xf32>
      %select_n3A_645 = arith.select %ne3A_642, %mul3A_639, %broadcast_in_dim3A_644 : vector<16xi1>, vector<16xf32>
      %add3A_646 = arith.addf %add3A_502, %select_n3A_645 : vector<16xf32>
      %get3A_647 = arith.constant 12 : i32
      %get3A_648 = arith.index_cast %get3A_647 : i32 to index
      %get3A_649 = arith.index_cast %mul3A_215 : i32 to index
      %get3A_650 = tpu.vector_load %arg7[%get3A_648, %get3A_649] {strides = array<i32>} : memref<16x1152xf32, #tpu.memory_space<vmem>>, vector<16xf32>,
      %get3A_651 = arith.constant 12 : i32
      %get3A_652 = arith.index_cast %get3A_651 : i32 to index
      %get3A_653 = arith.index_cast %mul3A_215 : i32 to index
      %get3A_654 = tpu.vector_load %arg8[%get3A_652, %get3A_653] {strides = array<i32>} : memref<16x1152xf32, #tpu.memory_space<vmem>>, vector<16xf32>,
      %get3A_655 = arith.constant 12 : i32
      %get3A_656 = arith.index_cast %get3A_655 : i32 to index
      %get3A_657 = arith.index_cast %mul3A_215 : i32 to index
      %get3A_658 = tpu.vector_load %arg9[%get3A_656, %get3A_657] {strides = array<i32>} : memref<16x1152xi32, #tpu.memory_space<vmem>>, vector<16xi32>,
      %add3A_659 = arith.addf %get3A_650, %get3A_216 : vector<16xf32>
      %max3A_660 = arith.constant 0.000000e+00 : f32
      %max3A_661 = vector.broadcast %max3A_660 : f32 to vector<16xf32>
      %max3A_662 = arith.maximumf %add3A_659, %max3A_661 : vector<16xf32>
      %min3A_663 = arith.constant 3.000000e+02 : f32
      %min3A_664 = vector.broadcast %min3A_663 : f32 to vector<16xf32>
      %min3A_665 = arith.minimumf %max3A_662, %min3A_664 : vector<16xf32>
      %sub3A_666 = arith.subf %min3A_665, %get3A_654 : vector<16xf32>
      %abs3A_667 = math.absf %sub3A_666 : vector<16xf32>
      %min3A_668 = arith.constant 1.000000e+00 : f32
      %min3A_669 = vector.broadcast %min3A_668 : f32 to vector<16xf32>
      %min3A_670 = arith.minimumf %abs3A_667, %min3A_669 : vector<16xf32>
      %mul3A_671 = arith.constant 5.000000e-01 : f32
      %mul3A_672 = vector.broadcast %mul3A_671 : f32 to vector<16xf32>
      %mul3A_673 = arith.mulf %mul3A_672, %min3A_670 : vector<16xf32>
      %sub3A_674 = arith.subf %abs3A_667, %mul3A_673 : vector<16xf32>
      %mul3A_675 = arith.mulf %min3A_670, %sub3A_674 : vector<16xf32>
      %ne3A_676 = arith.constant 20 : i32
      %ne3A_677 = vector.broadcast %ne3A_676 : i32 to vector<16xi32>
      %ne3A_678 = arith.cmpi ne, %get3A_658, %ne3A_677 : vector<16xi32>
      %jit3A_679 = arith.constant 0.000000e+00 : f32
      %broadcast_in_dim3A_680 = vector.broadcast %jit3A_679 : f32 to vector<16xf32>
      %select_n3A_681 = arith.select %ne3A_678, %mul3A_675, %broadcast_in_dim3A_680 : vector<16xi1>, vector<16xf32>
      %add3A_682 = arith.addf %add3A_538, %select_n3A_681 : vector<16xf32>
      %get3A_683 = arith.constant 13 : i32
      %get3A_684 = arith.index_cast %get3A_683 : i32 to index
      %get3A_685 = arith.index_cast %mul3A_215 : i32 to index
      %get3A_686 = tpu.vector_load %arg7[%get3A_684, %get3A_685] {strides = array<i32>} : memref<16x1152xf32, #tpu.memory_space<vmem>>, vector<16xf32>,
      %get3A_687 = arith.constant 13 : i32
      %get3A_688 = arith.index_cast %get3A_687 : i32 to index
      %get3A_689 = arith.index_cast %mul3A_215 : i32 to index
      %get3A_690 = tpu.vector_load %arg8[%get3A_688, %get3A_689] {strides = array<i32>} : memref<16x1152xf32, #tpu.memory_space<vmem>>, vector<16xf32>,
      %get3A_691 = arith.constant 13 : i32
      %get3A_692 = arith.index_cast %get3A_691 : i32 to index
      %get3A_693 = arith.index_cast %mul3A_215 : i32 to index
      %get3A_694 = tpu.vector_load %arg9[%get3A_692, %get3A_693] {strides = array<i32>} : memref<16x1152xi32, #tpu.memory_space<vmem>>, vector<16xi32>,
      %add3A_695 = arith.addf %get3A_686, %get3A_216 : vector<16xf32>
      %max3A_696 = arith.constant 0.000000e+00 : f32
      %max3A_697 = vector.broadcast %max3A_696 : f32 to vector<16xf32>
      %max3A_698 = arith.maximumf %add3A_695, %max3A_697 : vector<16xf32>
      %min3A_699 = arith.constant 3.000000e+02 : f32
      %min3A_700 = vector.broadcast %min3A_699 : f32 to vector<16xf32>
      %min3A_701 = arith.minimumf %max3A_698, %min3A_700 : vector<16xf32>
      %sub3A_702 = arith.subf %min3A_701, %get3A_690 : vector<16xf32>
      %abs3A_703 = math.absf %sub3A_702 : vector<16xf32>
      %min3A_704 = arith.constant 1.000000e+00 : f32
      %min3A_705 = vector.broadcast %min3A_704 : f32 to vector<16xf32>
      %min3A_706 = arith.minimumf %abs3A_703, %min3A_705 : vector<16xf32>
      %mul3A_707 = arith.constant 5.000000e-01 : f32
      %mul3A_708 = vector.broadcast %mul3A_707 : f32 to vector<16xf32>
      %mul3A_709 = arith.mulf %mul3A_708, %min3A_706 : vector<16xf32>
      %sub3A_710 = arith.subf %abs3A_703, %mul3A_709 : vector<16xf32>
      %mul3A_711 = arith.mulf %min3A_706, %sub3A_710 : vector<16xf32>
      %ne3A_712 = arith.constant 20 : i32
      %ne3A_713 = vector.broadcast %ne3A_712 : i32 to vector<16xi32>
      %ne3A_714 = arith.cmpi ne, %get3A_694, %ne3A_713 : vector<16xi32>
      %jit3A_715 = arith.constant 0.000000e+00 : f32
      %broadcast_in_dim3A_716 = vector.broadcast %jit3A_715 : f32 to vector<16xf32>
      %select_n3A_717 = arith.select %ne3A_714, %mul3A_711, %broadcast_in_dim3A_716 : vector<16xi1>, vector<16xf32>
      %add3A_718 = arith.addf %add3A_574, %select_n3A_717 : vector<16xf32>
      %get3A_719 = arith.constant 14 : i32
      %get3A_720 = arith.index_cast %get3A_719 : i32 to index
      %get3A_721 = arith.index_cast %mul3A_215 : i32 to index
      %get3A_722 = tpu.vector_load %arg7[%get3A_720, %get3A_721] {strides = array<i32>} : memref<16x1152xf32, #tpu.memory_space<vmem>>, vector<16xf32>,
      %get3A_723 = arith.constant 14 : i32
      %get3A_724 = arith.index_cast %get3A_723 : i32 to index
      %get3A_725 = arith.index_cast %mul3A_215 : i32 to index
      %get3A_726 = tpu.vector_load %arg8[%get3A_724, %get3A_725] {strides = array<i32>} : memref<16x1152xf32, #tpu.memory_space<vmem>>, vector<16xf32>,
      %get3A_727 = arith.constant 14 : i32
      %get3A_728 = arith.index_cast %get3A_727 : i32 to index
      %get3A_729 = arith.index_cast %mul3A_215 : i32 to index
      %get3A_730 = tpu.vector_load %arg9[%get3A_728, %get3A_729] {strides = array<i32>} : memref<16x1152xi32, #tpu.memory_space<vmem>>, vector<16xi32>,
      %add3A_731 = arith.addf %get3A_722, %get3A_216 : vector<16xf32>
      %max3A_732 = arith.constant 0.000000e+00 : f32
      %max3A_733 = vector.broadcast %max3A_732 : f32 to vector<16xf32>
      %max3A_734 = arith.maximumf %add3A_731, %max3A_733 : vector<16xf32>
      %min3A_735 = arith.constant 3.000000e+02 : f32
      %min3A_736 = vector.broadcast %min3A_735 : f32 to vector<16xf32>
      %min3A_737 = arith.minimumf %max3A_734, %min3A_736 : vector<16xf32>
      %sub3A_738 = arith.subf %min3A_737, %get3A_726 : vector<16xf32>
      %abs3A_739 = math.absf %sub3A_738 : vector<16xf32>
      %min3A_740 = arith.constant 1.000000e+00 : f32
      %min3A_741 = vector.broadcast %min3A_740 : f32 to vector<16xf32>
      %min3A_742 = arith.minimumf %abs3A_739, %min3A_741 : vector<16xf32>
      %mul3A_743 = arith.constant 5.000000e-01 : f32
      %mul3A_744 = vector.broadcast %mul3A_743 : f32 to vector<16xf32>
      %mul3A_745 = arith.mulf %mul3A_744, %min3A_742 : vector<16xf32>
      %sub3A_746 = arith.subf %abs3A_739, %mul3A_745 : vector<16xf32>
      %mul3A_747 = arith.mulf %min3A_742, %sub3A_746 : vector<16xf32>
      %ne3A_748 = arith.constant 20 : i32
      %ne3A_749 = vector.broadcast %ne3A_748 : i32 to vector<16xi32>
      %ne3A_750 = arith.cmpi ne, %get3A_730, %ne3A_749 : vector<16xi32>
      %jit3A_751 = arith.constant 0.000000e+00 : f32
      %broadcast_in_dim3A_752 = vector.broadcast %jit3A_751 : f32 to vector<16xf32>
      %select_n3A_753 = arith.select %ne3A_750, %mul3A_747, %broadcast_in_dim3A_752 : vector<16xi1>, vector<16xf32>
      %add3A_754 = arith.addf %add3A_610, %select_n3A_753 : vector<16xf32>
      %get3A_755 = arith.constant 15 : i32
      %get3A_756 = arith.index_cast %get3A_755 : i32 to index
      %get3A_757 = arith.index_cast %mul3A_215 : i32 to index
      %get3A_758 = tpu.vector_load %arg7[%get3A_756, %get3A_757] {strides = array<i32>} : memref<16x1152xf32, #tpu.memory_space<vmem>>, vector<16xf32>,
      %get3A_759 = arith.constant 15 : i32
      %get3A_760 = arith.index_cast %get3A_759 : i32 to index
      %get3A_761 = arith.index_cast %mul3A_215 : i32 to index
      %get3A_762 = tpu.vector_load %arg8[%get3A_760, %get3A_761] {strides = array<i32>} : memref<16x1152xf32, #tpu.memory_space<vmem>>, vector<16xf32>,
      %get3A_763 = arith.constant 15 : i32
      %get3A_764 = arith.index_cast %get3A_763 : i32 to index
      %get3A_765 = arith.index_cast %mul3A_215 : i32 to index
      %get3A_766 = tpu.vector_load %arg9[%get3A_764, %get3A_765] {strides = array<i32>} : memref<16x1152xi32, #tpu.memory_space<vmem>>, vector<16xi32>,
      %add3A_767 = arith.addf %get3A_758, %get3A_216 : vector<16xf32>
      %max3A_768 = arith.constant 0.000000e+00 : f32
      %max3A_769 = vector.broadcast %max3A_768 : f32 to vector<16xf32>
      %max3A_770 = arith.maximumf %add3A_767, %max3A_769 : vector<16xf32>
      %min3A_771 = arith.constant 3.000000e+02 : f32
      %min3A_772 = vector.broadcast %min3A_771 : f32 to vector<16xf32>
      %min3A_773 = arith.minimumf %max3A_770, %min3A_772 : vector<16xf32>
      %sub3A_774 = arith.subf %min3A_773, %get3A_762 : vector<16xf32>
      %abs3A_775 = math.absf %sub3A_774 : vector<16xf32>
      %min3A_776 = arith.constant 1.000000e+00 : f32
      %min3A_777 = vector.broadcast %min3A_776 : f32 to vector<16xf32>
      %min3A_778 = arith.minimumf %abs3A_775, %min3A_777 : vector<16xf32>
      %mul3A_779 = arith.constant 5.000000e-01 : f32
      %mul3A_780 = vector.broadcast %mul3A_779 : f32 to vector<16xf32>
      %mul3A_781 = arith.mulf %mul3A_780, %min3A_778 : vector<16xf32>
      %sub3A_782 = arith.subf %abs3A_775, %mul3A_781 : vector<16xf32>
      %mul3A_783 = arith.mulf %min3A_778, %sub3A_782 : vector<16xf32>
      %ne3A_784 = arith.constant 20 : i32
      %ne3A_785 = vector.broadcast %ne3A_784 : i32 to vector<16xi32>
      %ne3A_786 = arith.cmpi ne, %get3A_766, %ne3A_785 : vector<16xi32>
      %jit3A_787 = arith.constant 0.000000e+00 : f32
      %broadcast_in_dim3A_788 = vector.broadcast %jit3A_787 : f32 to vector<16xf32>
      %select_n3A_789 = arith.select %ne3A_786, %mul3A_783, %broadcast_in_dim3A_788 : vector<16xi1>, vector<16xf32>
      %add3A_790 = arith.addf %add3A_646, %select_n3A_789 : vector<16xf32>
      scf.yield %add3A_682, %add3A_718, %add3A_754, %add3A_790 : vector<16xf32>, vector<16xf32>, vector<16xf32>, vector<16xf32>
    }
    %dma_wait3A_166 = arith.constant 0 : i32
    %dma_wait3A_167 = arith.constant 640 : i32
    %dma_wait3A_168 = tpu.memref_slice %arg7[%dma_wait3A_166, %dma_wait3A_167] : memref<16x1152xf32, #tpu.memory_space<vmem>> -> memref<16x512xf32, #tpu.memory_space<vmem>>
    %dma_wait3A_169 = arith.constant 0 : i32
    %dma_wait3A_170 = tpu.memref_slice %arg2[%select_n3A_9, %dma_wait3A_169, %add3A_78] : memref<4x16x8832xf32, #tpu.memory_space<hbm>> -> memref<1x16x512xf32, #tpu.memory_space<hbm>>
    %dma_wait3A_171 = tpu.memref_squeeze %dma_wait3A_170 : memref<1x16x512xf32, #tpu.memory_space<hbm>> -> memref<16x512xf32, #tpu.memory_space<hbm>>
    %dma_wait3A_172 = arith.constant 0 : i32
    %dma_wait3A_173 = arith.constant 640 : i32
    %dma_wait3A_174 = tpu.memref_slice %arg7[%dma_wait3A_172, %dma_wait3A_173] : memref<16x1152xf32, #tpu.memory_space<vmem>> -> memref<16x512xf32, #tpu.memory_space<vmem>>
    %dma_wait3A_175 = arith.constant 0 : i32
    %dma_wait3A_176 = tpu.memref_slice %arg2[%select_n3A_9, %dma_wait3A_175, %add3A_78] : memref<4x16x8832xf32, #tpu.memory_space<hbm>> -> memref<1x16x512xf32, #tpu.memory_space<hbm>>
    %dma_wait3A_177 = tpu.memref_squeeze %dma_wait3A_176 : memref<1x16x512xf32, #tpu.memory_space<hbm>> -> memref<16x512xf32, #tpu.memory_space<hbm>>
    tpu.wait_dma2 semaphore(%arg12 : memref<!tpu.dma_semaphore, #tpu.memory_space<semaphore_mem>>) src(%dma_wait3A_177 : memref<16x512xf32, #tpu.memory_space<hbm>>) dst(%dma_wait3A_174 : memref<16x512xf32, #tpu.memory_space<vmem>>)
    %dma_wait3A_178 = arith.constant 0 : i32
    %dma_wait3A_179 = arith.constant 640 : i32
    %dma_wait3A_180 = tpu.memref_slice %arg8[%dma_wait3A_178, %dma_wait3A_179] : memref<16x1152xf32, #tpu.memory_space<vmem>> -> memref<16x512xf32, #tpu.memory_space<vmem>>
    %dma_wait3A_181 = arith.constant 0 : i32
    %dma_wait3A_182 = tpu.memref_slice %arg3[%select_n3A_9, %dma_wait3A_181, %add3A_92] : memref<4x16x8832xf32, #tpu.memory_space<hbm>> -> memref<1x16x512xf32, #tpu.memory_space<hbm>>
    %dma_wait3A_183 = tpu.memref_squeeze %dma_wait3A_182 : memref<1x16x512xf32, #tpu.memory_space<hbm>> -> memref<16x512xf32, #tpu.memory_space<hbm>>
    %dma_wait3A_184 = arith.constant 0 : i32
    %dma_wait3A_185 = arith.constant 640 : i32
    %dma_wait3A_186 = tpu.memref_slice %arg8[%dma_wait3A_184, %dma_wait3A_185] : memref<16x1152xf32, #tpu.memory_space<vmem>> -> memref<16x512xf32, #tpu.memory_space<vmem>>
    %dma_wait3A_187 = arith.constant 0 : i32
    %dma_wait3A_188 = tpu.memref_slice %arg3[%select_n3A_9, %dma_wait3A_187, %add3A_92] : memref<4x16x8832xf32, #tpu.memory_space<hbm>> -> memref<1x16x512xf32, #tpu.memory_space<hbm>>
    %dma_wait3A_189 = tpu.memref_squeeze %dma_wait3A_188 : memref<1x16x512xf32, #tpu.memory_space<hbm>> -> memref<16x512xf32, #tpu.memory_space<hbm>>
    tpu.wait_dma2 semaphore(%arg12 : memref<!tpu.dma_semaphore, #tpu.memory_space<semaphore_mem>>) src(%dma_wait3A_189 : memref<16x512xf32, #tpu.memory_space<hbm>>) dst(%dma_wait3A_186 : memref<16x512xf32, #tpu.memory_space<vmem>>)
    %dma_wait3A_190 = arith.constant 0 : i32
    %dma_wait3A_191 = arith.constant 640 : i32
    %dma_wait3A_192 = tpu.memref_slice %arg9[%dma_wait3A_190, %dma_wait3A_191] : memref<16x1152xi32, #tpu.memory_space<vmem>> -> memref<16x512xi32, #tpu.memory_space<vmem>>
    %dma_wait3A_193 = arith.constant 0 : i32
    %dma_wait3A_194 = tpu.memref_slice %arg4[%dma_wait3A_193, %add3A_106] : memref<16x8832xi32, #tpu.memory_space<hbm>> -> memref<16x512xi32, #tpu.memory_space<hbm>>
    %dma_wait3A_195 = arith.constant 0 : i32
    %dma_wait3A_196 = arith.constant 640 : i32
    %dma_wait3A_197 = tpu.memref_slice %arg9[%dma_wait3A_195, %dma_wait3A_196] : memref<16x1152xi32, #tpu.memory_space<vmem>> -> memref<16x512xi32, #tpu.memory_space<vmem>>
    %dma_wait3A_198 = arith.constant 0 : i32
    %dma_wait3A_199 = tpu.memref_slice %arg4[%dma_wait3A_198, %add3A_106] : memref<16x8832xi32, #tpu.memory_space<hbm>> -> memref<16x512xi32, #tpu.memory_space<hbm>>
    tpu.wait_dma2 semaphore(%arg12 : memref<!tpu.dma_semaphore, #tpu.memory_space<semaphore_mem>>) src(%dma_wait3A_199 : memref<16x512xi32, #tpu.memory_space<hbm>>) dst(%dma_wait3A_197 : memref<16x512xi32, #tpu.memory_space<vmem>>)
    %scan3A = arith.constant 40 : i32
    %scan3A_200 = arith.constant 32 : i32
    %scan3A_201 = arith.addi %scan3A, %scan3A_200 : i32
    %scan3A_202 = arith.constant 1 : i32
    %scan3A_203:4 = scf.for %scan3A_209 = %scan3A to %scan3A_201 step %scan3A_202 iter_args(%scan3A_210 = %while3A_165#0, %scan3A_211 = %while3A_165#1, %scan3A_212 = %while3A_165#2, %scan3A_213 = %while3A_165#3) -> (vector<16xf32>, vector<16xf32>, vector<16xf32>, vector<16xf32>)  : i32 {
      %mul3A_214 = arith.constant 16 : i32
      %mul3A_215 = arith.muli %scan3A_209, %mul3A_214 : i32
      %get3A = arith.index_cast %mul3A_215 : i32 to index
      %get3A_216 = tpu.vector_load %arg10[%get3A] {strides = array<i32>} : memref<1152xf32, #tpu.memory_space<vmem>>, vector<16xf32>,
      %get3A_217 = arith.constant 0 : i32
      %get3A_218 = arith.index_cast %get3A_217 : i32 to index
      %get3A_219 = arith.index_cast %mul3A_215 : i32 to index
      %get3A_220 = tpu.vector_load %arg7[%get3A_218, %get3A_219] {strides = array<i32>} : memref<16x1152xf32, #tpu.memory_space<vmem>>, vector<16xf32>,
      %get3A_221 = arith.constant 0 : i32
      %get3A_222 = arith.index_cast %get3A_221 : i32 to index
      %get3A_223 = arith.index_cast %mul3A_215 : i32 to index
      %get3A_224 = tpu.vector_load %arg8[%get3A_222, %get3A_223] {strides = array<i32>} : memref<16x1152xf32, #tpu.memory_space<vmem>>, vector<16xf32>,
      %get3A_225 = arith.constant 0 : i32
      %get3A_226 = arith.index_cast %get3A_225 : i32 to index
      %get3A_227 = arith.index_cast %mul3A_215 : i32 to index
      %get3A_228 = tpu.vector_load %arg9[%get3A_226, %get3A_227] {strides = array<i32>} : memref<16x1152xi32, #tpu.memory_space<vmem>>, vector<16xi32>,
      %add3A_229 = arith.addf %get3A_220, %get3A_216 : vector<16xf32>
      %max3A = arith.constant 0.000000e+00 : f32
      %max3A_230 = vector.broadcast %max3A : f32 to vector<16xf32>
      %max3A_231 = arith.maximumf %add3A_229, %max3A_230 : vector<16xf32>
      %min3A_232 = arith.constant 3.000000e+02 : f32
      %min3A_233 = vector.broadcast %min3A_232 : f32 to vector<16xf32>
      %min3A_234 = arith.minimumf %max3A_231, %min3A_233 : vector<16xf32>
      %sub3A_235 = arith.subf %min3A_234, %get3A_224 : vector<16xf32>
      %abs3A = math.absf %sub3A_235 : vector<16xf32>
      %min3A_236 = arith.constant 1.000000e+00 : f32
      %min3A_237 = vector.broadcast %min3A_236 : f32 to vector<16xf32>
      %min3A_238 = arith.minimumf %abs3A, %min3A_237 : vector<16xf32>
      %mul3A_239 = arith.constant 5.000000e-01 : f32
      %mul3A_240 = vector.broadcast %mul3A_239 : f32 to vector<16xf32>
      %mul3A_241 = arith.mulf %mul3A_240, %min3A_238 : vector<16xf32>
      %sub3A_242 = arith.subf %abs3A, %mul3A_241 : vector<16xf32>
      %mul3A_243 = arith.mulf %min3A_238, %sub3A_242 : vector<16xf32>
      %ne3A_244 = arith.constant 20 : i32
      %ne3A_245 = vector.broadcast %ne3A_244 : i32 to vector<16xi32>
      %ne3A_246 = arith.cmpi ne, %get3A_228, %ne3A_245 : vector<16xi32>
      %jit3A_247 = arith.constant 0.000000e+00 : f32
      %broadcast_in_dim3A_248 = vector.broadcast %jit3A_247 : f32 to vector<16xf32>
      %select_n3A_249 = arith.select %ne3A_246, %mul3A_243, %broadcast_in_dim3A_248 : vector<16xi1>, vector<16xf32>
      %add3A_250 = arith.addf %scan3A_210, %select_n3A_249 : vector<16xf32>
      %get3A_251 = arith.constant 1 : i32
      %get3A_252 = arith.index_cast %get3A_251 : i32 to index
      %get3A_253 = arith.index_cast %mul3A_215 : i32 to index
      %get3A_254 = tpu.vector_load %arg7[%get3A_252, %get3A_253] {strides = array<i32>} : memref<16x1152xf32, #tpu.memory_space<vmem>>, vector<16xf32>,
      %get3A_255 = arith.constant 1 : i32
      %get3A_256 = arith.index_cast %get3A_255 : i32 to index
      %get3A_257 = arith.index_cast %mul3A_215 : i32 to index
      %get3A_258 = tpu.vector_load %arg8[%get3A_256, %get3A_257] {strides = array<i32>} : memref<16x1152xf32, #tpu.memory_space<vmem>>, vector<16xf32>,
      %get3A_259 = arith.constant 1 : i32
      %get3A_260 = arith.index_cast %get3A_259 : i32 to index
      %get3A_261 = arith.index_cast %mul3A_215 : i32 to index
      %get3A_262 = tpu.vector_load %arg9[%get3A_260, %get3A_261] {strides = array<i32>} : memref<16x1152xi32, #tpu.memory_space<vmem>>, vector<16xi32>,
      %add3A_263 = arith.addf %get3A_254, %get3A_216 : vector<16xf32>
      %max3A_264 = arith.constant 0.000000e+00 : f32
      %max3A_265 = vector.broadcast %max3A_264 : f32 to vector<16xf32>
      %max3A_266 = arith.maximumf %add3A_263, %max3A_265 : vector<16xf32>
      %min3A_267 = arith.constant 3.000000e+02 : f32
      %min3A_268 = vector.broadcast %min3A_267 : f32 to vector<16xf32>
      %min3A_269 = arith.minimumf %max3A_266, %min3A_268 : vector<16xf32>
      %sub3A_270 = arith.subf %min3A_269, %get3A_258 : vector<16xf32>
      %abs3A_271 = math.absf %sub3A_270 : vector<16xf32>
      %min3A_272 = arith.constant 1.000000e+00 : f32
      %min3A_273 = vector.broadcast %min3A_272 : f32 to vector<16xf32>
      %min3A_274 = arith.minimumf %abs3A_271, %min3A_273 : vector<16xf32>
      %mul3A_275 = arith.constant 5.000000e-01 : f32
      %mul3A_276 = vector.broadcast %mul3A_275 : f32 to vector<16xf32>
      %mul3A_277 = arith.mulf %mul3A_276, %min3A_274 : vector<16xf32>
      %sub3A_278 = arith.subf %abs3A_271, %mul3A_277 : vector<16xf32>
      %mul3A_279 = arith.mulf %min3A_274, %sub3A_278 : vector<16xf32>
      %ne3A_280 = arith.constant 20 : i32
      %ne3A_281 = vector.broadcast %ne3A_280 : i32 to vector<16xi32>
      %ne3A_282 = arith.cmpi ne, %get3A_262, %ne3A_281 : vector<16xi32>
      %jit3A_283 = arith.constant 0.000000e+00 : f32
      %broadcast_in_dim3A_284 = vector.broadcast %jit3A_283 : f32 to vector<16xf32>
      %select_n3A_285 = arith.select %ne3A_282, %mul3A_279, %broadcast_in_dim3A_284 : vector<16xi1>, vector<16xf32>
      %add3A_286 = arith.addf %scan3A_211, %select_n3A_285 : vector<16xf32>
      %get3A_287 = arith.constant 2 : i32
      %get3A_288 = arith.index_cast %get3A_287 : i32 to index
      %get3A_289 = arith.index_cast %mul3A_215 : i32 to index
      %get3A_290 = tpu.vector_load %arg7[%get3A_288, %get3A_289] {strides = array<i32>} : memref<16x1152xf32, #tpu.memory_space<vmem>>, vector<16xf32>,
      %get3A_291 = arith.constant 2 : i32
      %get3A_292 = arith.index_cast %get3A_291 : i32 to index
      %get3A_293 = arith.index_cast %mul3A_215 : i32 to index
      %get3A_294 = tpu.vector_load %arg8[%get3A_292, %get3A_293] {strides = array<i32>} : memref<16x1152xf32, #tpu.memory_space<vmem>>, vector<16xf32>,
      %get3A_295 = arith.constant 2 : i32
      %get3A_296 = arith.index_cast %get3A_295 : i32 to index
      %get3A_297 = arith.index_cast %mul3A_215 : i32 to index
      %get3A_298 = tpu.vector_load %arg9[%get3A_296, %get3A_297] {strides = array<i32>} : memref<16x1152xi32, #tpu.memory_space<vmem>>, vector<16xi32>,
      %add3A_299 = arith.addf %get3A_290, %get3A_216 : vector<16xf32>
      %max3A_300 = arith.constant 0.000000e+00 : f32
      %max3A_301 = vector.broadcast %max3A_300 : f32 to vector<16xf32>
      %max3A_302 = arith.maximumf %add3A_299, %max3A_301 : vector<16xf32>
      %min3A_303 = arith.constant 3.000000e+02 : f32
      %min3A_304 = vector.broadcast %min3A_303 : f32 to vector<16xf32>
      %min3A_305 = arith.minimumf %max3A_302, %min3A_304 : vector<16xf32>
      %sub3A_306 = arith.subf %min3A_305, %get3A_294 : vector<16xf32>
      %abs3A_307 = math.absf %sub3A_306 : vector<16xf32>
      %min3A_308 = arith.constant 1.000000e+00 : f32
      %min3A_309 = vector.broadcast %min3A_308 : f32 to vector<16xf32>
      %min3A_310 = arith.minimumf %abs3A_307, %min3A_309 : vector<16xf32>
      %mul3A_311 = arith.constant 5.000000e-01 : f32
      %mul3A_312 = vector.broadcast %mul3A_311 : f32 to vector<16xf32>
      %mul3A_313 = arith.mulf %mul3A_312, %min3A_310 : vector<16xf32>
      %sub3A_314 = arith.subf %abs3A_307, %mul3A_313 : vector<16xf32>
      %mul3A_315 = arith.mulf %min3A_310, %sub3A_314 : vector<16xf32>
      %ne3A_316 = arith.constant 20 : i32
      %ne3A_317 = vector.broadcast %ne3A_316 : i32 to vector<16xi32>
      %ne3A_318 = arith.cmpi ne, %get3A_298, %ne3A_317 : vector<16xi32>
      %jit3A_319 = arith.constant 0.000000e+00 : f32
      %broadcast_in_dim3A_320 = vector.broadcast %jit3A_319 : f32 to vector<16xf32>
      %select_n3A_321 = arith.select %ne3A_318, %mul3A_315, %broadcast_in_dim3A_320 : vector<16xi1>, vector<16xf32>
      %add3A_322 = arith.addf %scan3A_212, %select_n3A_321 : vector<16xf32>
      %get3A_323 = arith.constant 3 : i32
      %get3A_324 = arith.index_cast %get3A_323 : i32 to index
      %get3A_325 = arith.index_cast %mul3A_215 : i32 to index
      %get3A_326 = tpu.vector_load %arg7[%get3A_324, %get3A_325] {strides = array<i32>} : memref<16x1152xf32, #tpu.memory_space<vmem>>, vector<16xf32>,
      %get3A_327 = arith.constant 3 : i32
      %get3A_328 = arith.index_cast %get3A_327 : i32 to index
      %get3A_329 = arith.index_cast %mul3A_215 : i32 to index
      %get3A_330 = tpu.vector_load %arg8[%get3A_328, %get3A_329] {strides = array<i32>} : memref<16x1152xf32, #tpu.memory_space<vmem>>, vector<16xf32>,
      %get3A_331 = arith.constant 3 : i32
      %get3A_332 = arith.index_cast %get3A_331 : i32 to index
      %get3A_333 = arith.index_cast %mul3A_215 : i32 to index
      %get3A_334 = tpu.vector_load %arg9[%get3A_332, %get3A_333] {strides = array<i32>} : memref<16x1152xi32, #tpu.memory_space<vmem>>, vector<16xi32>,
      %add3A_335 = arith.addf %get3A_326, %get3A_216 : vector<16xf32>
      %max3A_336 = arith.constant 0.000000e+00 : f32
      %max3A_337 = vector.broadcast %max3A_336 : f32 to vector<16xf32>
      %max3A_338 = arith.maximumf %add3A_335, %max3A_337 : vector<16xf32>
      %min3A_339 = arith.constant 3.000000e+02 : f32
      %min3A_340 = vector.broadcast %min3A_339 : f32 to vector<16xf32>
      %min3A_341 = arith.minimumf %max3A_338, %min3A_340 : vector<16xf32>
      %sub3A_342 = arith.subf %min3A_341, %get3A_330 : vector<16xf32>
      %abs3A_343 = math.absf %sub3A_342 : vector<16xf32>
      %min3A_344 = arith.constant 1.000000e+00 : f32
      %min3A_345 = vector.broadcast %min3A_344 : f32 to vector<16xf32>
      %min3A_346 = arith.minimumf %abs3A_343, %min3A_345 : vector<16xf32>
      %mul3A_347 = arith.constant 5.000000e-01 : f32
      %mul3A_348 = vector.broadcast %mul3A_347 : f32 to vector<16xf32>
      %mul3A_349 = arith.mulf %mul3A_348, %min3A_346 : vector<16xf32>
      %sub3A_350 = arith.subf %abs3A_343, %mul3A_349 : vector<16xf32>
      %mul3A_351 = arith.mulf %min3A_346, %sub3A_350 : vector<16xf32>
      %ne3A_352 = arith.constant 20 : i32
      %ne3A_353 = vector.broadcast %ne3A_352 : i32 to vector<16xi32>
      %ne3A_354 = arith.cmpi ne, %get3A_334, %ne3A_353 : vector<16xi32>
      %jit3A_355 = arith.constant 0.000000e+00 : f32
      %broadcast_in_dim3A_356 = vector.broadcast %jit3A_355 : f32 to vector<16xf32>
      %select_n3A_357 = arith.select %ne3A_354, %mul3A_351, %broadcast_in_dim3A_356 : vector<16xi1>, vector<16xf32>
      %add3A_358 = arith.addf %scan3A_213, %select_n3A_357 : vector<16xf32>
      %get3A_359 = arith.constant 4 : i32
      %get3A_360 = arith.index_cast %get3A_359 : i32 to index
      %get3A_361 = arith.index_cast %mul3A_215 : i32 to index
      %get3A_362 = tpu.vector_load %arg7[%get3A_360, %get3A_361] {strides = array<i32>} : memref<16x1152xf32, #tpu.memory_space<vmem>>, vector<16xf32>,
      %get3A_363 = arith.constant 4 : i32
      %get3A_364 = arith.index_cast %get3A_363 : i32 to index
      %get3A_365 = arith.index_cast %mul3A_215 : i32 to index
      %get3A_366 = tpu.vector_load %arg8[%get3A_364, %get3A_365] {strides = array<i32>} : memref<16x1152xf32, #tpu.memory_space<vmem>>, vector<16xf32>,
      %get3A_367 = arith.constant 4 : i32
      %get3A_368 = arith.index_cast %get3A_367 : i32 to index
      %get3A_369 = arith.index_cast %mul3A_215 : i32 to index
      %get3A_370 = tpu.vector_load %arg9[%get3A_368, %get3A_369] {strides = array<i32>} : memref<16x1152xi32, #tpu.memory_space<vmem>>, vector<16xi32>,
      %add3A_371 = arith.addf %get3A_362, %get3A_216 : vector<16xf32>
      %max3A_372 = arith.constant 0.000000e+00 : f32
      %max3A_373 = vector.broadcast %max3A_372 : f32 to vector<16xf32>
      %max3A_374 = arith.maximumf %add3A_371, %max3A_373 : vector<16xf32>
      %min3A_375 = arith.constant 3.000000e+02 : f32
      %min3A_376 = vector.broadcast %min3A_375 : f32 to vector<16xf32>
      %min3A_377 = arith.minimumf %max3A_374, %min3A_376 : vector<16xf32>
      %sub3A_378 = arith.subf %min3A_377, %get3A_366 : vector<16xf32>
      %abs3A_379 = math.absf %sub3A_378 : vector<16xf32>
      %min3A_380 = arith.constant 1.000000e+00 : f32
      %min3A_381 = vector.broadcast %min3A_380 : f32 to vector<16xf32>
      %min3A_382 = arith.minimumf %abs3A_379, %min3A_381 : vector<16xf32>
      %mul3A_383 = arith.constant 5.000000e-01 : f32
      %mul3A_384 = vector.broadcast %mul3A_383 : f32 to vector<16xf32>
      %mul3A_385 = arith.mulf %mul3A_384, %min3A_382 : vector<16xf32>
      %sub3A_386 = arith.subf %abs3A_379, %mul3A_385 : vector<16xf32>
      %mul3A_387 = arith.mulf %min3A_382, %sub3A_386 : vector<16xf32>
      %ne3A_388 = arith.constant 20 : i32
      %ne3A_389 = vector.broadcast %ne3A_388 : i32 to vector<16xi32>
      %ne3A_390 = arith.cmpi ne, %get3A_370, %ne3A_389 : vector<16xi32>
      %jit3A_391 = arith.constant 0.000000e+00 : f32
      %broadcast_in_dim3A_392 = vector.broadcast %jit3A_391 : f32 to vector<16xf32>
      %select_n3A_393 = arith.select %ne3A_390, %mul3A_387, %broadcast_in_dim3A_392 : vector<16xi1>, vector<16xf32>
      %add3A_394 = arith.addf %add3A_250, %select_n3A_393 : vector<16xf32>
      %get3A_395 = arith.constant 5 : i32
      %get3A_396 = arith.index_cast %get3A_395 : i32 to index
      %get3A_397 = arith.index_cast %mul3A_215 : i32 to index
      %get3A_398 = tpu.vector_load %arg7[%get3A_396, %get3A_397] {strides = array<i32>} : memref<16x1152xf32, #tpu.memory_space<vmem>>, vector<16xf32>,
      %get3A_399 = arith.constant 5 : i32
      %get3A_400 = arith.index_cast %get3A_399 : i32 to index
      %get3A_401 = arith.index_cast %mul3A_215 : i32 to index
      %get3A_402 = tpu.vector_load %arg8[%get3A_400, %get3A_401] {strides = array<i32>} : memref<16x1152xf32, #tpu.memory_space<vmem>>, vector<16xf32>,
      %get3A_403 = arith.constant 5 : i32
      %get3A_404 = arith.index_cast %get3A_403 : i32 to index
      %get3A_405 = arith.index_cast %mul3A_215 : i32 to index
      %get3A_406 = tpu.vector_load %arg9[%get3A_404, %get3A_405] {strides = array<i32>} : memref<16x1152xi32, #tpu.memory_space<vmem>>, vector<16xi32>,
      %add3A_407 = arith.addf %get3A_398, %get3A_216 : vector<16xf32>
      %max3A_408 = arith.constant 0.000000e+00 : f32
      %max3A_409 = vector.broadcast %max3A_408 : f32 to vector<16xf32>
      %max3A_410 = arith.maximumf %add3A_407, %max3A_409 : vector<16xf32>
      %min3A_411 = arith.constant 3.000000e+02 : f32
      %min3A_412 = vector.broadcast %min3A_411 : f32 to vector<16xf32>
      %min3A_413 = arith.minimumf %max3A_410, %min3A_412 : vector<16xf32>
      %sub3A_414 = arith.subf %min3A_413, %get3A_402 : vector<16xf32>
      %abs3A_415 = math.absf %sub3A_414 : vector<16xf32>
      %min3A_416 = arith.constant 1.000000e+00 : f32
      %min3A_417 = vector.broadcast %min3A_416 : f32 to vector<16xf32>
      %min3A_418 = arith.minimumf %abs3A_415, %min3A_417 : vector<16xf32>
      %mul3A_419 = arith.constant 5.000000e-01 : f32
      %mul3A_420 = vector.broadcast %mul3A_419 : f32 to vector<16xf32>
      %mul3A_421 = arith.mulf %mul3A_420, %min3A_418 : vector<16xf32>
      %sub3A_422 = arith.subf %abs3A_415, %mul3A_421 : vector<16xf32>
      %mul3A_423 = arith.mulf %min3A_418, %sub3A_422 : vector<16xf32>
      %ne3A_424 = arith.constant 20 : i32
      %ne3A_425 = vector.broadcast %ne3A_424 : i32 to vector<16xi32>
      %ne3A_426 = arith.cmpi ne, %get3A_406, %ne3A_425 : vector<16xi32>
      %jit3A_427 = arith.constant 0.000000e+00 : f32
      %broadcast_in_dim3A_428 = vector.broadcast %jit3A_427 : f32 to vector<16xf32>
      %select_n3A_429 = arith.select %ne3A_426, %mul3A_423, %broadcast_in_dim3A_428 : vector<16xi1>, vector<16xf32>
      %add3A_430 = arith.addf %add3A_286, %select_n3A_429 : vector<16xf32>
      %get3A_431 = arith.constant 6 : i32
      %get3A_432 = arith.index_cast %get3A_431 : i32 to index
      %get3A_433 = arith.index_cast %mul3A_215 : i32 to index
      %get3A_434 = tpu.vector_load %arg7[%get3A_432, %get3A_433] {strides = array<i32>} : memref<16x1152xf32, #tpu.memory_space<vmem>>, vector<16xf32>,
      %get3A_435 = arith.constant 6 : i32
      %get3A_436 = arith.index_cast %get3A_435 : i32 to index
      %get3A_437 = arith.index_cast %mul3A_215 : i32 to index
      %get3A_438 = tpu.vector_load %arg8[%get3A_436, %get3A_437] {strides = array<i32>} : memref<16x1152xf32, #tpu.memory_space<vmem>>, vector<16xf32>,
      %get3A_439 = arith.constant 6 : i32
      %get3A_440 = arith.index_cast %get3A_439 : i32 to index
      %get3A_441 = arith.index_cast %mul3A_215 : i32 to index
      %get3A_442 = tpu.vector_load %arg9[%get3A_440, %get3A_441] {strides = array<i32>} : memref<16x1152xi32, #tpu.memory_space<vmem>>, vector<16xi32>,
      %add3A_443 = arith.addf %get3A_434, %get3A_216 : vector<16xf32>
      %max3A_444 = arith.constant 0.000000e+00 : f32
      %max3A_445 = vector.broadcast %max3A_444 : f32 to vector<16xf32>
      %max3A_446 = arith.maximumf %add3A_443, %max3A_445 : vector<16xf32>
      %min3A_447 = arith.constant 3.000000e+02 : f32
      %min3A_448 = vector.broadcast %min3A_447 : f32 to vector<16xf32>
      %min3A_449 = arith.minimumf %max3A_446, %min3A_448 : vector<16xf32>
      %sub3A_450 = arith.subf %min3A_449, %get3A_438 : vector<16xf32>
      %abs3A_451 = math.absf %sub3A_450 : vector<16xf32>
      %min3A_452 = arith.constant 1.000000e+00 : f32
      %min3A_453 = vector.broadcast %min3A_452 : f32 to vector<16xf32>
      %min3A_454 = arith.minimumf %abs3A_451, %min3A_453 : vector<16xf32>
      %mul3A_455 = arith.constant 5.000000e-01 : f32
      %mul3A_456 = vector.broadcast %mul3A_455 : f32 to vector<16xf32>
      %mul3A_457 = arith.mulf %mul3A_456, %min3A_454 : vector<16xf32>
      %sub3A_458 = arith.subf %abs3A_451, %mul3A_457 : vector<16xf32>
      %mul3A_459 = arith.mulf %min3A_454, %sub3A_458 : vector<16xf32>
      %ne3A_460 = arith.constant 20 : i32
      %ne3A_461 = vector.broadcast %ne3A_460 : i32 to vector<16xi32>
      %ne3A_462 = arith.cmpi ne, %get3A_442, %ne3A_461 : vector<16xi32>
      %jit3A_463 = arith.constant 0.000000e+00 : f32
      %broadcast_in_dim3A_464 = vector.broadcast %jit3A_463 : f32 to vector<16xf32>
      %select_n3A_465 = arith.select %ne3A_462, %mul3A_459, %broadcast_in_dim3A_464 : vector<16xi1>, vector<16xf32>
      %add3A_466 = arith.addf %add3A_322, %select_n3A_465 : vector<16xf32>
      %get3A_467 = arith.constant 7 : i32
      %get3A_468 = arith.index_cast %get3A_467 : i32 to index
      %get3A_469 = arith.index_cast %mul3A_215 : i32 to index
      %get3A_470 = tpu.vector_load %arg7[%get3A_468, %get3A_469] {strides = array<i32>} : memref<16x1152xf32, #tpu.memory_space<vmem>>, vector<16xf32>,
      %get3A_471 = arith.constant 7 : i32
      %get3A_472 = arith.index_cast %get3A_471 : i32 to index
      %get3A_473 = arith.index_cast %mul3A_215 : i32 to index
      %get3A_474 = tpu.vector_load %arg8[%get3A_472, %get3A_473] {strides = array<i32>} : memref<16x1152xf32, #tpu.memory_space<vmem>>, vector<16xf32>,
      %get3A_475 = arith.constant 7 : i32
      %get3A_476 = arith.index_cast %get3A_475 : i32 to index
      %get3A_477 = arith.index_cast %mul3A_215 : i32 to index
      %get3A_478 = tpu.vector_load %arg9[%get3A_476, %get3A_477] {strides = array<i32>} : memref<16x1152xi32, #tpu.memory_space<vmem>>, vector<16xi32>,
      %add3A_479 = arith.addf %get3A_470, %get3A_216 : vector<16xf32>
      %max3A_480 = arith.constant 0.000000e+00 : f32
      %max3A_481 = vector.broadcast %max3A_480 : f32 to vector<16xf32>
      %max3A_482 = arith.maximumf %add3A_479, %max3A_481 : vector<16xf32>
      %min3A_483 = arith.constant 3.000000e+02 : f32
      %min3A_484 = vector.broadcast %min3A_483 : f32 to vector<16xf32>
      %min3A_485 = arith.minimumf %max3A_482, %min3A_484 : vector<16xf32>
      %sub3A_486 = arith.subf %min3A_485, %get3A_474 : vector<16xf32>
      %abs3A_487 = math.absf %sub3A_486 : vector<16xf32>
      %min3A_488 = arith.constant 1.000000e+00 : f32
      %min3A_489 = vector.broadcast %min3A_488 : f32 to vector<16xf32>
      %min3A_490 = arith.minimumf %abs3A_487, %min3A_489 : vector<16xf32>
      %mul3A_491 = arith.constant 5.000000e-01 : f32
      %mul3A_492 = vector.broadcast %mul3A_491 : f32 to vector<16xf32>
      %mul3A_493 = arith.mulf %mul3A_492, %min3A_490 : vector<16xf32>
      %sub3A_494 = arith.subf %abs3A_487, %mul3A_493 : vector<16xf32>
      %mul3A_495 = arith.mulf %min3A_490, %sub3A_494 : vector<16xf32>
      %ne3A_496 = arith.constant 20 : i32
      %ne3A_497 = vector.broadcast %ne3A_496 : i32 to vector<16xi32>
      %ne3A_498 = arith.cmpi ne, %get3A_478, %ne3A_497 : vector<16xi32>
      %jit3A_499 = arith.constant 0.000000e+00 : f32
      %broadcast_in_dim3A_500 = vector.broadcast %jit3A_499 : f32 to vector<16xf32>
      %select_n3A_501 = arith.select %ne3A_498, %mul3A_495, %broadcast_in_dim3A_500 : vector<16xi1>, vector<16xf32>
      %add3A_502 = arith.addf %add3A_358, %select_n3A_501 : vector<16xf32>
      %get3A_503 = arith.constant 8 : i32
      %get3A_504 = arith.index_cast %get3A_503 : i32 to index
      %get3A_505 = arith.index_cast %mul3A_215 : i32 to index
      %get3A_506 = tpu.vector_load %arg7[%get3A_504, %get3A_505] {strides = array<i32>} : memref<16x1152xf32, #tpu.memory_space<vmem>>, vector<16xf32>,
      %get3A_507 = arith.constant 8 : i32
      %get3A_508 = arith.index_cast %get3A_507 : i32 to index
      %get3A_509 = arith.index_cast %mul3A_215 : i32 to index
      %get3A_510 = tpu.vector_load %arg8[%get3A_508, %get3A_509] {strides = array<i32>} : memref<16x1152xf32, #tpu.memory_space<vmem>>, vector<16xf32>,
      %get3A_511 = arith.constant 8 : i32
      %get3A_512 = arith.index_cast %get3A_511 : i32 to index
      %get3A_513 = arith.index_cast %mul3A_215 : i32 to index
      %get3A_514 = tpu.vector_load %arg9[%get3A_512, %get3A_513] {strides = array<i32>} : memref<16x1152xi32, #tpu.memory_space<vmem>>, vector<16xi32>,
      %add3A_515 = arith.addf %get3A_506, %get3A_216 : vector<16xf32>
      %max3A_516 = arith.constant 0.000000e+00 : f32
      %max3A_517 = vector.broadcast %max3A_516 : f32 to vector<16xf32>
      %max3A_518 = arith.maximumf %add3A_515, %max3A_517 : vector<16xf32>
      %min3A_519 = arith.constant 3.000000e+02 : f32
      %min3A_520 = vector.broadcast %min3A_519 : f32 to vector<16xf32>
      %min3A_521 = arith.minimumf %max3A_518, %min3A_520 : vector<16xf32>
      %sub3A_522 = arith.subf %min3A_521, %get3A_510 : vector<16xf32>
      %abs3A_523 = math.absf %sub3A_522 : vector<16xf32>
      %min3A_524 = arith.constant 1.000000e+00 : f32
      %min3A_525 = vector.broadcast %min3A_524 : f32 to vector<16xf32>
      %min3A_526 = arith.minimumf %abs3A_523, %min3A_525 : vector<16xf32>
      %mul3A_527 = arith.constant 5.000000e-01 : f32
      %mul3A_528 = vector.broadcast %mul3A_527 : f32 to vector<16xf32>
      %mul3A_529 = arith.mulf %mul3A_528, %min3A_526 : vector<16xf32>
      %sub3A_530 = arith.subf %abs3A_523, %mul3A_529 : vector<16xf32>
      %mul3A_531 = arith.mulf %min3A_526, %sub3A_530 : vector<16xf32>
      %ne3A_532 = arith.constant 20 : i32
      %ne3A_533 = vector.broadcast %ne3A_532 : i32 to vector<16xi32>
      %ne3A_534 = arith.cmpi ne, %get3A_514, %ne3A_533 : vector<16xi32>
      %jit3A_535 = arith.constant 0.000000e+00 : f32
      %broadcast_in_dim3A_536 = vector.broadcast %jit3A_535 : f32 to vector<16xf32>
      %select_n3A_537 = arith.select %ne3A_534, %mul3A_531, %broadcast_in_dim3A_536 : vector<16xi1>, vector<16xf32>
      %add3A_538 = arith.addf %add3A_394, %select_n3A_537 : vector<16xf32>
      %get3A_539 = arith.constant 9 : i32
      %get3A_540 = arith.index_cast %get3A_539 : i32 to index
      %get3A_541 = arith.index_cast %mul3A_215 : i32 to index
      %get3A_542 = tpu.vector_load %arg7[%get3A_540, %get3A_541] {strides = array<i32>} : memref<16x1152xf32, #tpu.memory_space<vmem>>, vector<16xf32>,
      %get3A_543 = arith.constant 9 : i32
      %get3A_544 = arith.index_cast %get3A_543 : i32 to index
      %get3A_545 = arith.index_cast %mul3A_215 : i32 to index
      %get3A_546 = tpu.vector_load %arg8[%get3A_544, %get3A_545] {strides = array<i32>} : memref<16x1152xf32, #tpu.memory_space<vmem>>, vector<16xf32>,
      %get3A_547 = arith.constant 9 : i32
      %get3A_548 = arith.index_cast %get3A_547 : i32 to index
      %get3A_549 = arith.index_cast %mul3A_215 : i32 to index
      %get3A_550 = tpu.vector_load %arg9[%get3A_548, %get3A_549] {strides = array<i32>} : memref<16x1152xi32, #tpu.memory_space<vmem>>, vector<16xi32>,
      %add3A_551 = arith.addf %get3A_542, %get3A_216 : vector<16xf32>
      %max3A_552 = arith.constant 0.000000e+00 : f32
      %max3A_553 = vector.broadcast %max3A_552 : f32 to vector<16xf32>
      %max3A_554 = arith.maximumf %add3A_551, %max3A_553 : vector<16xf32>
      %min3A_555 = arith.constant 3.000000e+02 : f32
      %min3A_556 = vector.broadcast %min3A_555 : f32 to vector<16xf32>
      %min3A_557 = arith.minimumf %max3A_554, %min3A_556 : vector<16xf32>
      %sub3A_558 = arith.subf %min3A_557, %get3A_546 : vector<16xf32>
      %abs3A_559 = math.absf %sub3A_558 : vector<16xf32>
      %min3A_560 = arith.constant 1.000000e+00 : f32
      %min3A_561 = vector.broadcast %min3A_560 : f32 to vector<16xf32>
      %min3A_562 = arith.minimumf %abs3A_559, %min3A_561 : vector<16xf32>
      %mul3A_563 = arith.constant 5.000000e-01 : f32
      %mul3A_564 = vector.broadcast %mul3A_563 : f32 to vector<16xf32>
      %mul3A_565 = arith.mulf %mul3A_564, %min3A_562 : vector<16xf32>
      %sub3A_566 = arith.subf %abs3A_559, %mul3A_565 : vector<16xf32>
      %mul3A_567 = arith.mulf %min3A_562, %sub3A_566 : vector<16xf32>
      %ne3A_568 = arith.constant 20 : i32
      %ne3A_569 = vector.broadcast %ne3A_568 : i32 to vector<16xi32>
      %ne3A_570 = arith.cmpi ne, %get3A_550, %ne3A_569 : vector<16xi32>
      %jit3A_571 = arith.constant 0.000000e+00 : f32
      %broadcast_in_dim3A_572 = vector.broadcast %jit3A_571 : f32 to vector<16xf32>
      %select_n3A_573 = arith.select %ne3A_570, %mul3A_567, %broadcast_in_dim3A_572 : vector<16xi1>, vector<16xf32>
      %add3A_574 = arith.addf %add3A_430, %select_n3A_573 : vector<16xf32>
      %get3A_575 = arith.constant 10 : i32
      %get3A_576 = arith.index_cast %get3A_575 : i32 to index
      %get3A_577 = arith.index_cast %mul3A_215 : i32 to index
      %get3A_578 = tpu.vector_load %arg7[%get3A_576, %get3A_577] {strides = array<i32>} : memref<16x1152xf32, #tpu.memory_space<vmem>>, vector<16xf32>,
      %get3A_579 = arith.constant 10 : i32
      %get3A_580 = arith.index_cast %get3A_579 : i32 to index
      %get3A_581 = arith.index_cast %mul3A_215 : i32 to index
      %get3A_582 = tpu.vector_load %arg8[%get3A_580, %get3A_581] {strides = array<i32>} : memref<16x1152xf32, #tpu.memory_space<vmem>>, vector<16xf32>,
      %get3A_583 = arith.constant 10 : i32
      %get3A_584 = arith.index_cast %get3A_583 : i32 to index
      %get3A_585 = arith.index_cast %mul3A_215 : i32 to index
      %get3A_586 = tpu.vector_load %arg9[%get3A_584, %get3A_585] {strides = array<i32>} : memref<16x1152xi32, #tpu.memory_space<vmem>>, vector<16xi32>,
      %add3A_587 = arith.addf %get3A_578, %get3A_216 : vector<16xf32>
      %max3A_588 = arith.constant 0.000000e+00 : f32
      %max3A_589 = vector.broadcast %max3A_588 : f32 to vector<16xf32>
      %max3A_590 = arith.maximumf %add3A_587, %max3A_589 : vector<16xf32>
      %min3A_591 = arith.constant 3.000000e+02 : f32
      %min3A_592 = vector.broadcast %min3A_591 : f32 to vector<16xf32>
      %min3A_593 = arith.minimumf %max3A_590, %min3A_592 : vector<16xf32>
      %sub3A_594 = arith.subf %min3A_593, %get3A_582 : vector<16xf32>
      %abs3A_595 = math.absf %sub3A_594 : vector<16xf32>
      %min3A_596 = arith.constant 1.000000e+00 : f32
      %min3A_597 = vector.broadcast %min3A_596 : f32 to vector<16xf32>
      %min3A_598 = arith.minimumf %abs3A_595, %min3A_597 : vector<16xf32>
      %mul3A_599 = arith.constant 5.000000e-01 : f32
      %mul3A_600 = vector.broadcast %mul3A_599 : f32 to vector<16xf32>
      %mul3A_601 = arith.mulf %mul3A_600, %min3A_598 : vector<16xf32>
      %sub3A_602 = arith.subf %abs3A_595, %mul3A_601 : vector<16xf32>
      %mul3A_603 = arith.mulf %min3A_598, %sub3A_602 : vector<16xf32>
      %ne3A_604 = arith.constant 20 : i32
      %ne3A_605 = vector.broadcast %ne3A_604 : i32 to vector<16xi32>
      %ne3A_606 = arith.cmpi ne, %get3A_586, %ne3A_605 : vector<16xi32>
      %jit3A_607 = arith.constant 0.000000e+00 : f32
      %broadcast_in_dim3A_608 = vector.broadcast %jit3A_607 : f32 to vector<16xf32>
      %select_n3A_609 = arith.select %ne3A_606, %mul3A_603, %broadcast_in_dim3A_608 : vector<16xi1>, vector<16xf32>
      %add3A_610 = arith.addf %add3A_466, %select_n3A_609 : vector<16xf32>
      %get3A_611 = arith.constant 11 : i32
      %get3A_612 = arith.index_cast %get3A_611 : i32 to index
      %get3A_613 = arith.index_cast %mul3A_215 : i32 to index
      %get3A_614 = tpu.vector_load %arg7[%get3A_612, %get3A_613] {strides = array<i32>} : memref<16x1152xf32, #tpu.memory_space<vmem>>, vector<16xf32>,
      %get3A_615 = arith.constant 11 : i32
      %get3A_616 = arith.index_cast %get3A_615 : i32 to index
      %get3A_617 = arith.index_cast %mul3A_215 : i32 to index
      %get3A_618 = tpu.vector_load %arg8[%get3A_616, %get3A_617] {strides = array<i32>} : memref<16x1152xf32, #tpu.memory_space<vmem>>, vector<16xf32>,
      %get3A_619 = arith.constant 11 : i32
      %get3A_620 = arith.index_cast %get3A_619 : i32 to index
      %get3A_621 = arith.index_cast %mul3A_215 : i32 to index
      %get3A_622 = tpu.vector_load %arg9[%get3A_620, %get3A_621] {strides = array<i32>} : memref<16x1152xi32, #tpu.memory_space<vmem>>, vector<16xi32>,
      %add3A_623 = arith.addf %get3A_614, %get3A_216 : vector<16xf32>
      %max3A_624 = arith.constant 0.000000e+00 : f32
      %max3A_625 = vector.broadcast %max3A_624 : f32 to vector<16xf32>
      %max3A_626 = arith.maximumf %add3A_623, %max3A_625 : vector<16xf32>
      %min3A_627 = arith.constant 3.000000e+02 : f32
      %min3A_628 = vector.broadcast %min3A_627 : f32 to vector<16xf32>
      %min3A_629 = arith.minimumf %max3A_626, %min3A_628 : vector<16xf32>
      %sub3A_630 = arith.subf %min3A_629, %get3A_618 : vector<16xf32>
      %abs3A_631 = math.absf %sub3A_630 : vector<16xf32>
      %min3A_632 = arith.constant 1.000000e+00 : f32
      %min3A_633 = vector.broadcast %min3A_632 : f32 to vector<16xf32>
      %min3A_634 = arith.minimumf %abs3A_631, %min3A_633 : vector<16xf32>
      %mul3A_635 = arith.constant 5.000000e-01 : f32
      %mul3A_636 = vector.broadcast %mul3A_635 : f32 to vector<16xf32>
      %mul3A_637 = arith.mulf %mul3A_636, %min3A_634 : vector<16xf32>
      %sub3A_638 = arith.subf %abs3A_631, %mul3A_637 : vector<16xf32>
      %mul3A_639 = arith.mulf %min3A_634, %sub3A_638 : vector<16xf32>
      %ne3A_640 = arith.constant 20 : i32
      %ne3A_641 = vector.broadcast %ne3A_640 : i32 to vector<16xi32>
      %ne3A_642 = arith.cmpi ne, %get3A_622, %ne3A_641 : vector<16xi32>
      %jit3A_643 = arith.constant 0.000000e+00 : f32
      %broadcast_in_dim3A_644 = vector.broadcast %jit3A_643 : f32 to vector<16xf32>
      %select_n3A_645 = arith.select %ne3A_642, %mul3A_639, %broadcast_in_dim3A_644 : vector<16xi1>, vector<16xf32>
      %add3A_646 = arith.addf %add3A_502, %select_n3A_645 : vector<16xf32>
      %get3A_647 = arith.constant 12 : i32
      %get3A_648 = arith.index_cast %get3A_647 : i32 to index
      %get3A_649 = arith.index_cast %mul3A_215 : i32 to index
      %get3A_650 = tpu.vector_load %arg7[%get3A_648, %get3A_649] {strides = array<i32>} : memref<16x1152xf32, #tpu.memory_space<vmem>>, vector<16xf32>,
      %get3A_651 = arith.constant 12 : i32
      %get3A_652 = arith.index_cast %get3A_651 : i32 to index
      %get3A_653 = arith.index_cast %mul3A_215 : i32 to index
      %get3A_654 = tpu.vector_load %arg8[%get3A_652, %get3A_653] {strides = array<i32>} : memref<16x1152xf32, #tpu.memory_space<vmem>>, vector<16xf32>,
      %get3A_655 = arith.constant 12 : i32
      %get3A_656 = arith.index_cast %get3A_655 : i32 to index
      %get3A_657 = arith.index_cast %mul3A_215 : i32 to index
      %get3A_658 = tpu.vector_load %arg9[%get3A_656, %get3A_657] {strides = array<i32>} : memref<16x1152xi32, #tpu.memory_space<vmem>>, vector<16xi32>,
      %add3A_659 = arith.addf %get3A_650, %get3A_216 : vector<16xf32>
      %max3A_660 = arith.constant 0.000000e+00 : f32
      %max3A_661 = vector.broadcast %max3A_660 : f32 to vector<16xf32>
      %max3A_662 = arith.maximumf %add3A_659, %max3A_661 : vector<16xf32>
      %min3A_663 = arith.constant 3.000000e+02 : f32
      %min3A_664 = vector.broadcast %min3A_663 : f32 to vector<16xf32>
      %min3A_665 = arith.minimumf %max3A_662, %min3A_664 : vector<16xf32>
      %sub3A_666 = arith.subf %min3A_665, %get3A_654 : vector<16xf32>
      %abs3A_667 = math.absf %sub3A_666 : vector<16xf32>
      %min3A_668 = arith.constant 1.000000e+00 : f32
      %min3A_669 = vector.broadcast %min3A_668 : f32 to vector<16xf32>
      %min3A_670 = arith.minimumf %abs3A_667, %min3A_669 : vector<16xf32>
      %mul3A_671 = arith.constant 5.000000e-01 : f32
      %mul3A_672 = vector.broadcast %mul3A_671 : f32 to vector<16xf32>
      %mul3A_673 = arith.mulf %mul3A_672, %min3A_670 : vector<16xf32>
      %sub3A_674 = arith.subf %abs3A_667, %mul3A_673 : vector<16xf32>
      %mul3A_675 = arith.mulf %min3A_670, %sub3A_674 : vector<16xf32>
      %ne3A_676 = arith.constant 20 : i32
      %ne3A_677 = vector.broadcast %ne3A_676 : i32 to vector<16xi32>
      %ne3A_678 = arith.cmpi ne, %get3A_658, %ne3A_677 : vector<16xi32>
      %jit3A_679 = arith.constant 0.000000e+00 : f32
      %broadcast_in_dim3A_680 = vector.broadcast %jit3A_679 : f32 to vector<16xf32>
      %select_n3A_681 = arith.select %ne3A_678, %mul3A_675, %broadcast_in_dim3A_680 : vector<16xi1>, vector<16xf32>
      %add3A_682 = arith.addf %add3A_538, %select_n3A_681 : vector<16xf32>
      %get3A_683 = arith.constant 13 : i32
      %get3A_684 = arith.index_cast %get3A_683 : i32 to index
      %get3A_685 = arith.index_cast %mul3A_215 : i32 to index
      %get3A_686 = tpu.vector_load %arg7[%get3A_684, %get3A_685] {strides = array<i32>} : memref<16x1152xf32, #tpu.memory_space<vmem>>, vector<16xf32>,
      %get3A_687 = arith.constant 13 : i32
      %get3A_688 = arith.index_cast %get3A_687 : i32 to index
      %get3A_689 = arith.index_cast %mul3A_215 : i32 to index
      %get3A_690 = tpu.vector_load %arg8[%get3A_688, %get3A_689] {strides = array<i32>} : memref<16x1152xf32, #tpu.memory_space<vmem>>, vector<16xf32>,
      %get3A_691 = arith.constant 13 : i32
      %get3A_692 = arith.index_cast %get3A_691 : i32 to index
      %get3A_693 = arith.index_cast %mul3A_215 : i32 to index
      %get3A_694 = tpu.vector_load %arg9[%get3A_692, %get3A_693] {strides = array<i32>} : memref<16x1152xi32, #tpu.memory_space<vmem>>, vector<16xi32>,
      %add3A_695 = arith.addf %get3A_686, %get3A_216 : vector<16xf32>
      %max3A_696 = arith.constant 0.000000e+00 : f32
      %max3A_697 = vector.broadcast %max3A_696 : f32 to vector<16xf32>
      %max3A_698 = arith.maximumf %add3A_695, %max3A_697 : vector<16xf32>
      %min3A_699 = arith.constant 3.000000e+02 : f32
      %min3A_700 = vector.broadcast %min3A_699 : f32 to vector<16xf32>
      %min3A_701 = arith.minimumf %max3A_698, %min3A_700 : vector<16xf32>
      %sub3A_702 = arith.subf %min3A_701, %get3A_690 : vector<16xf32>
      %abs3A_703 = math.absf %sub3A_702 : vector<16xf32>
      %min3A_704 = arith.constant 1.000000e+00 : f32
      %min3A_705 = vector.broadcast %min3A_704 : f32 to vector<16xf32>
      %min3A_706 = arith.minimumf %abs3A_703, %min3A_705 : vector<16xf32>
      %mul3A_707 = arith.constant 5.000000e-01 : f32
      %mul3A_708 = vector.broadcast %mul3A_707 : f32 to vector<16xf32>
      %mul3A_709 = arith.mulf %mul3A_708, %min3A_706 : vector<16xf32>
      %sub3A_710 = arith.subf %abs3A_703, %mul3A_709 : vector<16xf32>
      %mul3A_711 = arith.mulf %min3A_706, %sub3A_710 : vector<16xf32>
      %ne3A_712 = arith.constant 20 : i32
      %ne3A_713 = vector.broadcast %ne3A_712 : i32 to vector<16xi32>
      %ne3A_714 = arith.cmpi ne, %get3A_694, %ne3A_713 : vector<16xi32>
      %jit3A_715 = arith.constant 0.000000e+00 : f32
      %broadcast_in_dim3A_716 = vector.broadcast %jit3A_715 : f32 to vector<16xf32>
      %select_n3A_717 = arith.select %ne3A_714, %mul3A_711, %broadcast_in_dim3A_716 : vector<16xi1>, vector<16xf32>
      %add3A_718 = arith.addf %add3A_574, %select_n3A_717 : vector<16xf32>
      %get3A_719 = arith.constant 14 : i32
      %get3A_720 = arith.index_cast %get3A_719 : i32 to index
      %get3A_721 = arith.index_cast %mul3A_215 : i32 to index
      %get3A_722 = tpu.vector_load %arg7[%get3A_720, %get3A_721] {strides = array<i32>} : memref<16x1152xf32, #tpu.memory_space<vmem>>, vector<16xf32>,
      %get3A_723 = arith.constant 14 : i32
      %get3A_724 = arith.index_cast %get3A_723 : i32 to index
      %get3A_725 = arith.index_cast %mul3A_215 : i32 to index
      %get3A_726 = tpu.vector_load %arg8[%get3A_724, %get3A_725] {strides = array<i32>} : memref<16x1152xf32, #tpu.memory_space<vmem>>, vector<16xf32>,
      %get3A_727 = arith.constant 14 : i32
      %get3A_728 = arith.index_cast %get3A_727 : i32 to index
      %get3A_729 = arith.index_cast %mul3A_215 : i32 to index
      %get3A_730 = tpu.vector_load %arg9[%get3A_728, %get3A_729] {strides = array<i32>} : memref<16x1152xi32, #tpu.memory_space<vmem>>, vector<16xi32>,
      %add3A_731 = arith.addf %get3A_722, %get3A_216 : vector<16xf32>
      %max3A_732 = arith.constant 0.000000e+00 : f32
      %max3A_733 = vector.broadcast %max3A_732 : f32 to vector<16xf32>
      %max3A_734 = arith.maximumf %add3A_731, %max3A_733 : vector<16xf32>
      %min3A_735 = arith.constant 3.000000e+02 : f32
      %min3A_736 = vector.broadcast %min3A_735 : f32 to vector<16xf32>
      %min3A_737 = arith.minimumf %max3A_734, %min3A_736 : vector<16xf32>
      %sub3A_738 = arith.subf %min3A_737, %get3A_726 : vector<16xf32>
      %abs3A_739 = math.absf %sub3A_738 : vector<16xf32>
      %min3A_740 = arith.constant 1.000000e+00 : f32
      %min3A_741 = vector.broadcast %min3A_740 : f32 to vector<16xf32>
      %min3A_742 = arith.minimumf %abs3A_739, %min3A_741 : vector<16xf32>
      %mul3A_743 = arith.constant 5.000000e-01 : f32
      %mul3A_744 = vector.broadcast %mul3A_743 : f32 to vector<16xf32>
      %mul3A_745 = arith.mulf %mul3A_744, %min3A_742 : vector<16xf32>
      %sub3A_746 = arith.subf %abs3A_739, %mul3A_745 : vector<16xf32>
      %mul3A_747 = arith.mulf %min3A_742, %sub3A_746 : vector<16xf32>
      %ne3A_748 = arith.constant 20 : i32
      %ne3A_749 = vector.broadcast %ne3A_748 : i32 to vector<16xi32>
      %ne3A_750 = arith.cmpi ne, %get3A_730, %ne3A_749 : vector<16xi32>
      %jit3A_751 = arith.constant 0.000000e+00 : f32
      %broadcast_in_dim3A_752 = vector.broadcast %jit3A_751 : f32 to vector<16xf32>
      %select_n3A_753 = arith.select %ne3A_750, %mul3A_747, %broadcast_in_dim3A_752 : vector<16xi1>, vector<16xf32>
      %add3A_754 = arith.addf %add3A_610, %select_n3A_753 : vector<16xf32>
      %get3A_755 = arith.constant 15 : i32
      %get3A_756 = arith.index_cast %get3A_755 : i32 to index
      %get3A_757 = arith.index_cast %mul3A_215 : i32 to index
      %get3A_758 = tpu.vector_load %arg7[%get3A_756, %get3A_757] {strides = array<i32>} : memref<16x1152xf32, #tpu.memory_space<vmem>>, vector<16xf32>,
      %get3A_759 = arith.constant 15 : i32
      %get3A_760 = arith.index_cast %get3A_759 : i32 to index
      %get3A_761 = arith.index_cast %mul3A_215 : i32 to index
      %get3A_762 = tpu.vector_load %arg8[%get3A_760, %get3A_761] {strides = array<i32>} : memref<16x1152xf32, #tpu.memory_space<vmem>>, vector<16xf32>,
      %get3A_763 = arith.constant 15 : i32
      %get3A_764 = arith.index_cast %get3A_763 : i32 to index
      %get3A_765 = arith.index_cast %mul3A_215 : i32 to index
      %get3A_766 = tpu.vector_load %arg9[%get3A_764, %get3A_765] {strides = array<i32>} : memref<16x1152xi32, #tpu.memory_space<vmem>>, vector<16xi32>,
      %add3A_767 = arith.addf %get3A_758, %get3A_216 : vector<16xf32>
      %max3A_768 = arith.constant 0.000000e+00 : f32
      %max3A_769 = vector.broadcast %max3A_768 : f32 to vector<16xf32>
      %max3A_770 = arith.maximumf %add3A_767, %max3A_769 : vector<16xf32>
      %min3A_771 = arith.constant 3.000000e+02 : f32
      %min3A_772 = vector.broadcast %min3A_771 : f32 to vector<16xf32>
      %min3A_773 = arith.minimumf %max3A_770, %min3A_772 : vector<16xf32>
      %sub3A_774 = arith.subf %min3A_773, %get3A_762 : vector<16xf32>
      %abs3A_775 = math.absf %sub3A_774 : vector<16xf32>
      %min3A_776 = arith.constant 1.000000e+00 : f32
      %min3A_777 = vector.broadcast %min3A_776 : f32 to vector<16xf32>
      %min3A_778 = arith.minimumf %abs3A_775, %min3A_777 : vector<16xf32>
      %mul3A_779 = arith.constant 5.000000e-01 : f32
      %mul3A_780 = vector.broadcast %mul3A_779 : f32 to vector<16xf32>
      %mul3A_781 = arith.mulf %mul3A_780, %min3A_778 : vector<16xf32>
      %sub3A_782 = arith.subf %abs3A_775, %mul3A_781 : vector<16xf32>
      %mul3A_783 = arith.mulf %min3A_778, %sub3A_782 : vector<16xf32>
      %ne3A_784 = arith.constant 20 : i32
      %ne3A_785 = vector.broadcast %ne3A_784 : i32 to vector<16xi32>
      %ne3A_786 = arith.cmpi ne, %get3A_766, %ne3A_785 : vector<16xi32>
      %jit3A_787 = arith.constant 0.000000e+00 : f32
      %broadcast_in_dim3A_788 = vector.broadcast %jit3A_787 : f32 to vector<16xf32>
      %select_n3A_789 = arith.select %ne3A_786, %mul3A_783, %broadcast_in_dim3A_788 : vector<16xi1>, vector<16xf32>
      %add3A_790 = arith.addf %add3A_646, %select_n3A_789 : vector<16xf32>
      scf.yield %add3A_682, %add3A_718, %add3A_754, %add3A_790 : vector<16xf32>, vector<16xf32>, vector<16xf32>, vector<16xf32>
    }
    %scan3A_204 = arith.constant 32 : i32
    %add3A_205 = arith.addf %scan3A_203#0, %scan3A_203#1 : vector<16xf32>
    %add3A_206 = arith.addf %add3A_205, %scan3A_203#2 : vector<16xf32>
    %add3A_207 = arith.addf %add3A_206, %scan3A_203#3 : vector<16xf32>
    %swap3A = arith.constant 0 : index
    %swap3A_208 = tpu.vector_load %arg11[%swap3A] {strides = array<i32>} : memref<16xf32, #tpu.memory_space<vmem>>, vector<16xf32>,
    tpu.vector_store %arg11[%swap3A], %add3A_207 {strides = array<i32>} : memref<16xf32, #tpu.memory_space<vmem>>, vector<16xf32>,
    "tpu.region"() ({
      %run_scoped3A = tpu.sem_alloc : memref<!tpu.dma_semaphore, #tpu.memory_space<semaphore_mem>>
      %dma_start3A_209 = arith.constant 0 : i32
      %dma_start3A_210 = tpu.memref_slice %arg6[%add3A, %dma_start3A_209] : memref<32x16xf32, #tpu.memory_space<hbm>> -> memref<1x16xf32, #tpu.memory_space<hbm>>
      %dma_start3A_211 = tpu.memref_squeeze %dma_start3A_210 : memref<1x16xf32, #tpu.memory_space<hbm>> -> memref<16xf32, #tpu.memory_space<hbm>>
      %dma_start3A_212 = arith.constant 0 : i32
      %dma_start3A_213 = tpu.memref_slice %arg6[%add3A, %dma_start3A_212] : memref<32x16xf32, #tpu.memory_space<hbm>> -> memref<1x16xf32, #tpu.memory_space<hbm>>
      %dma_start3A_214 = tpu.memref_squeeze %dma_start3A_213 : memref<1x16xf32, #tpu.memory_space<hbm>> -> memref<16xf32, #tpu.memory_space<hbm>>
      tpu.enqueue_dma source(%arg11 : memref<16xf32, #tpu.memory_space<vmem>>) target(%dma_start3A_214 : memref<16xf32, #tpu.memory_space<hbm>>) target_semaphore(%run_scoped3A : memref<!tpu.dma_semaphore, #tpu.memory_space<semaphore_mem>>)
      %dma_wait3A_215 = arith.constant 0 : i32
      %dma_wait3A_216 = tpu.memref_slice %arg6[%add3A, %dma_wait3A_215] : memref<32x16xf32, #tpu.memory_space<hbm>> -> memref<1x16xf32, #tpu.memory_space<hbm>>
      %dma_wait3A_217 = tpu.memref_squeeze %dma_wait3A_216 : memref<1x16xf32, #tpu.memory_space<hbm>> -> memref<16xf32, #tpu.memory_space<hbm>>
      %dma_wait3A_218 = arith.constant 0 : i32
      %dma_wait3A_219 = tpu.memref_slice %arg6[%add3A, %dma_wait3A_218] : memref<32x16xf32, #tpu.memory_space<hbm>> -> memref<1x16xf32, #tpu.memory_space<hbm>>
      %dma_wait3A_220 = tpu.memref_squeeze %dma_wait3A_219 : memref<1x16xf32, #tpu.memory_space<hbm>> -> memref<16xf32, #tpu.memory_space<hbm>>
      tpu.wait_dma2 semaphore(%run_scoped3A : memref<!tpu.dma_semaphore, #tpu.memory_space<semaphore_mem>>) src(%arg11 : memref<16xf32, #tpu.memory_space<vmem>>) dst(%dma_wait3A_220 : memref<16xf32, #tpu.memory_space<hbm>>)
      tpu.yield
    }) : () -> ()
    return
  }
}

</mosaic_0001>

<sc_bundles>
// kernel: kernel.3.cloned.1.call-start
scs
__scs_entry_jumppad:
0x0: {  	(pc) =	sbr.rel $0x88, $3  }
0x1: {  	(tag) =	ssettag $0x0;
	lr =	simm.s32 $0x1  }
0x2: {  	[smem:$0x3F9D] =	sst lr;
	_ =	strace $0xD0000000  }
0x3: {  	_ = 	snop  }
0x4: {  	_ = 	snop  }
0x5: {  	_ = 	snop  }
0x6: {  	_ = 	snop  }
0x7: {  	_ = 	snop  }
__scs_overlays_trampoline_lowered:
0x8: {  	[smem:$0x3FAC] =	sst s0  }
0x9: {  	[smem:$0x3FAD] =	sst s1  }
0xa: {  	[smem:$0x3FAE] =	sst s2  }
0xb: {  	[smem:$0x3FAF] =	sst s3  }
0xc: {  	[smem:$0x3FB0] =	sst s4  }
0xd: {  	[smem:$0x3FB1] =	sst s5  }
0xe: {  	[smem:$0x3FB2] =	sst s6  }
0xf: {  	[smem:$0x3FB3] =	sst s7  }
0x10: {  	[smem:$0x3FB4] =	sst s8  }
0x11: {  	[smem:$0x3FB5] =	sst s9;
	s0 =	simm.s32 @!p0 $0x0  }
0x12: {  	s1 =	sld [smem:$0x3F9B];
	s0 =	simm.s32 @p0 $0x1  }
0x13: {  	[smem:$0x3FB6] =	sst s0;
	s0 =	simm.s32 @!p1 $0x0  }
0x14: {  	s2 =	sld [smem:$0x3F9A];
	s0 =	simm.s32 @p1 $0x1  }
0x15: {  	[smem:$0x3FB7] =	sst s0;
	s0 =	simm.s32 @!p2 $0x0  }
0x16: {  	s3 =	sld [smem:$0x3FDB];
	s0 =	simm.s32 @p2 $0x1  }
0x17: {  	s4 =	simm.s32 $0x1BF5;
	[smem:$0x3FB9] =	sst s0  }
0x18: {  	s0 =	sld [smem:$0x3F9C];
	_ =	swait.ge [sflag:s4], $0x0  }
0x19: {  	s7 =	sld [smem:$0x3F9D]  }
0x1a: {  	s8 =	sadd.s32 $0xFFFFE003, lr  }
0x1b: {  	s9 =	sadd.s32 $0xFFFFFEF7, lr;
	s5 =	simm.s32 $0xFFFFFFFF;
	p2 =	slt.u32 s8, $0xFFFFF086  }
0x1c: {  	p1 =	slt.u32 s9, $0xF7A;
	s5 =	simm.s32 @!p2 $0x0  }
0x1d: {  	s5 =	simm.s32 @p1 $0x1;
	p0 =	seq.s32 s7, s2  }
0x1e: {  	s7 =	smul.u32 @!p0 $0xF7A, s2;
	p2 =	seq.s32 @!p0 s5, $0x0  }
0x1f: {  	s9 =	smul.u32 $0xF7A, s1;
	s8 =	simm.s32 @!p0 $0x1BF5;
	p2 =	por !p2, p0  }
0x20: {  	[sflag:s8] =	ssyncset.s32 @!p0 $0xFFFFF086;
	s6 =	sadd.s32 @!p0 s3, s7;
	s7 =	simm.s32 @!p0 $0x108  }
0x21: {  	s3 =	sadd.s32 s3, s9;
	s6 =	sadd.s32 @!p0 $0x88, s6;
	s7 =	simm.s32 @p2 $0x1082  }
0x22: {  	[simem:s7], [sflag:s8] =	dma.local @!p0 [hbm:s6], $0xF7A  }
0x23: {  	s9 =	sor.u32 $0xD0000000, s2;
	s6 =	simm.s32 $0x108;
	_ =	swait.ge @!p0 [sflag:s8], $0x0  }
0x24: {  	s3 =	sadd.s32 $0x88, s3;
	s6 =	simm.s32 @!p1 $0x1082;
	[sflag:s4] =	ssyncset.s32 $0xFFFFF086  }
0x25: {  	[simem:s6], [sflag:s4] =	dma.local [hbm:s3], $0xF7A  }
0x26: {  	[smem:$0x3F9D] =	sst s1;
	(tag) =	ssettag s2;
	_ =	strace s9  }
0x27: {  	s1 =	sld [smem:$0x3FAD]  }
0x28: {  	s2 =	sld [smem:$0x3FAE]  }
0x29: {  	s4 =	sld [smem:$0x3FB0]  }
0x2a: {  	p0 =	seq.s32 s5, $0x0;
	s5 =	sld [smem:$0x3FB1]  }
0x2b: {  	s6 =	sld [smem:$0x3FB2]  }
0x2c: {  	s7 =	sld [smem:$0x3FB3]  }
0x2d: {  	s3 =	simm.s32 $0x108;
	s8 =	sld [smem:$0x3FB4]  }
0x2e: {  	s3 =	simm.s32 @!p0 $0x1082;
	s9 =	sld [smem:$0x3FB5]  }
0x2f: {  	lr =	sadd.s32 s0, s3;
	s0 =	sld [smem:$0x3FAC]  }
0x30: {  	s3 =	sld [smem:$0x3FAF]  }
0x31: {  	[smem:$0x3FB8] =	sst s10  }
0x32: {  	s10 =	sld [smem:$0x3FB6];
	_ =	sdelay $0x3  }
0x33: {  	p0 =	seq.s32 s10, $0x1;
	s10 =	sld [smem:$0x3FB8];
	_ =	sdelay $0x3  }
0x34: {  	[smem:$0x3FB8] =	sst s10  }
0x35: {  	s10 =	sld [smem:$0x3FB7];
	_ =	sdelay $0x3  }
0x36: {  	p1 =	seq.s32 s10, $0x1;
	s10 =	sld [smem:$0x3FB8];
	_ =	sdelay $0x3  }
0x37: {  	[smem:$0x3FB8] =	sst s10  }
0x38: {  	s10 =	sld [smem:$0x3FB9]  }
0x39: {  	_ = 	snop;
	(pc) =	sbr.ind lr, $3  }
0x3a: {  	_ = 	snop  }
0x3b: {  	_ = 	snop  }
0x3c: {  	p2 =	seq.s32 s10, $0x1;
	s10 =	sld [smem:$0x3FB8]  }
0x3d: {  	_ =	shalt  }
0x3e: {  	_ =	shalt  }
0x3f: {  	_ =	shalt  }
0x40: {  	_ =	shalt  }
0x41: {  	_ =	shalt  }
0x42: {  	_ =	shalt  }
0x43: {  	_ =	shalt  }
0x44: {  	_ =	shalt  }
0x45: {  	_ =	shalt  }
0x46: {  	_ =	shalt  }
0x47: {  	_ =	shalt  }
0x48: {  	_ =	shalt  }
0x49: {  	_ =	shalt  }
0x4a: {  	_ =	shalt  }
0x4b: {  	_ =	shalt  }
0x4c: {  	_ =	shalt  }
0x4d: {  	_ =	shalt  }
0x4e: {  	_ =	shalt  }
0x4f: {  	_ =	shalt  }
0x50: {  	_ =	shalt  }
0x51: {  	_ =	shalt  }
0x52: {  	_ =	shalt  }
0x53: {  	_ =	shalt  }
0x54: {  	_ =	shalt  }
0x55: {  	_ =	shalt  }
0x56: {  	_ =	shalt  }
0x57: {  	_ =	shalt  }
0x58: {  	_ =	shalt  }
0x59: {  	_ =	shalt  }
0x5a: {  	_ =	shalt  }
0x5b: {  	_ =	shalt  }
0x5c: {  	_ =	shalt  }
0x5d: {  	_ =	shalt  }
0x5e: {  	_ =	shalt  }
0x5f: {  	_ =	shalt  }
0x60: {  	_ =	shalt  }
0x61: {  	_ =	shalt  }
0x62: {  	_ =	shalt  }
0x63: {  	_ =	shalt  }
0x64: {  	_ =	shalt  }
0x65: {  	_ =	shalt  }
0x66: {  	_ =	shalt  }
0x67: {  	_ =	shalt  }
0x68: {  	_ =	shalt  }
0x69: {  	_ =	shalt  }
0x6a: {  	_ =	shalt  }
0x6b: {  	_ =	shalt  }
0x6c: {  	_ =	shalt  }
0x6d: {  	_ =	shalt  }
0x6e: {  	_ =	shalt  }
0x6f: {  	_ =	shalt  }
0x70: {  	_ =	shalt  }
0x71: {  	_ =	shalt  }
0x72: {  	_ =	shalt  }
0x73: {  	_ =	shalt  }
0x74: {  	_ =	shalt  }
0x75: {  	_ =	shalt  }
0x76: {  	_ =	shalt  }
0x77: {  	_ =	shalt  }
0x78: {  	_ =	shalt  }
0x79: {  	_ =	shalt  }
0x7a: {  	_ =	shalt  }
0x7b: {  	_ =	shalt  }
0x7c: {  	_ =	shalt  }
0x7d: {  	_ =	shalt  }
0x7e: {  	_ =	shalt  }
0x7f: {  	_ =	shalt  }
0x80: {  	_ =	shalt  }
0x81: {  	_ =	shalt  }
0x82: {  	_ =	shalt  }
0x83: {  	_ =	shalt  }
0x84: {  	_ =	shalt  }
0x85: {  	_ =	shalt  }
0x86: {  	_ =	shalt  }
0x87: {  	_ =	shalt  }
.Lfunc_end0:
.L_simem_size_0:
called_computation_lowered:
.L_overlay_start_0:
0x88: {  	s2 =	sld [smem:$0x3FD9]  }
0x89: {  	s3 =	sld [smem:$0x3FFE];
	_ =	sdelay $0x1  }
0x8a: {  	s1 =	srdreg.scid  }
0x8b: {  	s0 =	sand.u32 $0x1, s1  }
0x8c: {  	s16 =	sshll.u32 s0, $0xA;
	s2 =	sadd.s32 s3, s2  }
0x8d: {  	s2 =	sadd.s32 s2, s16  }
0x8e: {  	[smem:$0x3FC4] =	sst s2  }
0x8f: {  	_ = 	snop  }
0x90: {  	(tm) =	ssettm $0x1  }
0x91: {  	s17 =	sld [smem:$0x3FFB];
	_ =	sdelay $0x3  }
0x92: {  	_ =	strace s17  }
0x93: {  	s2 =	sld [smem:$0x3FFC];
	_ =	sdelay $0x3  }
0x94: {  	_ =	strace s2  }
0x95: {  	s2 =	sld [smem:$0x3FFD];
	_ =	sdelay $0x3  }
0x96: {  	_ =	strace s2  }
0x97: {  	_ =	strace $0x8FFFFFFF  }
0x98: {  	s18 =	sld [smem:$0x3FDB];
	_ =	sdelay $0x1  }
0x99: {  	s19 =	simm.s32 $_scs_section_size  }
0x9a: {  	s4 =	simm.s32 $_size__tile_overlayer_lowered;
	s5 =	simm.s32 $_tile_overlayer_lowered  }
0x9b: {  	s22 =	simm.s32 $0x1BFF;
	s21 =	sshll.u32 s5, $0x1;
	s2 =	sadd.s32 s19, s18  }
0x9c: {  	s6 =	simm.s32 $0x0;
	s20 =	sshll.u32 s4, $0x1;
	s4 =	sadd.s32 s21, s2  }
0x9d: {  	[timem:s6], [sflag:s22] =	dma.local [hbm:s4], s20  }
0x9e: {  	_ =	swait.ge [sflag:s22], s20  }
0x9f: {  	s3 =	ssub.s32 $0x0, s20;
	[sflag:s22] =	ssyncset.done $0x0  }
0xa0: {  	[sflag:s22] =	ssyncadd.s32 s3;
	_ =	sdelay $0x1  }
0xa1: {  	s23 =	simm.s32 $0x1B8B  }
0xa2: {  	_ =	swait.ge [sflag:s23], $0x1  }
0xa3: {  	[sflag:s23] =	ssyncset.done $0x0  }
0xa4: {  	s25 =	simm.s32 $0x1B8E;
	s24 =	sld [smem:$0x3FFE];
	[sflag:s23] =	ssyncadd.s32 $0xFFFFFFFF  }
0xa5: {  	s26 =	simm.s32 $execute0_lowered;
	[smem:$0x3FD2] =	sst s25  }
0xa6: {  	s4 =	sshll.u32 s26, $0x1;
	_ =	strace $0x80000046;
	[dreg:$0x1] =	wrdreg $0xFFFFFFFF  }
0xa7: {  	s28 =	simm.s32 $_size_execute0_lowered;
	s2 =	sadd.s32 s2, s4;
	[dreg:$0x0] =	wrdreg $0x0  }
0xa8: {  	s4 =	sshll.u32 s28, $0x1;
	[dreg:$0x2] =	wrdreg s2  }
0xa9: {  	[dreg:$0x3] =	wrdreg s4  }
0xaa: {  	[dreg:$0x4] =	wrdreg $0xC0  }
0xab: {  	_ =	task [dreg:s6], $0x5FFFF  }
0xac: {  	[dreg:$0x1] =	wrdreg $0xFFFFFFFF  }
0xad: {  	[dreg:$0x0] =	wrdreg $0x60  }
0xae: {  	[dreg:$0x2] =	wrdreg s24  }
0xaf: {  	[dreg:$0x3] =	wrdreg $0x9  }
0xb0: {  	_ =	task.clear_ibuf [dreg:s6], $0x4FFFF;
	_ =	strace $0x90000046  }
0xb1: {  	s29 =	simm.s32 $0x9;
	_ =	strace $0x80000048  }
0xb2: {  	_ =	swait.ge [sflag:s29], $0x1  }
0xb3: {  	[sflag:s29] =	ssyncadd.s32 $0xFFFFFFFF  }
0xb4: {  	_ =	strace $0x90000048  }
0xb5: {  	_ =	sfence  }
0xb6: {  	s30 =	sld [smem:$0x0];
	_ =	sdelay $0x2  }
0xb7: {  	s31 =	sshll.u32 s1, $0xD;
	s1 =	sshrl.u32 s1, $0x2  }
0xb8: {  	s3 =	sand.u32 $0x4000, s31;
	s1 =	sadd.s32 s1, s30  }
0xb9: {  	s0 =	sor.u32 s3, s0;
	s1 =	sshll.u32 s1, $0x11  }
0xba: {  	s0 =	sor.u32 s1, s0  }
0xbb: {  	s0 =	sadd.s32 $0x8F2B, s0  }
0xbc: {  	[sflag:s0] =	ssyncadd.remote.s32 $0x1  }
0xbd: {  	_ =	sfence.sel $0xFFFF  }
0xbe: {  	[dreg:$0x0] =	wrdreg $0xFFFFFFFF;
	(pc) =	sbr.abs _section_cstart, $3  }
0xbf: {  	[dreg:$0x1] =	wrdreg $0xFFFFFFFF  }
0xc0: {  	_ =	task.clear_ibuf [dreg:s6], $0x2FFFF;
	_ =	strace $0x9FFFFFFF  }
0xc1: {  	(tm) =	ssettm $0x7FFFFFFF  }
tec
execute0_lowered:
.L_overlay_start_1:
0x0: {  	(tag) =	ssettag $0x1  }
0x1: {  	s0 =	srdreg.scid;
	s2 =	stileid.u32  }
0x2: {  	s4 =	rddreg [dreg:$0x0];
	s19 =	simm.s32 $0x18;
	s21 =	simm.s32 $0x1  }
0x3: {  	s22 =	simm.s32 $0xDC80;
	s23 =	simm.s32 $0x2;
	s24 =	simm.s32 $0x0  }
0x4: {  	s0 =	sand.u32 $0x1, s0;
	s1 =	sshll.u32 s2, $0x1;
	s3 =	sshrl.u32 s2, $0x1  }
0x5: {  	s2 =	simm.s32 $0x0;
	s8 =	sadd.s32 $0x600, s4;
	s9 =	sadd.s32 $0x11A00, s4  }
0x6: {  	s10 =	sadd.s32 $0x24000, s4;
	s1 =	sor.u32 s0, s1;
	s6 =	smul.u32 $0x480, s3  }
0x7: {  	[smem:$0x7FF] =	sst s2;
	s0 =	ssub.s32 $0x2, s0;
	p0 =	seq.s32 s3, $0x7  }
0x8: {  	s5 =	sand.u32 $0x3, s1;
	_ =	strace $0x80000047;
	s1 =	sshll.u32 s1, $0x4  }
0x9: {  	s28 =	sshrl.u32 s0, $0x1;
	s19 =	simm.s32 @!p0 $0x0;
	s7 =	smul.u32 $0x2280, s5  }
0xa: {  	s6 =	smin.u32 s6, $0x1E00;
	s11 =	smul.u32 $0x22800, s5;
	s1 =	sadd.s32 s1, s4  }
0xb: {  	s0 =	ssub.s32 s0, s28;
	s18 =	sshll.u32 s19, $0x4;
	s19 =	sshll.u32 s19, $0x7  }
0xc: {  	s31 =	sshll.u32 s6, $0x3;
	s5 =	sadd.s32 s10, s6;
	s20 =	sor.u32 $0xD800, s18  }
0xd: {  	s7 =	sadd.s32 s6, s7;
	s29 =	sshrl.u32 s11, $0x3;
	s12 =	sadd.s32 $0x1400, s31  }
0xe: {  	s14 =	sadd.s32 $0x2280, s5;
	s7 =	sshrl.u32 s7, $0x3;
	s30 =	sadd.s32 s6, s29  }
0xf: {  	s11 =	sadd.s32 s11, s12;
	s12 =	sshrl.u32 s12, $0x3;
	s7 =	sadd.s32 s7, s4  }
0x10: {  	s3 =	sadd.s32 s8, s30;
	s4 =	sadd.s32 s9, s30;
	s11 =	sshrl.u32 s11, $0x3  }
0x11: {  	s6 =	sadd.s32 $0x22E00, s7;
	s7 =	sadd.s32 s8, s11;
	s8 =	sadd.s32 s9, s11  }
0x12: {  	s9 =	sadd.s32 s10, s12;
	s10 =	sadd.s32 $0x28600, s1;
	s11 =	smax.u32 s0, $0x1  }
0x13: {  	s12 =	sadd.s32 $0x2280, s3;
	s13 =	sadd.s32 $0x2280, s4;
	s0 =	simm.s32 $0xC800  }
0x14: {  	s15 =	sadd.s32 $0x2280, s7;
	s16 =	sadd.s32 $0x2280, s8;
	s17 =	sadd.s32 $0x2280, s9  }
.LBB2_1:
0x15: {  	[tilespmem:s2], [sflag:$0x1] =	stream.linear.gather [hbm4b:s3+s2], $0x1400, $0x38;
	[tilespmem:$0xDD00] =	vst v63  }
0x16: {  	s1 =	simm.s32 $0x2400  }
0x17: {  	[tilespmem:s1], [sflag:$0x1] =	stream.linear.gather [hbm4b:s12+s2], $0x1400, $0x38;
	[tilespmem:$0xDD00] =	vst v63  }
0x18: {  	s26 =	simm.s32 $0x4800  }
0x19: {  	[tilespmem:s26], [sflag:$0x1] =	stream.linear.gather [hbm4b:s4+s2], $0x1400, $0x38;
	[tilespmem:$0xDD00] =	vst v63  }
0x1a: {  	s30 =	simm.s32 $0x6C00  }
0x1b: {  	[tilespmem:s30], [sflag:$0x1] =	stream.linear.gather [hbm4b:s13+s2], $0x1400, $0x38;
	[tilespmem:$0xDD00] =	vst v63  }
0x1c: {  	s31 =	simm.s32 $0x9000  }
0x1d: {  	[tilespmem:s31], [sflag:$0x1] =	stream.linear.gather [hbm4b:s5+s2], $0x1400, $0x38;
	[tilespmem:$0xDD00] =	vst v63  }
0x1e: {  	s25 =	simm.s32 $0xB400  }
0x1f: {  	[tilespmem:s25], [sflag:$0x1] =	stream.linear.gather [hbm4b:s14+s2], $0x1400, $0x38;
	[tilespmem:$0xDD00] =	vst v63  }
0x20: {  	s26 =	simm.s32 $0xD800  }
0x21: {  	[tilespmem:s26], [sflag:$0x1] =	stream.linear.gather [hbm4b:s6+s2], $0x480, $0x38;
	[tilespmem:$0xDD00] =	vst v63  }
0x22: {  	s30 =	simm.s32 $0x1400  }
0x23: {  	[tilespmem:s30], [sflag:$0x1] =	stream.linear.gather [hbm4b:s7+s2], $0x1000, $0x38;
	[tilespmem:$0xDD00] =	vst v63  }
0x24: {  	s31 =	simm.s32 $0x3800  }
0x25: {  	[tilespmem:s31], [sflag:$0x1] =	stream.linear.gather [hbm4b:s15+s2], $0x1000, $0x38;
	[tilespmem:$0xDD00] =	vst v63  }
0x26: {  	s25 =	simm.s32 $0x5C00  }
0x27: {  	[tilespmem:s25], [sflag:$0x1] =	stream.linear.gather [hbm4b:s8+s2], $0x1000, $0x38;
	[tilespmem:$0xDD00] =	vst v63  }
0x28: {  	s26 =	simm.s32 $0x8000  }
0x29: {  	[tilespmem:s26], [sflag:$0x1] =	stream.linear.gather [hbm4b:s16+s2], $0x1000, $0x38;
	[tilespmem:$0xDD00] =	vst v63  }
0x2a: {  	s30 =	simm.s32 $0xA400  }
0x2b: {  	[tilespmem:s30], [sflag:$0x1] =	stream.linear.gather [hbm4b:s9+s2], $0x1000, $0x38;
	[tilespmem:$0xDD00] =	vst v63  }
0x2c: {  	_ = 	snop  }
0x2d: {  	[tilespmem:s0], [sflag:$0x1] =	stream.linear.gather [hbm4b:s17+s2], $0x1000, $0x38;
	[tilespmem:$0xDD00] =	vst v63  }
0x2e: {  	_ =	swait.ge [sflag:s21], $0x2800  }
0x2f: {  	[sflag:s21] =	ssyncset.done $0x0  }
0x30: {  	[sflag:s21] =	ssyncadd.s32 $0xFFFFD800  }
0x31: {  	_ =	swait.ge [sflag:s21], $0x2800  }
0x32: {  	[sflag:s21] =	ssyncset.done $0x0  }
0x33: {  	[sflag:s21] =	ssyncadd.s32 $0xFFFFD800  }
0x34: {  	_ =	swait.ge [sflag:s21], $0x2800  }
0x35: {  	[sflag:s21] =	ssyncset.done $0x0  }
0x36: {  	[sflag:s21] =	ssyncadd.s32 $0xFFFFD800  }
0x37: {  	_ =	swait.ge [sflag:s21], $0x480  }
0x38: {  	[sflag:s21] =	ssyncset.done $0x0  }
0x39: {  	s25 =	sand.u32 $0x70, s18;
	s26 =	sand.u32 $0x1C00, s19;
	[sflag:s21] =	ssyncadd.s32 $0xFFFFFB80  }
0x3a: {  	s25 =	sor.u32 s25, s26;
	v1 =	vld [tilespmem:s20+$0x0]  }
0x3b: {  	v2 =	vld [tilespmem:s25+$0xB600]  }
0x3c: {  	v3 =	vld [tilespmem:s25+$0xB680]  }
0x3d: {  	v4 =	vld [tilespmem:s25+$0xB700]  }
0x3e: {  	v5 =	vld [tilespmem:s25+$0xB780]  }
0x3f: {  	v6 =	vld [tilespmem:s25+$0xB400]  }
0x40: {  	v7 =	vld [tilespmem:s25+$0xB480]  }
0x41: {  	v8 =	vld [tilespmem:s25+$0xB500]  }
0x42: {  	v9 =	vld [tilespmem:s25+$0xB580]  }
0x43: {  	v10 =	vld [tilespmem:s25+$0x9200]  }
0x44: {  	s31 =	sor.u32 s19, s18;
	v11 =	vld [tilespmem:s25+$0x9280]  }
0x45: {  	s26 =	sor.u32 $0x380, s31;
	v12 =	vld [tilespmem:s25+$0x9300]  }
0x46: {  	v13 =	vld [tilespmem:s26+$0x9000]  }
0x47: {  	v14 =	vld [tilespmem:s25+$0x9000]  }
0x48: {  	v15 =	vld [tilespmem:s25+$0x9080]  }
0x49: {  	v16 =	vld [tilespmem:s25+$0x2600]  }
0x4a: {  	v17 =	vld [tilespmem:s25+$0x2680]  }
0x4b: {  	v18 =	vld [tilespmem:s25+$0x2700]  }
0x4c: {  	v19 =	vld [tilespmem:s25+$0x2780]  }
0x4d: {  	v20 =	vld [tilespmem:s25+$0x2400]  }
0x4e: {  	v21 =	vld [tilespmem:s25+$0x2480]  }
0x4f: {  	v22 =	vld [tilespmem:s25+$0x2500]  }
0x50: {  	v23 =	vld [tilespmem:s25+$0x2580]  }
0x51: {  	v0 =	vimm.f32 $0.0e+00;
	v24 =	vld [tilespmem:s25+$0x200];
	vm4 =	veq.s32 v2, $0x14  }
0x52: {  	v25 =	vld [tilespmem:s25+$0x280];
	vm5 =	veq.s32 v3, $0x14;
	vm1 =	veq.s32 v4, $0x14;
	vm0 =	veq.s32 v5, $0x14  }
0x53: {  	v26 =	vld [tilespmem:s25+$0x300];
	vm9 =	veq.s32 v6, $0x14;
	vm6 =	veq.s32 v7, $0x14;
	vm3 =	veq.s32 v8, $0x14  }
0x54: {  	v27 =	vld [tilespmem:s25+$0x4B00];
	vm2 =	veq.s32 v9, $0x14;
	v5 =	vadd.f32 v16, v1;
	v6 =	vadd.f32 v17, v1  }
0x55: {  	v28 =	vld [tilespmem:s26+$0x4800];
	vm10 =	veq.s32 v10, $0x14;
	v8 =	vadd.f32 v18, v1;
	v9 =	vadd.f32 v19, v1  }
0x56: {  	v2 =	vld [tilespmem:s26+$0x0];
	vm11 =	veq.s32 v11, $0x14;
	v11 =	vadd.f32 v20, v1;
	v16 =	vadd.f32 v21, v1  }
0x57: {  	v3 =	vld [tilespmem:s25+$0x0];
	vm7 =	veq.s32 v12, $0x14;
	v12 =	vadd.f32 v22, v1;
	v17 =	vadd.f32 v23, v1  }
0x58: {  	v4 =	vld [tilespmem:s25+$0x80];
	v19 =	vadd.f32 v24, v1;
	v20 =	vadd.f32 v25, v1;
	vm8 =	veq.s32 v13, $0x14  }
0x59: {  	v7 =	vld [tilespmem:s25+$0x100];
	vm12 =	veq.s32 v14, $0x14;
	v14 =	vadd.f32 v26, v1;
	vm13 =	veq.s32 v15, $0x14  }
0x5a: {  	v10 =	vld [tilespmem:s25+$0x180];
	v5 =	vmax.f32 v5, $0.0e+00;
	v6 =	vmax.f32 v6, $0.0e+00;
	v8 =	vmax.f32 v8, $0.0e+00  }
0x5b: {  	v18 =	vld [tilespmem:s25+$0x6E00];
	v9 =	vmax.f32 v9, $0.0e+00;
	v11 =	vmax.f32 v11, $0.0e+00;
	v16 =	vmax.f32 v16, $0.0e+00  }
0x5c: {  	v13 =	vld [tilespmem:s25+$0x6E80];
	v12 =	vmax.f32 v12, $0.0e+00;
	v19 =	vmax.f32 v19, $0.0e+00;
	v20 =	vmax.f32 v20, $0.0e+00  }
0x5d: {  	v21 =	vld [tilespmem:s25+$0x6F00];
	v17 =	vmax.f32 v17, $0.0e+00;
	v14 =	vmax.f32 v14, $0.0e+00;
	v5 =	vmin.f32 v5, $3.000000000e+02  }
0x5e: {  	v15 =	vld [tilespmem:s25+$0x6F80];
	v6 =	vmin.f32 v6, $3.000000000e+02;
	v8 =	vmin.f32 v8, $3.000000000e+02;
	v14 =	vmin.f32 v14, $3.000000000e+02  }
0x5f: {  	v23 =	vld [tilespmem:s25+$0x6D00];
	v11 =	vmin.f32 v11, $3.000000000e+02;
	v16 =	vmin.f32 v16, $3.000000000e+02;
	v14 =	vsub.f32 v14, v27  }
0x60: {  	v26 =	vld [tilespmem:s25+$0x4A80];
	v9 =	vmin.f32 v9, $3.000000000e+02;
	v2 =	vadd.f32 v2, v1;
	v3 =	vadd.f32 v3, v1  }
0x61: {  	v29 =	vld [tilespmem:s25+$0x4800];
	v19 =	vmin.f32 v19, $3.000000000e+02;
	v4 =	vadd.f32 v4, v1;
	v7 =	vadd.f32 v7, v1  }
0x62: {  	v30 =	vld [tilespmem:s25+$0x4880];
	v12 =	vmin.f32 v12, $3.000000000e+02;
	v1 =	vadd.f32 v10, v1;
	v5 =	vsub.f32 v5, v18  }
0x63: {  	v22 =	vld [tilespmem:s25+$0x6C80];
	v17 =	vmin.f32 v17, $3.000000000e+02;
	v6 =	vsub.f32 v6, v13;
	v8 =	vsub.f32 v8, v21  }
0x64: {  	v24 =	vld [tilespmem:s25+$0x6D80];
	v20 =	vmin.f32 v20, $3.000000000e+02;
	v9 =	vsub.f32 v9, v15;
	v12 =	vsub.f32 v12, v23  }
0x65: {  	v25 =	vld [tilespmem:s25+$0x4A00];
	v18 =	vsub.f32 v20, v26;
	v3 =	vmax.f32 v3, $0.0e+00;
	v2 =	vmax.f32 v2, $0.0e+00  }
0x66: {  	v10 =	vld [tilespmem:s25+$0x6C00];
	v4 =	vmax.f32 v4, $0.0e+00;
	v7 =	vmax.f32 v7, $0.0e+00;
	v1 =	vmax.f32 v1, $0.0e+00  }
0x67: {  	v13 =	vld [tilespmem:s25+$0x4900];
	v31 =	vand.u32 $0x7FFFFFFF, v5;
	v32 =	vand.u32 $0x7FFFFFFF, v6;
	v18 =	vand.u32 $0x7FFFFFFF, v18  }
0x68: {  	v15 =	vld [tilespmem:s25+$0x4980];
	v2 =	vmin.f32 v2, $3.000000000e+02;
	v3 =	vmin.f32 v3, $3.000000000e+02;
	v4 =	vmin.f32 v4, $3.000000000e+02  }
0x69: {  	v7 =	vmin.f32 v7, $3.000000000e+02;
	v1 =	vmin.f32 v1, $3.000000000e+02;
	v2 =	vsub.f32 v2, v28  }
0x6a: {  	v3 =	vsub.f32 v3, v29;
	v4 =	vsub.f32 v4, v30;
	v30 =	vand.u32 $0x7FFFFFFF, v8  }
0x6b: {  	v29 =	vand.u32 $0x7FFFFFFF, v9;
	v10 =	vsub.f32 v11, v10;
	v11 =	vsub.f32 v16, v22  }
0x6c: {  	v28 =	vmin.f32 v31, $1.000000000e+00;
	v16 =	vsub.f32 v17, v24;
	v17 =	vsub.f32 v19, v25  }
0x6d: {  	v21 =	vsub.f32 v7, v13;
	v1 =	vsub.f32 v1, v15;
	v22 =	vand.u32 $0x7FFFFFFF, v12  }
0x6e: {  	v19 =	vand.u32 $0x7FFFFFFF, v14;
	v24 =	vmin.f32 v32, $1.000000000e+00;
	v23 =	vmin.f32 v29, $1.000000000e+00  }
0x6f: {  	v12 =	vmin.f32 v18, $1.000000000e+00;
	v36 =	vmul.f32 $5.000000000e-01, v28;
	v8 =	vand.u32 $0x7FFFFFFF, v3  }
0x70: {  	v13 =	vand.u32 $0x7FFFFFFF, v2;
	v7 =	vand.u32 $0x7FFFFFFF, v4;
	v14 =	vmin.f32 v22, $1.000000000e+00  }
0x71: {  	p0 =	sne.s32 s18, $0x270;
	v9 =	vmin.f32 v19, $1.000000000e+00;
	v37 =	vmul.f32 $5.000000000e-01, v24;
	v3 =	vimm.f32 $0.0e+00  }
.Ltmp0:
0x72: {  	v2 =	vimm.f32 $0.0e+00;
	v27 =	vand.u32 $0x7FFFFFFF, v10;
	v25 =	vand.u32 $0x7FFFFFFF, v11;
	(pc) =	sbr.rel @!p0 .LBB2_3-.Ltmp0, $4  }
0x73: {  	v20 =	vand.u32 $0x7FFFFFFF, v17;
	v26 =	vand.u32 $0x7FFFFFFF, v16;
	v5 =	vand.u32 $0x7FFFFFFF, v21  }
0x74: {  	v4 =	vand.u32 $0x7FFFFFFF, v1;
	v21 =	vmin.f32 v30, $1.000000000e+00;
	v11 =	vmin.f32 v13, $1.000000000e+00  }
0x75: {  	v1 =	vimm.f32 $0.0e+00;
	v16 =	vmin.f32 v27, $1.000000000e+00;
	v17 =	vmin.f32 v25, $1.000000000e+00  }
0x76: {  	s28 =	sadd.s32 $0x10, s20;
	s29 =	sadd.s32 $0x10, s18;
	s26 =	sadd.s32 $0x80, s19;
	v10 =	vmin.f32 v20, $1.000000000e+00;
	v15 =	vmin.f32 v26, $1.000000000e+00;
	v35 =	vmul.f32 $5.000000000e-01, v21  }
.LBB2_2:
0x77: {  	s30 =	sand.u32 $0x70, s29;
	s31 =	sand.u32 $0x1C00, s26;
	p0 =	sne.s32 s29, $0x270;
	v38 =	vmin.f32 v8, $1.000000000e+00;
	v39 =	vmul.f32 $5.000000000e-01, v16;
	v40 =	vmul.f32 $5.000000000e-01, v23  }
0x78: {  	v41 =	vmin.f32 v7, $1.000000000e+00;
	v42 =	vmul.f32 $5.000000000e-01, v17;
	v43 =	vmul.f32 $5.000000000e-01, v14;
	v6 =	vld [tilespmem:s28+$0x0];
	s30 =	sor.u32 s30, s31  }
0x79: {  	v44 =	vmin.f32 v5, $1.000000000e+00;
	v45 =	vmul.f32 $5.000000000e-01, v10;
	v46 =	vmul.f32 $5.000000000e-01, v15;
	v33 =	vld [tilespmem:s30+$0xB600]  }
0x7a: {  	v47 =	vmin.f32 v4, $1.000000000e+00;
	v48 =	vmul.f32 $5.000000000e-01, v12;
	v49 =	vmul.f32 $5.000000000e-01, v9;
	v34 =	vld [tilespmem:s30+$0xB680]  }
0x7b: {  	v51 =	vmul.f32 $5.000000000e-01, v11;
	v31 =	vsub.f32 v31, v36;
	v32 =	vsub.f32 v32, v37;
	v50 =	vld [tilespmem:s30+$0xB700]  }
0x7c: {  	v37 =	vmul.f32 $5.000000000e-01, v38;
	v30 =	vsub.f32 v30, v35;
	v29 =	vsub.f32 v29, v40;
	v36 =	vld [tilespmem:s30+$0xB780]  }
0x7d: {  	v40 =	vmul.f32 $5.000000000e-01, v41;
	v27 =	vsub.f32 v27, v39;
	v25 =	vsub.f32 v25, v42;
	v35 =	vld [tilespmem:s30+$0xB400]  }
0x7e: {  	v42 =	vmul.f32 $5.000000000e-01, v44;
	v22 =	vsub.f32 v22, v43;
	v26 =	vsub.f32 v26, v46;
	v39 =	vld [tilespmem:s30+$0xB480]  }
0x7f: {  	v46 =	vmul.f32 $5.000000000e-01, v47;
	v20 =	vsub.f32 v20, v45;
	v18 =	vsub.f32 v18, v48;
	v43 =	vld [tilespmem:s30+$0xB500]  }
0x80: {  	v19 =	vsub.f32 v19, v49;
	v28 =	vmul.f32 v31, v28;
	v24 =	vmul.f32 v32, v24;
	v45 =	vld [tilespmem:s30+$0xB580]  }
0x81: {  	v13 =	vsub.f32 v13, v51;
	v21 =	vmul.f32 v30, v21;
	v23 =	vmul.f32 v29, v23;
	v31 =	vld [tilespmem:s25+$0x9100]  }
0x82: {  	v8 =	vsub.f32 v8, v37;
	v16 =	vmul.f32 v27, v16;
	v17 =	vmul.f32 v25, v17;
	v29 =	vld [tilespmem:s25+$0x9180];
	s25 =	smov.u32 s30  }
0x83: {  	v7 =	vsub.f32 v7, v40;
	v14 =	vmul.f32 v22, v14;
	v15 =	vmul.f32 v26, v15;
	v25 =	vld [tilespmem:s25+$0x9200]  }
0x84: {  	v5 =	vsub.f32 v5, v42;
	v10 =	vmul.f32 v20, v10;
	v12 =	vmul.f32 v18, v12;
	s30 =	sor.u32 s26, s29;
	v22 =	vld [tilespmem:s25+$0x9280]  }
0x85: {  	v4 =	vsub.f32 v4, v46;
	v9 =	vmul.f32 v19, v9;
	v11 =	vmul.f32 v13, v11;
	s30 =	sor.u32 $0x380, s30;
	v18 =	vld [tilespmem:s25+$0x9300]  }
0x86: {  	v8 =	vmul.f32 v8, v38;
	v7 =	vmul.f32 v7, v41;
	v13 =	vld [tilespmem:s30+$0x9000];
	vm14 =	veq.s32 v31, $0x14  }
0x87: {  	v5 =	vmul.f32 v5, v44;
	v4 =	vmul.f32 v4, v47;
	v19 =	vld [tilespmem:s25+$0x9000];
	vm15 =	veq.s32 v29, $0x14  }
0x88: {  	v26 =	vsel vm4, $0x0, v28;
	v24 =	vsel vm5, $0x0, v24;
	v16 =	vsel vm9, $0x0, v16;
	v20 =	vld [tilespmem:s25+$0x9080]  }
0x89: {  	v10 =	vsel vm10, $0x0, v10;
	v12 =	vsel vm11, $0x0, v12;
	v17 =	vsel vm6, $0x0, v17;
	v27 =	vld [tilespmem:s25+$0x2600]  }
0x8a: {  	v8 =	vsel vm12, $0x0, v8;
	v7 =	vsel vm13, $0x0, v7;
	v5 =	vsel vm14, $0x0, v5;
	v28 =	vld [tilespmem:s25+$0x2680]  }
0x8b: {  	v0 =	vadd.f32 v8, v0;
	v3 =	vadd.f32 v7, v3;
	v4 =	vsel vm15, $0x0, v4;
	v29 =	vld [tilespmem:s25+$0x2700]  }
0x8c: {  	v1 =	vadd.f32 v5, v1;
	v2 =	vadd.f32 v4, v2;
	v4 =	vsel vm7, $0x0, v9;
	v7 =	vld [tilespmem:s25+$0x2780]  }
0x8d: {  	v8 =	vsel vm8, $0x0, v11;
	v0 =	vadd.f32 v10, v0;
	v3 =	vadd.f32 v12, v3;
	v5 =	vld [tilespmem:s25+$0x2400]  }
0x8e: {  	v1 =	vadd.f32 v4, v1;
	v4 =	vsel vm3, $0x0, v14;
	v2 =	vadd.f32 v8, v2;
	v9 =	vld [tilespmem:s25+$0x2480]  }
0x8f: {  	v10 =	vsel vm2, $0x0, v15;
	v0 =	vadd.f32 v16, v0;
	v3 =	vadd.f32 v17, v3;
	v8 =	vld [tilespmem:s25+$0x2500]  }
0x90: {  	v1 =	vadd.f32 v4, v1;
	v4 =	vsel vm1, $0x0, v21;
	v2 =	vadd.f32 v10, v2;
	v11 =	vld [tilespmem:s25+$0x2580]  }
0x91: {  	v12 =	vsel vm0, $0x0, v23;
	v0 =	vadd.f32 v26, v0;
	v3 =	vadd.f32 v24, v3;
	v10 =	vld [tilespmem:s25+$0x200]  }
0x92: {  	v1 =	vadd.f32 v4, v1;
	v2 =	vadd.f32 v12, v2;
	v14 =	vld [tilespmem:s25+$0x280]  }
0x93: {  	vm4 =	veq.s32 v33, $0x14;
	v4 =	vld [tilespmem:s25+$0x300]  }
0x94: {  	vm5 =	veq.s32 v34, $0x14;
	vm0 =	veq.s32 v36, $0x14;
	vm1 =	veq.s32 v50, $0x14;
	v12 =	vld [tilespmem:s30+$0x0]  }
0x95: {  	vm9 =	veq.s32 v35, $0x14;
	vm6 =	veq.s32 v39, $0x14;
	vm3 =	veq.s32 v43, $0x14;
	v15 =	vld [tilespmem:s25+$0x0]  }
0x96: {  	vm2 =	veq.s32 v45, $0x14;
	v17 =	vadd.f32 v27, v6;
	v21 =	vadd.f32 v28, v6;
	v16 =	vld [tilespmem:s25+$0x80]  }
0x97: {  	vm10 =	veq.s32 v25, $0x14;
	v24 =	vadd.f32 v29, v6;
	v7 =	vadd.f32 v7, v6;
	v23 =	vld [tilespmem:s25+$0x100]  }
0x98: {  	vm11 =	veq.s32 v22, $0x14;
	v5 =	vadd.f32 v5, v6;
	v9 =	vadd.f32 v9, v6;
	v25 =	vld [tilespmem:s25+$0x180]  }
0x99: {  	vm7 =	veq.s32 v18, $0x14;
	v8 =	vadd.f32 v8, v6;
	v11 =	vadd.f32 v11, v6;
	v18 =	vld [tilespmem:s25+$0x6E00]  }
0x9a: {  	vm8 =	veq.s32 v13, $0x14;
	v10 =	vadd.f32 v10, v6;
	v14 =	vadd.f32 v14, v6;
	v13 =	vld [tilespmem:s25+$0x6E80]  }
0x9b: {  	vm12 =	veq.s32 v19, $0x14;
	v4 =	vadd.f32 v4, v6;
	v12 =	vadd.f32 v12, v6;
	v19 =	vld [tilespmem:s25+$0x6F00]  }
0x9c: {  	vm13 =	veq.s32 v20, $0x14;
	v15 =	vadd.f32 v15, v6;
	v16 =	vadd.f32 v16, v6;
	v20 =	vld [tilespmem:s25+$0x6F80]  }
0x9d: {  	v17 =	vmax.f32 v17, $0.0e+00;
	v22 =	vadd.f32 v23, v6;
	v6 =	vadd.f32 v25, v6;
	v23 =	vld [tilespmem:s25+$0x6C00]  }
0x9e: {  	v21 =	vmax.f32 v21, $0.0e+00;
	v24 =	vmax.f32 v24, $0.0e+00;
	v7 =	vmax.f32 v7, $0.0e+00;
	v25 =	vld [tilespmem:s25+$0x6C80]  }
0x9f: {  	v5 =	vmax.f32 v5, $0.0e+00;
	v9 =	vmax.f32 v9, $0.0e+00;
	v8 =	vmax.f32 v8, $0.0e+00;
	v26 =	vld [tilespmem:s25+$0x6D00]  }
0xa0: {  	v11 =	vmax.f32 v11, $0.0e+00;
	v10 =	vmax.f32 v10, $0.0e+00;
	v14 =	vmax.f32 v14, $0.0e+00;
	v27 =	vld [tilespmem:s25+$0x6D80]  }
0xa1: {  	v4 =	vmax.f32 v4, $0.0e+00;
	v12 =	vmax.f32 v12, $0.0e+00;
	v15 =	vmax.f32 v15, $0.0e+00;
	v28 =	vld [tilespmem:s25+$0x4A00]  }
0xa2: {  	v16 =	vmax.f32 v16, $0.0e+00;
	v22 =	vmax.f32 v22, $0.0e+00;
	v6 =	vmax.f32 v6, $0.0e+00;
	v29 =	vld [tilespmem:s25+$0x4A80]  }
0xa3: {  	v17 =	vmin.f32 v17, $3.000000000e+02;
	v21 =	vmin.f32 v21, $3.000000000e+02;
	v24 =	vmin.f32 v24, $3.000000000e+02;
	v30 =	vld [tilespmem:s25+$0x4B00]  }
0xa4: {  	v7 =	vmin.f32 v7, $3.000000000e+02;
	v5 =	vmin.f32 v5, $3.000000000e+02;
	v9 =	vmin.f32 v9, $3.000000000e+02;
	v31 =	vld [tilespmem:s30+$0x4800]  }
0xa5: {  	v8 =	vmin.f32 v8, $3.000000000e+02;
	v11 =	vmin.f32 v11, $3.000000000e+02;
	v10 =	vmin.f32 v10, $3.000000000e+02;
	v32 =	vld [tilespmem:s25+$0x4800]  }
0xa6: {  	v14 =	vmin.f32 v14, $3.000000000e+02;
	v17 =	vsub.f32 v17, v18;
	v13 =	vsub.f32 v21, v13;
	v33 =	vld [tilespmem:s25+$0x4880]  }
0xa7: {  	v4 =	vmin.f32 v4, $3.000000000e+02;
	v19 =	vsub.f32 v24, v19;
	v7 =	vsub.f32 v7, v20;
	v18 =	vld [tilespmem:s25+$0x4900]  }
0xa8: {  	v12 =	vmin.f32 v12, $3.000000000e+02;
	v5 =	vsub.f32 v5, v23;
	v9 =	vsub.f32 v9, v25;
	v20 =	vld [tilespmem:s25+$0x4980]  }
0xa9: {  	v15 =	vmin.f32 v15, $3.000000000e+02;
	v8 =	vsub.f32 v8, v26;
	v11 =	vsub.f32 v11, v27  }
0xaa: {  	v16 =	vmin.f32 v16, $3.000000000e+02;
	v10 =	vsub.f32 v10, v28;
	v14 =	vsub.f32 v14, v29  }
0xab: {  	v21 =	vmin.f32 v22, $3.000000000e+02;
	v4 =	vsub.f32 v4, v30;
	v12 =	vsub.f32 v12, v31  }
0xac: {  	v6 =	vmin.f32 v6, $3.000000000e+02;
	v15 =	vsub.f32 v15, v32;
	v16 =	vsub.f32 v16, v33  }
0xad: {  	v31 =	vand.u32 $0x7FFFFFFF, v17;
	v21 =	vsub.f32 v21, v18;
	v6 =	vsub.f32 v6, v20  }
0xae: {  	v29 =	vand.u32 $0x7FFFFFFF, v7;
	v30 =	vand.u32 $0x7FFFFFFF, v19;
	v32 =	vand.u32 $0x7FFFFFFF, v13  }
0xaf: {  	v27 =	vand.u32 $0x7FFFFFFF, v5;
	v25 =	vand.u32 $0x7FFFFFFF, v9;
	v22 =	vand.u32 $0x7FFFFFFF, v8  }
0xb0: {  	v26 =	vand.u32 $0x7FFFFFFF, v11;
	v18 =	vand.u32 $0x7FFFFFFF, v14;
	v20 =	vand.u32 $0x7FFFFFFF, v10  }
0xb1: {  	v19 =	vand.u32 $0x7FFFFFFF, v4;
	v13 =	vand.u32 $0x7FFFFFFF, v12;
	v8 =	vand.u32 $0x7FFFFFFF, v15  }
0xb2: {  	v7 =	vand.u32 $0x7FFFFFFF, v16;
	v5 =	vand.u32 $0x7FFFFFFF, v21;
	v4 =	vand.u32 $0x7FFFFFFF, v6  }
.Ltmp1:
0xb3: {  	v28 =	vmin.f32 v31, $1.000000000e+00;
	v24 =	vmin.f32 v32, $1.000000000e+00;
	v21 =	vmin.f32 v30, $1.000000000e+00;
	(pc) =	sbr.rel @p0 .LBB2_2-.Ltmp1, $4  }
0xb4: {  	v23 =	vmin.f32 v29, $1.000000000e+00;
	v17 =	vmin.f32 v25, $1.000000000e+00;
	v16 =	vmin.f32 v27, $1.000000000e+00  }
0xb5: {  	v14 =	vmin.f32 v22, $1.000000000e+00;
	v15 =	vmin.f32 v26, $1.000000000e+00;
	v10 =	vmin.f32 v20, $1.000000000e+00  }
0xb6: {  	v9 =	vmin.f32 v19, $1.000000000e+00;
	v36 =	vmul.f32 $5.000000000e-01, v28;
	v12 =	vmin.f32 v18, $1.000000000e+00  }
0xb7: {  	s28 =	sadd.s32 $0x10, s28;
	s26 =	sadd.s32 $0x80, s26;
	s29 =	sadd.s32 $0x10, s29;
	v11 =	vmin.f32 v13, $1.000000000e+00;
	v37 =	vmul.f32 $5.000000000e-01, v24;
	v35 =	vmul.f32 $5.000000000e-01, v21  }
.LBB2_3:
0xb8: {  	v33 =	vld [tilespmem:s25+$0x9100]  }
0xb9: {  	v34 =	vld [tilespmem:s25+$0x9180];
	_ =	swait.ge [sflag:s21], $0x2000  }
0xba: {  	[sflag:s21] =	ssyncset.done $0x0  }
0xbb: {  	[sflag:s21] =	ssyncadd.s32 $0xFFFFE000  }
0xbc: {  	_ =	swait.ge [sflag:s21], $0x2000  }
0xbd: {  	[sflag:s21] =	ssyncset.done $0x0  }
0xbe: {  	[sflag:s21] =	ssyncadd.s32 $0xFFFFE000  }
0xbf: {  	s31 =	simm.s32 $0x280;
	_ =	swait.ge [sflag:s21], $0x2000  }
0xc0: {  	v38 =	vmin.f32 v8, $1.000000000e+00;
	v39 =	vmul.f32 $5.000000000e-01, v16;
	v40 =	vmul.f32 $5.000000000e-01, v23;
	s26 =	simm.s32 $0x1400;
	s28 =	simm.s32 $0xDA80;
	[sflag:s21] =	ssyncset.done $0x0  }
0xc1: {  	v41 =	vmin.f32 v7, $1.000000000e+00;
	v42 =	vmul.f32 $5.000000000e-01, v17;
	v43 =	vmul.f32 $5.000000000e-01, v14;
	s25 =	sand.u32 $0x70, s31;
	s26 =	sand.u32 $0x3C00, s26;
	[sflag:s21] =	ssyncadd.s32 $0xFFFFE000  }
0xc2: {  	v44 =	vmin.f32 v5, $1.000000000e+00;
	v45 =	vmul.f32 $5.000000000e-01, v10;
	v46 =	vmul.f32 $5.000000000e-01, v15;
	s26 =	sor.u32 s25, s26;
	v6 =	vld [tilespmem:s28+$0x0]  }
0xc3: {  	v47 =	vmin.f32 v4, $1.000000000e+00;
	v48 =	vmul.f32 $5.000000000e-01, v12;
	v31 =	vsub.f32 v31, v36;
	v63 =	vld [tilespmem:s26+$0xB600]  }
0xc4: {  	v52 =	vmul.f32 $5.000000000e-01, v9;
	v54 =	vmul.f32 $5.000000000e-01, v11;
	v32 =	vsub.f32 v32, v37;
	v53 =	vld [tilespmem:s26+$0xB680]  }
0xc5: {  	v30 =	vsub.f32 v30, v35;
	v56 =	vmul.f32 $5.000000000e-01, v38;
	v58 =	vmul.f32 $5.000000000e-01, v41;
	v55 =	vld [tilespmem:s26+$0xB700]  }
0xc6: {  	v60 =	vmul.f32 $5.000000000e-01, v44;
	v29 =	vsub.f32 v29, v40;
	v27 =	vsub.f32 v27, v39;
	v57 =	vld [tilespmem:s26+$0xB780]  }
0xc7: {  	v61 =	vmul.f32 $5.000000000e-01, v47;
	v25 =	vsub.f32 v25, v42;
	v22 =	vsub.f32 v22, v43;
	v59 =	vld [tilespmem:s26+$0xB400]  }
0xc8: {  	v26 =	vsub.f32 v26, v46;
	v20 =	vsub.f32 v20, v45;
	v28 =	vmul.f32 v31, v28;
	v31 =	vld [tilespmem:s26+$0xB480]  }
0xc9: {  	v18 =	vsub.f32 v18, v48;
	v19 =	vsub.f32 v19, v52;
	v24 =	vmul.f32 v32, v24;
	v62 =	vld [tilespmem:s26+$0xB500]  }
0xca: {  	v13 =	vsub.f32 v13, v54;
	v21 =	vmul.f32 v30, v21;
	v23 =	vmul.f32 v29, v23;
	v29 =	vld [tilespmem:s26+$0xB580]  }
0xcb: {  	v8 =	vsub.f32 v8, v56;
	v16 =	vmul.f32 v27, v16;
	v17 =	vmul.f32 v25, v17;
	v25 =	vld [tilespmem:s26+$0x9200]  }
0xcc: {  	v7 =	vsub.f32 v7, v58;
	v14 =	vmul.f32 v22, v14;
	v15 =	vmul.f32 v26, v15;
	v22 =	vld [tilespmem:s26+$0x9280]  }
0xcd: {  	v5 =	vsub.f32 v5, v60;
	v10 =	vmul.f32 v20, v10;
	v12 =	vmul.f32 v18, v12;
	v18 =	vld [tilespmem:s26+$0x9300]  }
0xce: {  	v4 =	vsub.f32 v4, v61;
	v9 =	vmul.f32 v19, v9;
	v11 =	vmul.f32 v13, v11;
	v13 =	vld [tilespmem:s26+$0x9000]  }
0xcf: {  	v26 =	vsel vm4, $0x0, v28;
	v8 =	vmul.f32 v8, v38;
	v7 =	vmul.f32 v7, v41;
	v19 =	vld [tilespmem:s26+$0x9080]  }
0xd0: {  	vm14 =	veq.s32 v33, $0x14;
	v5 =	vmul.f32 v5, v44;
	v4 =	vmul.f32 v4, v47;
	v20 =	vld [tilespmem:s26+$0x9100]  }
0xd1: {  	vm15 =	veq.s32 v34, $0x14;
	v24 =	vsel vm5, $0x0, v24;
	v16 =	vsel vm9, $0x0, v16;
	v27 =	vld [tilespmem:s26+$0x9180]  }
0xd2: {  	v10 =	vsel vm10, $0x0, v10;
	v12 =	vsel vm11, $0x0, v12;
	v17 =	vsel vm6, $0x0, v17;
	v28 =	vld [tilespmem:s26+$0x2600]  }
0xd3: {  	v8 =	vsel vm12, $0x0, v8;
	v7 =	vsel vm13, $0x0, v7;
	v5 =	vsel vm14, $0x0, v5;
	v30 =	vld [tilespmem:s26+$0x2680]  }
0xd4: {  	v4 =	vsel vm15, $0x0, v4;
	v0 =	vadd.f32 v8, v0;
	v3 =	vadd.f32 v7, v3;
	v7 =	vld [tilespmem:s26+$0x2700]  }
0xd5: {  	v1 =	vadd.f32 v5, v1;
	v2 =	vadd.f32 v4, v2;
	v4 =	vsel vm7, $0x0, v9;
	v5 =	vld [tilespmem:s26+$0x2780]  }
0xd6: {  	v8 =	vsel vm8, $0x0, v11;
	v9 =	vld [tilespmem:s26+$0x2400];
	v0 =	vadd.f32 v10, v0;
	v3 =	vadd.f32 v12, v3  }
0xd7: {  	v11 =	vld [tilespmem:s26+$0x2500];
	v1 =	vadd.f32 v4, v1;
	v2 =	vadd.f32 v8, v2;
	v4 =	vsel vm3, $0x0, v14  }
0xd8: {  	v8 =	vld [tilespmem:s26+$0x2480];
	v10 =	vsel vm2, $0x0, v15;
	v0 =	vadd.f32 v16, v0;
	v3 =	vadd.f32 v17, v3  }
0xd9: {  	v12 =	vsel vm1, $0x0, v21;
	v14 =	vld [tilespmem:s26+$0x2580];
	v4 =	vadd.f32 v4, v1;
	v10 =	vadd.f32 v10, v2  }
0xda: {  	v15 =	vld [tilespmem:s26+$0x200];
	v1 =	vadd.f32 v26, v0;
	v2 =	vadd.f32 v24, v3;
	v0 =	vsel vm0, $0x0, v23  }
0xdb: {  	v21 =	vld [tilespmem:s26+$0x100];
	v3 =	vadd.f32 v12, v4;
	vm5 =	veq.s32 v63, $0x14;
	vm4 =	veq.s32 v53, $0x14  }
0xdc: {  	v16 =	vld [tilespmem:s26+$0x80];
	vm1 =	veq.s32 v55, $0x14;
	vm0 =	veq.s32 v57, $0x14;
	vm7 =	veq.s32 v59, $0x14  }
0xdd: {  	v4 =	vld [tilespmem:s26+$0x280];
	vm8 =	veq.s32 v31, $0x14;
	vm3 =	veq.s32 v62, $0x14;
	vm9 =	veq.s32 v25, $0x14  }
0xde: {  	v12 =	vld [tilespmem:s26+$0x0];
	vm2 =	veq.s32 v29, $0x14;
	v17 =	vadd.f32 v28, v6;
	vm10 =	veq.s32 v22, $0x14  }
0xdf: {  	s25 =	simm.s32 $0x0;
	v22 =	vadd.f32 v30, v6;
	v7 =	vadd.f32 v7, v6;
	v23 =	vld [tilespmem:s26+$0x180];
	vm6 =	veq.s32 v18, $0x14  }
0xe0: {  	s28 =	sand.u32 $0x7, s25;
	v9 =	vadd.f32 v9, v6;
	v5 =	vadd.f32 v5, v6;
	vm11 =	veq.s32 v13, $0x14;
	v13 =	vld [tilespmem:s26+$0x6E00]  }
0xe1: {  	s28 =	sshll.u32 s28, $0x4;
	v11 =	vadd.f32 v11, v6;
	vm12 =	veq.s32 v19, $0x14;
	v18 =	vld [tilespmem:s26+$0x6E80];
	v0 =	vadd.f32 v0, v10  }
0xe2: {  	s28 =	sadd.s32 $0x1400, s28;
	vm13 =	veq.s32 v20, $0x14;
	v19 =	vld [tilespmem:s26+$0x6F00];
	v8 =	vadd.f32 v8, v6;
	v15 =	vadd.f32 v15, v6  }
0xe3: {  	s30 =	sor.u32 $0x380, s28;
	vm14 =	veq.s32 v27, $0x14;
	v20 =	vld [tilespmem:s26+$0x6F80];
	v14 =	vadd.f32 v14, v6;
	v21 =	vadd.f32 v21, v6  }
0xe4: {  	v24 =	vld [tilespmem:s30+$0x0];
	v17 =	vmax.f32 v17, $0.0e+00;
	v22 =	vmax.f32 v22, $0.0e+00;
	v7 =	vmax.f32 v7, $0.0e+00  }
0xe5: {  	v25 =	vld [tilespmem:s26+$0x6C00];
	v5 =	vmax.f32 v5, $0.0e+00;
	v9 =	vmax.f32 v9, $0.0e+00;
	v11 =	vmax.f32 v11, $0.0e+00  }
0xe6: {  	v26 =	vld [tilespmem:s26+$0x6C80];
	v16 =	vadd.f32 v16, v6;
	v8 =	vmax.f32 v8, $0.0e+00;
	v15 =	vmax.f32 v15, $0.0e+00  }
0xe7: {  	v27 =	vld [tilespmem:s26+$0x6D00];
	v14 =	vmax.f32 v14, $0.0e+00;
	v21 =	vmax.f32 v21, $0.0e+00;
	v17 =	vmin.f32 v17, $3.000000000e+02  }
0xe8: {  	v28 =	vld [tilespmem:s26+$0x6D80];
	v22 =	vmin.f32 v22, $3.000000000e+02;
	v7 =	vmin.f32 v7, $3.000000000e+02;
	v9 =	vmin.f32 v9, $3.000000000e+02  }
0xe9: {  	v29 =	vld [tilespmem:s26+$0x4A00];
	v5 =	vmin.f32 v5, $3.000000000e+02;
	v4 =	vadd.f32 v4, v6;
	v12 =	vadd.f32 v12, v6  }
0xea: {  	v10 =	vld [tilespmem:s26+$0x300];
	v11 =	vmin.f32 v11, $3.000000000e+02;
	v23 =	vadd.f32 v23, v6;
	v13 =	vsub.f32 v17, v13  }
0xeb: {  	v8 =	vmin.f32 v8, $3.000000000e+02;
	v17 =	vsub.f32 v22, v18;
	v7 =	vsub.f32 v7, v19  }
0xec: {  	v63 =	vld [tilespmem:s26+$0x4880];
	v15 =	vmin.f32 v15, $3.000000000e+02;
	v5 =	vsub.f32 v5, v20;
	v9 =	vsub.f32 v9, v25  }
0xed: {  	v14 =	vmin.f32 v14, $3.000000000e+02;
	v8 =	vsub.f32 v8, v26;
	v11 =	vsub.f32 v11, v27  }
0xee: {  	v16 =	vmax.f32 v16, $0.0e+00;
	v14 =	vsub.f32 v14, v28;
	v15 =	vsub.f32 v15, v29  }
0xef: {  	v20 =	vmin.f32 v21, $3.000000000e+02;
	v10 =	vadd.f32 v10, v6;
	v6 =	vadd.f32 v24, v6  }
0xf0: {  	v30 =	vld [tilespmem:s26+$0x4B00];
	v16 =	vmin.f32 v16, $3.000000000e+02;
	v4 =	vmax.f32 v4, $0.0e+00;
	v12 =	vmax.f32 v12, $0.0e+00  }
0xf1: {  	v31 =	vld [tilespmem:s26+$0x4800];
	v23 =	vmax.f32 v23, $0.0e+00;
	v22 =	vsub.f32 v16, v63;
	v28 =	vand.u32 $0x7FFFFFFF, v13  }
0xf2: {  	v18 =	vld [tilespmem:s26+$0x4900];
	v26 =	vand.u32 $0x7FFFFFFF, v17;
	v27 =	vand.u32 $0x7FFFFFFF, v7;
	v25 =	vand.u32 $0x7FFFFFFF, v9  }
0xf3: {  	v19 =	vld [tilespmem:s26+$0x4980];
	v17 =	vand.u32 $0x7FFFFFFF, v8;
	v15 =	vand.u32 $0x7FFFFFFF, v15;
	v16 =	vand.u32 $0x7FFFFFFF, v14  }
0xf4: {  	v24 =	vld [tilespmem:s26+$0x4A80];
	v10 =	vmax.f32 v10, $0.0e+00;
	v4 =	vmin.f32 v4, $3.000000000e+02;
	v12 =	vmin.f32 v12, $3.000000000e+02  }
0xf5: {  	v21 =	vmin.f32 v23, $3.000000000e+02;
	v6 =	vmax.f32 v6, $0.0e+00;
	v29 =	vmin.f32 v28, $1.000000000e+00  }
0xf6: {  	v10 =	vmin.f32 v10, $3.000000000e+02;
	v12 =	vsub.f32 v12, v31;
	v6 =	vmin.f32 v6, $3.000000000e+02  }
0xf7: {  	v8 =	vand.u32 $0x7FFFFFFF, v22;
	v35 =	vmul.f32 $5.000000000e-01, v29;
	v10 =	vsub.f32 v10, v30  }
0xf8: {  	v20 =	vsub.f32 v20, v18;
	v19 =	vsub.f32 v21, v19;
	v21 =	vand.u32 $0x7FFFFFFF, v5  }
0xf9: {  	v23 =	vld [tilespmem:s30+$0x4800];
	v18 =	vand.u32 $0x7FFFFFFF, v11;
	v30 =	vmin.f32 v26, $1.000000000e+00;
	v4 =	vsub.f32 v4, v24  }
0xfa: {  	v9 =	vand.u32 $0x7FFFFFFF, v12;
	v24 =	vmin.f32 v27, $1.000000000e+00;
	v22 =	vmin.f32 v18, $1.000000000e+00  }
0xfb: {  	v33 =	vmul.f32 $5.000000000e-01, v30;
	v12 =	vand.u32 $0x7FFFFFFF, v10;
	v7 =	vand.u32 $0x7FFFFFFF, v20  }
0xfc: {  	v5 =	vand.u32 $0x7FFFFFFF, v19;
	v19 =	vmin.f32 v25, $1.000000000e+00;
	v20 =	vmin.f32 v17, $1.000000000e+00  }
0xfd: {  	v10 =	vmin.f32 v15, $1.000000000e+00;
	v34 =	vmul.f32 $5.000000000e-01, v24;
	v11 =	vand.u32 $0x7FFFFFFF, v4  }
0xfe: {  	v31 =	vsub.f32 v6, v23;
	v6 =	vmin.f32 v21, $1.000000000e+00;
	v23 =	vmin.f32 v16, $1.000000000e+00  }
0xff: {  	s29 =	simm.s32 $0x290;
	s28 =	simm.s32 $0xDA90;
	s26 =	simm.s32 $0x1480;
	v13 =	vmin.f32 v12, $1.000000000e+00;
	v14 =	vmin.f32 v11, $1.000000000e+00;
	v32 =	vmul.f32 $5.000000000e-01, v6  }
.LBB2_4:
0x100: {  	s31 =	sand.u32 $0x70, s29;
	s1 =	sand.u32 $0x3C00, s26;
	p0 =	sne.s32 s29, $0x470;
	v36 =	vmin.f32 v9, $1.000000000e+00;
	v37 =	vmul.f32 $5.000000000e-01, v19;
	v38 =	vmul.f32 $5.000000000e-01, v20  }
0x101: {  	v39 =	vmin.f32 v8, $1.000000000e+00;
	v40 =	vmul.f32 $5.000000000e-01, v22;
	v41 =	vmul.f32 $5.000000000e-01, v23;
	v4 =	vld [tilespmem:s28+$0x0];
	s31 =	sor.u32 s31, s1  }
0x102: {  	v43 =	vmin.f32 v7, $1.000000000e+00;
	v44 =	vmul.f32 $5.000000000e-01, v10;
	v45 =	vmul.f32 $5.000000000e-01, v14;
	v42 =	vld [tilespmem:s31+$0xB600]  }
0x103: {  	v48 =	vmin.f32 v5, $1.000000000e+00;
	v49 =	vmul.f32 $5.000000000e-01, v13;
	v47 =	vmul.f32 $5.000000000e-01, v36;
	v46 =	vld [tilespmem:s31+$0xB680]  }
0x104: {  	v28 =	vsub.f32 v28, v35;
	v51 =	vmul.f32 $5.000000000e-01, v39;
	v52 =	vmul.f32 $5.000000000e-01, v43;
	v50 =	vld [tilespmem:s31+$0xB700]  }
0x105: {  	v26 =	vsub.f32 v26, v33;
	v53 =	vmul.f32 $5.000000000e-01, v48;
	v27 =	vsub.f32 v27, v34;
	v35 =	vld [tilespmem:s31+$0xB780]  }
0x106: {  	v31 =	vand.u32 $0x7FFFFFFF, v31;
	v21 =	vsub.f32 v21, v32;
	v25 =	vsub.f32 v25, v37;
	v33 =	vld [tilespmem:s31+$0xB400]  }
0x107: {  	v34 =	vmin.f32 v31, $1.000000000e+00;
	v17 =	vsub.f32 v17, v38;
	v18 =	vsub.f32 v18, v40;
	v32 =	vld [tilespmem:s31+$0xB480]  }
0x108: {  	v15 =	vsub.f32 v15, v44;
	v38 =	vmul.f32 $5.000000000e-01, v34;
	v16 =	vsub.f32 v16, v41;
	v37 =	vld [tilespmem:s31+$0xB500]  }
0x109: {  	v11 =	vsub.f32 v11, v45;
	v28 =	vmul.f32 v28, v29;
	v26 =	vmul.f32 v26, v30;
	v40 =	vld [tilespmem:s31+$0xB580]  }
0x10a: {  	v12 =	vsub.f32 v12, v49;
	v24 =	vmul.f32 v27, v24;
	v6 =	vmul.f32 v21, v6;
	v29 =	vld [tilespmem:s30+$0x9000]  }
0x10b: {  	v9 =	vsub.f32 v9, v47;
	v19 =	vmul.f32 v25, v19;
	v17 =	vmul.f32 v17, v20;
	v21 =	vld [tilespmem:s31+$0x9200]  }
0x10c: {  	v8 =	vsub.f32 v8, v51;
	v18 =	vmul.f32 v18, v22;
	v16 =	vmul.f32 v16, v23;
	v20 =	vld [tilespmem:s31+$0x9280]  }
0x10d: {  	v7 =	vsub.f32 v7, v52;
	v10 =	vmul.f32 v15, v10;
	v11 =	vmul.f32 v11, v14;
	v22 =	vld [tilespmem:s31+$0x9300]  }
0x10e: {  	v5 =	vsub.f32 v5, v53;
	v12 =	vmul.f32 v12, v13;
	v9 =	vmul.f32 v9, v36;
	v14 =	vld [tilespmem:s31+$0x9000]  }
0x10f: {  	v8 =	vmul.f32 v8, v39;
	v7 =	vmul.f32 v7, v43;
	v13 =	vld [tilespmem:s31+$0x9080];
	vm15 =	veq.s32 v29, $0x14  }
0x110: {  	v23 =	vsub.f32 v31, v38;
	v25 =	vsel vm5, $0x0, v28;
	v5 =	vmul.f32 v5, v48;
	v15 =	vld [tilespmem:s31+$0x9100]  }
0x111: {  	v26 =	vsel vm4, $0x0, v26;
	v19 =	vsel vm7, $0x0, v19;
	v17 =	vsel vm8, $0x0, v17;
	v27 =	vld [tilespmem:s31+$0x9180]  }
0x112: {  	v10 =	vsel vm9, $0x0, v10;
	v11 =	vsel vm10, $0x0, v11;
	v9 =	vsel vm11, $0x0, v9;
	v28 =	vld [tilespmem:s31+$0x2600]  }
0x113: {  	v8 =	vsel vm12, $0x0, v8;
	v7 =	vsel vm13, $0x0, v7;
	v5 =	vsel vm14, $0x0, v5;
	v29 =	vld [tilespmem:s31+$0x2680]  }
0x114: {  	v1 =	vadd.f32 v9, v1;
	v2 =	vadd.f32 v8, v2;
	v8 =	vmul.f32 v23, v34;
	v30 =	vld [tilespmem:s31+$0x2700]  }
0x115: {  	v3 =	vadd.f32 v7, v3;
	v0 =	vadd.f32 v5, v0;
	v5 =	vsel vm6, $0x0, v12;
	v9 =	vld [tilespmem:s31+$0x2780]  }
0x116: {  	v1 =	vadd.f32 v10, v1;
	v2 =	vadd.f32 v11, v2;
	v8 =	vsel vm15, $0x0, v8;
	v7 =	vld [tilespmem:s31+$0x2400]  }
0x117: {  	v3 =	vadd.f32 v5, v3;
	v5 =	vsel vm3, $0x0, v18;
	v0 =	vadd.f32 v8, v0;
	v10 =	vld [tilespmem:s31+$0x2480]  }
0x118: {  	v11 =	vsel vm2, $0x0, v16;
	v1 =	vadd.f32 v19, v1;
	v2 =	vadd.f32 v17, v2;
	v8 =	vld [tilespmem:s31+$0x2500]  }
0x119: {  	v3 =	vadd.f32 v5, v3;
	v5 =	vsel vm1, $0x0, v24;
	v0 =	vadd.f32 v11, v0;
	v12 =	vld [tilespmem:s31+$0x2580]  }
0x11a: {  	v6 =	vsel vm0, $0x0, v6;
	v1 =	vadd.f32 v25, v1;
	v2 =	vadd.f32 v26, v2;
	v11 =	vld [tilespmem:s31+$0x200]  }
0x11b: {  	vm5 =	veq.s32 v42, $0x14;
	v3 =	vadd.f32 v5, v3;
	v0 =	vadd.f32 v6, v0;
	v16 =	vld [tilespmem:s31+$0x280]  }
0x11c: {  	vm4 =	veq.s32 v46, $0x14;
	vm0 =	veq.s32 v35, $0x14;
	vm1 =	veq.s32 v50, $0x14;
	v5 =	vld [tilespmem:s31+$0x300]  }
0x11d: {  	vm7 =	veq.s32 v33, $0x14;
	vm8 =	veq.s32 v32, $0x14;
	vm3 =	veq.s32 v37, $0x14;
	v6 =	vld [tilespmem:s31+$0x0]  }
0x11e: {  	vm2 =	veq.s32 v40, $0x14;
	vm9 =	veq.s32 v21, $0x14;
	v18 =	vadd.f32 v28, v4;
	v17 =	vld [tilespmem:s31+$0x80]  }
0x11f: {  	vm10 =	veq.s32 v20, $0x14;
	v20 =	vadd.f32 v29, v4;
	v21 =	vadd.f32 v30, v4;
	v19 =	vld [tilespmem:s31+$0x100]  }
0x120: {  	s25 =	sadd.s32 $0x1, s25;
	vm6 =	veq.s32 v22, $0x14;
	v9 =	vadd.f32 v9, v4;
	v7 =	vadd.f32 v7, v4;
	v23 =	vld [tilespmem:s31+$0x180]  }
0x121: {  	s1 =	sand.u32 $0x7, s25;
	vm11 =	veq.s32 v14, $0x14;
	v10 =	vadd.f32 v10, v4;
	v8 =	vadd.f32 v8, v4;
	v14 =	vld [tilespmem:s31+$0x6E00]  }
0x122: {  	s1 =	sshll.u32 s1, $0x4;
	vm12 =	veq.s32 v13, $0x14;
	v12 =	vadd.f32 v12, v4;
	v11 =	vadd.f32 v11, v4;
	v13 =	vld [tilespmem:s31+$0x6E80]  }
0x123: {  	s1 =	sadd.s32 s1, s26;
	vm13 =	veq.s32 v15, $0x14;
	v15 =	vadd.f32 v16, v4;
	v5 =	vadd.f32 v5, v4;
	v16 =	vld [tilespmem:s31+$0x6F00]  }
0x124: {  	s30 =	sor.u32 $0x380, s1;
	vm14 =	veq.s32 v27, $0x14;
	v6 =	vadd.f32 v6, v4;
	v17 =	vadd.f32 v17, v4;
	v22 =	vld [tilespmem:s31+$0x6F80]  }
0x125: {  	v18 =	vmax.f32 v18, $0.0e+00;
	v19 =	vadd.f32 v19, v4;
	v23 =	vadd.f32 v23, v4;
	v24 =	vld [tilespmem:s30+$0x0]  }
0x126: {  	v20 =	vmax.f32 v20, $0.0e+00;
	v21 =	vmax.f32 v21, $0.0e+00;
	v9 =	vmax.f32 v9, $0.0e+00;
	v25 =	vld [tilespmem:s31+$0x6C00]  }
0x127: {  	v7 =	vmax.f32 v7, $0.0e+00;
	v10 =	vmax.f32 v10, $0.0e+00;
	v8 =	vmax.f32 v8, $0.0e+00;
	v26 =	vld [tilespmem:s31+$0x6C80]  }
0x128: {  	v12 =	vmax.f32 v12, $0.0e+00;
	v11 =	vmax.f32 v11, $0.0e+00;
	v15 =	vmax.f32 v15, $0.0e+00;
	v27 =	vld [tilespmem:s31+$0x6D00]  }
0x129: {  	v5 =	vmax.f32 v5, $0.0e+00;
	v6 =	vmax.f32 v6, $0.0e+00;
	v17 =	vmax.f32 v17, $0.0e+00;
	v28 =	vld [tilespmem:s31+$0x6D80]  }
0x12a: {  	v19 =	vmax.f32 v19, $0.0e+00;
	v23 =	vmax.f32 v23, $0.0e+00;
	v29 =	vld [tilespmem:s31+$0x4A00];
	v4 =	vadd.f32 v24, v4  }
0x12b: {  	v18 =	vmin.f32 v18, $3.000000000e+02;
	v20 =	vmin.f32 v20, $3.000000000e+02;
	v21 =	vmin.f32 v21, $3.000000000e+02;
	v24 =	vld [tilespmem:s31+$0x4A80]  }
0x12c: {  	v9 =	vmin.f32 v9, $3.000000000e+02;
	v7 =	vmin.f32 v7, $3.000000000e+02;
	v10 =	vmin.f32 v10, $3.000000000e+02;
	v30 =	vld [tilespmem:s31+$0x4B00]  }
0x12d: {  	v8 =	vmin.f32 v8, $3.000000000e+02;
	v12 =	vmin.f32 v12, $3.000000000e+02;
	v11 =	vmin.f32 v11, $3.000000000e+02;
	v31 =	vld [tilespmem:s31+$0x4800]  }
0x12e: {  	v15 =	vmin.f32 v15, $3.000000000e+02;
	v14 =	vsub.f32 v18, v14;
	v13 =	vsub.f32 v20, v13;
	v32 =	vld [tilespmem:s31+$0x4880]  }
0x12f: {  	v5 =	vmin.f32 v5, $3.000000000e+02;
	v16 =	vsub.f32 v21, v16;
	v9 =	vsub.f32 v9, v22;
	v18 =	vld [tilespmem:s31+$0x4900]  }
0x130: {  	v6 =	vmin.f32 v6, $3.000000000e+02;
	v7 =	vsub.f32 v7, v25;
	v10 =	vsub.f32 v10, v26;
	v20 =	vld [tilespmem:s31+$0x4980]  }
0x131: {  	v17 =	vmin.f32 v17, $3.000000000e+02;
	v8 =	vsub.f32 v8, v27;
	v12 =	vsub.f32 v12, v28  }
0x132: {  	v19 =	vmin.f32 v19, $3.000000000e+02;
	v11 =	vsub.f32 v11, v29;
	v22 =	vsub.f32 v15, v24  }
0x133: {  	v15 =	vmin.f32 v23, $3.000000000e+02;
	v5 =	vsub.f32 v5, v30;
	v6 =	vsub.f32 v6, v31  }
0x134: {  	v4 =	vmax.f32 v4, $0.0e+00;
	v23 =	vsub.f32 v17, v32;
	v19 =	vsub.f32 v19, v18  }
0x135: {  	v4 =	vmin.f32 v4, $3.000000000e+02;
	v28 =	vand.u32 $0x7FFFFFFF, v14;
	v20 =	vsub.f32 v15, v20;
	v24 =	vld [tilespmem:s30+$0x4800]  }
0x136: {  	v21 =	vand.u32 $0x7FFFFFFF, v9;
	v26 =	vand.u32 $0x7FFFFFFF, v13;
	v27 =	vand.u32 $0x7FFFFFFF, v16  }
0x137: {  	v25 =	vand.u32 $0x7FFFFFFF, v7;
	v17 =	vand.u32 $0x7FFFFFFF, v10;
	v18 =	vand.u32 $0x7FFFFFFF, v8  }
0x138: {  	v16 =	vand.u32 $0x7FFFFFFF, v12;
	v15 =	vand.u32 $0x7FFFFFFF, v11;
	v11 =	vand.u32 $0x7FFFFFFF, v22  }
0x139: {  	v12 =	vand.u32 $0x7FFFFFFF, v5;
	v9 =	vand.u32 $0x7FFFFFFF, v6;
	v8 =	vand.u32 $0x7FFFFFFF, v23  }
0x13a: {  	v7 =	vand.u32 $0x7FFFFFFF, v19;
	v5 =	vand.u32 $0x7FFFFFFF, v20;
	v31 =	vsub.f32 v4, v24  }
.Ltmp2:
0x13b: {  	v29 =	vmin.f32 v28, $1.000000000e+00;
	v30 =	vmin.f32 v26, $1.000000000e+00;
	v24 =	vmin.f32 v27, $1.000000000e+00;
	(pc) =	sbr.rel @p0 .LBB2_4-.Ltmp2, $4  }
0x13c: {  	v6 =	vmin.f32 v21, $1.000000000e+00;
	v19 =	vmin.f32 v25, $1.000000000e+00;
	v20 =	vmin.f32 v17, $1.000000000e+00  }
0x13d: {  	v22 =	vmin.f32 v18, $1.000000000e+00;
	v23 =	vmin.f32 v16, $1.000000000e+00;
	v10 =	vmin.f32 v15, $1.000000000e+00  }
0x13e: {  	v35 =	vmul.f32 $5.000000000e-01, v29;
	v33 =	vmul.f32 $5.000000000e-01, v30;
	v14 =	vmin.f32 v11, $1.000000000e+00  }
0x13f: {  	s29 =	sadd.s32 $0x10, s29;
	s28 =	sadd.s32 $0x10, s28;
	s26 =	sadd.s32 $0x80, s26;
	v13 =	vmin.f32 v12, $1.000000000e+00;
	v32 =	vmul.f32 $5.000000000e-01, v6;
	v34 =	vmul.f32 $5.000000000e-01, v24  }
0x140: {  	v4 =	vmul.f32 $5.000000000e-01, v19;
	v36 =	vmul.f32 $5.000000000e-01, v20  }
0x141: {  	v37 =	vmin.f32 v9, $1.000000000e+00;
	v38 =	vmul.f32 $5.000000000e-01, v22;
	v39 =	vmul.f32 $5.000000000e-01, v23  }
0x142: {  	v40 =	vmin.f32 v8, $1.000000000e+00;
	v41 =	vmul.f32 $5.000000000e-01, v10;
	v42 =	vmul.f32 $5.000000000e-01, v14  }
0x143: {  	v43 =	vmin.f32 v7, $1.000000000e+00;
	v45 =	vmul.f32 $5.000000000e-01, v13;
	v46 =	vmin.f32 v5, $1.000000000e+00  }
0x144: {  	v28 =	vsub.f32 v28, v35;
	v26 =	vsub.f32 v26, v33;
	v44 =	vmul.f32 $5.000000000e-01, v37  }
0x145: {  	v31 =	vand.u32 $0x7FFFFFFF, v31;
	v47 =	vmul.f32 $5.000000000e-01, v40;
	v48 =	vmul.f32 $5.000000000e-01, v43  }
0x146: {  	v62 =	vmul.f32 $5.000000000e-01, v46;
	v27 =	vsub.f32 v27, v34;
	v21 =	vsub.f32 v21, v32  }
0x147: {  	v63 =	vmin.f32 v31, $1.000000000e+00;
	v4 =	vsub.f32 v25, v4;
	v17 =	vsub.f32 v17, v36  }
0x148: {  	v18 =	vsub.f32 v18, v38;
	v15 =	vsub.f32 v15, v41;
	v41 =	vmul.f32 $5.000000000e-01, v63  }
0x149: {  	v16 =	vsub.f32 v16, v39;
	v11 =	vsub.f32 v11, v42;
	v28 =	vmul.f32 v28, v29  }
0x14a: {  	v26 =	vmul.f32 v26, v30;
	v12 =	vsub.f32 v12, v45;
	v24 =	vmul.f32 v27, v24  }
0x14b: {  	v45 =	vsub.f32 v9, v44;
	v47 =	vsub.f32 v8, v47;
	v4 =	vmul.f32 v4, v19  }
0x14c: {  	v49 =	vsub.f32 v7, v48;
	v17 =	vmul.f32 v17, v20;
	v18 =	vmul.f32 v18, v22  }
0x14d: {  	v51 =	vsub.f32 v5, v62;
	v16 =	vmul.f32 v16, v23;
	v50 =	vmul.f32 v15, v10  }
0x14e: {  	v11 =	vmul.f32 v11, v14;
	v12 =	vmul.f32 v12, v13;
	v52 =	vsub.f32 v31, v41  }
0x14f: {  	v53 =	vsel vm5, $0x0, v28;
	v9 =	vmul.f32 v45, v37;
	v8 =	vmul.f32 v47, v40  }
0x150: {  	v7 =	vmul.f32 v49, v43;
	v5 =	vmul.f32 v51, v46;
	v4 =	vsel vm7, $0x0, v4  }
0x151: {  	v42 =	vld [tilespmem:s30+$0x9000];
	v54 =	vsel vm8, $0x0, v17;
	v10 =	vsel vm9, $0x0, v50;
	v11 =	vsel vm10, $0x0, v11  }
0x152: {  	v55 =	vmul.f32 v52, v63;
	v9 =	vsel vm11, $0x0, v9;
	v8 =	vsel vm12, $0x0, v8  }
0x153: {  	v7 =	vsel vm13, $0x0, v7;
	v1 =	vadd.f32 v9, v1;
	v2 =	vadd.f32 v8, v2  }
0x154: {  	v56 =	vsel vm6, $0x0, v12;
	v58 =	vsel vm3, $0x0, v18;
	v3 =	vadd.f32 v7, v3  }
0x155: {  	v5 =	vsel vm14, $0x0, v5;
	v1 =	vadd.f32 v10, v1;
	v2 =	vadd.f32 v11, v2  }
0x156: {  	vm15 =	veq.s32 v42, $0x14;
	v0 =	vadd.f32 v5, v0;
	v3 =	vadd.f32 v56, v3  }
0x157: {  	v57 =	vsel vm15, $0x0, v55;
	v1 =	vadd.f32 v4, v1;
	v2 =	vadd.f32 v54, v2  }
0x158: {  	v59 =	vsel vm4, $0x0, v26;
	v0 =	vadd.f32 v57, v0;
	v3 =	vadd.f32 v58, v3  }
0x159: {  	v60 =	vsel vm2, $0x0, v16;
	v1 =	vadd.f32 v53, v1;
	v2 =	vadd.f32 v59, v2  }
0x15a: {  	v61 =	vmul.f32 v21, v6;
	v62 =	vsel vm1, $0x0, v24;
	v0 =	vadd.f32 v60, v0  }
0x15b: {  	v3 =	vadd.f32 v62, v3;
	v1 =	vadd.f32 v2, v1  }
0x15c: {  	v63 =	vsel vm0, $0x0, v61  }
0x15d: {  	v0 =	vadd.f32 v63, v0;
	v1 =	vadd.f32 v3, v1;
	_ =	sdelay $0x1  }
0x15e: {  	s24 =	sadd.s32 $0x1, s24;
	v0 =	vadd.f32 v0, v1  }
0x15f: {  	p0 =	sne.s32 s24, s11  }
.Ltmp3:
0x160: {  	[tilespmem:$0xDC80] =	vst v0;
	(pc) =	sbr.rel @p0 .LBB2_1-.Ltmp3, $4  }
0x161: {  	[hbm4b:s10+s2] =	stream.linear.scatter [tilespmem:s22], [sflag:$0x2], $0x80, $0x38;
	[tilespmem:$0xDD00] =	vst v63  }
0x162: {  	_ =	swait.ge [sflag:s23], $0x80  }
0x163: {  	[sflag:s23] =	ssyncset.done $0x0  }
0x164: {  	[sflag:s23] =	ssyncadd.s32 $0xFFFFFF80  }
0x165: {  	_ =	sfence.sel $0x180000  }
0x166: {  	[bflag:$0x0] =	sbarrier.arrive $0xFFFF  }
0x167: {  	_ =	strace $0x90000047  }
0x168: {  	s0 =	stileid.u32;
	[bflag:$0x2] =	sbarrier.arrive $0xFFFF  }
0x169: {  	p0 =	sne.s32 s0, $0x0;
	s0 =	rddreg [dreg:$0x1]  }
0x16a: {  	s0 =	sadd.s32 @!p0 $0x100000, s0  }
0x16b: {  	[sflag:s0] =	ssyncadd.tile.s32 @!p0 $0x1;
	_ =	shalt  }
.Lfunc_end2:
_tile_overlayer_lowered:
.L_overlay_start_2:
0x16c: {  	(tag) =	ssettag $0x2  }
0x16d: {  	s0 =	rddreg [dreg:$0x0];
	s2 =	stileid.u32  }
0x16e: {  	s1 =	rddreg [dreg:$0x1];
	p0 =	sne.s32 s2, $0x0  }
0x16f: {  	s3 =	rddreg [dreg:$0x2];
	[bflag:$0x3] =	sbarrier.arrive $0xFFFF;
	s2 =	simm.s32 @!p0 $0x1C02  }
0x170: {  	[timem:s3], [sflag:s2] =	dma.local @!p0 [hbm:s0], s1  }
0x171: {  	s0 =	simm.s32 @!p0 $0x2  }
0x172: {  	_ =	swait.ge @!p0 [sflag:s0], s1  }
0x173: {  	s1 =	ssub.s32 @!p0 $0x0, s1;
	[sflag:s0] =	ssyncset.done @!p0 $0x0  }
0x174: {  	[sflag:s0] =	ssyncadd.s32 @!p0 s1  }
0x175: {  	[bflag:$0x3] =	sbarrier.arrive $0xFFFF  }
0x176: {  	_ =	shalt  }

</sc_bundles>
